<compile_context>
chip_gen: v7x
topology: tpu7x:2x2x1
jax: 0.10.2.dev20260603
libtpu: 0.0.44.dev20260713+nightly
codegen_flags: <defaults>
</compile_context>

<pallas_src>
import jax
import jax.numpy as jnp
from jax import lax
from jax.experimental import pallas as pl
from jax.experimental.pallas import tpu as pltpu
from jax.experimental.pallas import tpu_sc as plsc

N = 100000
K = 27
M = 20000
C = 128
E = K * M

NC, NS, L = 2, 16, 16
NW = NC * NS

GCH = 128
EPW = 16896
E_PAD = EPW * NW
EPS = E_PAD // NS
GSET = 3
NGRP = EPW // (GCH * GSET)
SCH = 64

R = 12544
WIN = 8
WPS = WIN // NC
N_PAD = R * WIN
RPT = R // NS
OC = 1536
NOC = EPS // OC
BT = 8
NSB = 3
RING = 4 * SCH
SENTINEL = 1 << 30

_MESH = plsc.VectorSubcoreMesh(core_axis_name="c", subcore_axis_name="s")
_PARAMS = pltpu.CompilerParams(needs_layout_passes=False)


def _gather_body(feat_hbm, idx_hbm, out_hbm, idx_v,
                 ra0, ra1, ra2, rb0, rb1, rb2,
                 sem_ga, sem_gb, sem_wa, sem_wb):
    wid = lax.axis_index("s") * NC + lax.axis_index("c")
    base = wid * EPW
    pltpu.sync_copy(idx_hbm.at[pl.ds(base, EPW)], idx_v)

    sets = ((ra0, ra1, ra2, sem_ga, sem_wa), (rb0, rb1, rb2, sem_gb, sem_wb))

    def start_g(g, s):
        r0, r1, r2, sg, _ = sets[s]
        for b, rr in enumerate((r0, r1, r2)):
            ch = g * GSET + b
            pltpu.async_copy(
                feat_hbm.at[idx_v.at[pl.ds(ch * GCH, GCH)]], rr, sg)

    def wait_g(s):
        r0, r1, r2, sg, _ = sets[s]
        for rr in (r0, r1, r2):
            pltpu.make_async_copy(feat_hbm.at[idx_v.at[pl.ds(0, GCH)]],
                                  rr, sg).wait()

    def start_w(g, s):
        r0, r1, r2, _, sw = sets[s]
        for b, rr in enumerate((r0, r1, r2)):
            ch = g * GSET + b
            pltpu.async_copy(rr, out_hbm.at[pl.ds(base + ch * GCH, GCH)], sw)

    def wait_w(s):
        r0, r1, r2, _, sw = sets[s]
        for rr in (r0, r1, r2):
            pltpu.make_async_copy(rr, out_hbm.at[pl.ds(base, GCH)], sw).wait()

    def pair(t, carry):
        for s in range(2):
            g = 2 * t + s

            @pl.when(g >= 2)
            def _():
                wait_w(s)
            start_g(g, s)

            @pl.when(g >= 1)
            def _():
                wait_g(1 - s)
                start_w(g - 1, 1 - s)
        return carry

    lax.fori_loop(0, NGRP // 2, pair, 0)
    wait_g(1)
    start_w(NGRP - 1, 1)
    wait_w(0)
    wait_w(1)


def _gather(features, idx_pad):
    f = pl.kernel(
        _gather_body,
        out_type=jax.ShapeDtypeStruct((E_PAD, C), jnp.float32),
        mesh=_MESH,
        compiler_params=_PARAMS,
        scratch_types=[pltpu.VMEM((EPW,), jnp.int32)]
        + [pltpu.VMEM((GCH, C), jnp.float32) for _ in range(6)]
        + [pltpu.SemaphoreType.DMA for _ in range(4)],
    )
    return f(features, idx_pad)


def _gemm_block(g_ref, w_ref, o_ref):
    o_ref[...] = jnp.dot(g_ref[...], w_ref[0],
                         preferred_element_type=jnp.float32)


def _gemm(gathered, weight):
    BM = 10000
    grid = (K, M // BM)
    return pl.pallas_call(
        _gemm_block,
        grid=grid,
        in_specs=[
            pl.BlockSpec((BM, C), lambda k, mb: (k * (M // BM) + mb, 0)),
            pl.BlockSpec((1, C, C), lambda k, mb: (k, 0, 0)),
        ],
        out_specs=pl.BlockSpec((BM, C), lambda k, mb: (k * (M // BM) + mb, 0)),
        out_shape=jax.ShapeDtypeStruct((E, C), jnp.float32),
    )(gathered, weight)


def _scatter_body(contrib_hbm, omap_hbm, bias_hbm, out_hbm,
                  omap_c0, omap_c1, sel_v, bias_v, bias_t,
                  pos0, row0, rows0, pos1, row1, rows1, pos2, row2, rows2,
                  acc_sh, sem_i, sem_o,
                  sem_g0, sem_g1, sem_g2, sem_s0, sem_s1, sem_s2):
    cid = lax.axis_index("c")
    sid = lax.axis_index("s")
    ebase = sid * EPS

    pltpu.sync_copy(bias_hbm, bias_v)
    for r in range(BT):
        for j in range(C // L):
            bias_t[r, pl.ds(j * L, L)] = bias_v[pl.ds(j * L, L)]

    lane = lax.iota(jnp.int32, L)
    lane14 = lane << jnp.full((L,), 14, jnp.int32)
    maskring = jnp.full((L,), RING - 1, jnp.int32)
    ebase_v = jnp.full((L,), ebase, jnp.int32)
    fourteen = jnp.full((L,), 14, jnp.int32)
    mask14 = jnp.full((L,), 16383, jnp.int32)
    dummy = jnp.full((L,), R, jnp.int32)
    ones = jnp.full((L,), 1, jnp.int32)

    omaps = (omap_c0, omap_c1)
    bufs = ((pos0, row0, rows0, sem_g0, sem_s0),
            (pos1, row1, rows1, sem_g1, sem_s1),
            (pos2, row2, rows2, sem_g2, sem_s2))

    def unpack_start(k, b):
        pos_c, row_c, rows_v, sg, _ = bufs[b]
        boff = (k & 3) * SCH
        for j in range(SCH // L):
            pk = sel_v[pl.ds(boff + j * L, L)]
            pos_c[pl.ds(j * L, L)] = (pk >> fourteen) + ebase_v
            row_c[pl.ds(j * L, L)] = pk & mask14
        pltpu.async_copy(contrib_hbm.at[pos_c], rows_v, sg)

    def wait_g(b):
        pos_c, _, rows_v, sg, _ = bufs[b]
        pltpu.make_async_copy(contrib_hbm.at[pos_c], rows_v, sg).wait()

    def start_s(b):
        _, row_c, rows_v, _, ss = bufs[b]
        pltpu.async_copy(rows_v, acc_sh.at[row_c], ss, add=True)

    def wait_s(b):
        _, row_c, rows_v, _, ss = bufs[b]
        pltpu.make_async_copy(rows_v, acc_sh.at[row_c], ss).wait()

    def flush(cnt):
        k = cnt >> 6
        kb = lax.rem(k, NSB)
        for b in range(NSB):
            @pl.when(kb == b)
            def _():
                @pl.when(k > 0)
                def _():
                    wait_g((b + NSB - 1) % NSB)
                    start_s((b + NSB - 1) % NSB)
                @pl.when(k > 2)
                def _():
                    wait_s(b)
                unpack_start(k, b)

    def append(cnt, packed, m):
        mi = m.astype(jnp.int32)
        ps = plsc.cumsum(mi)
        cnt_v = jnp.full((L,), cnt - 1, jnp.int32)
        plsc.store_scatter(sel_v, [(cnt_v + ps) & maskring], packed, mask=m)
        newcnt = cnt + ps[15]

        @pl.when((newcnt >> 6) > (cnt >> 6))
        def _():
            flush(cnt)
        return newcnt

    def load_omap(ci, which):
        pltpu.async_copy(omap_hbm.at[pl.ds(ebase + ci * OC, OC)],
                         omaps[which], sem_o)

    def wait_omap(which):
        pltpu.make_async_copy(omap_hbm.at[pl.ds(0, OC)],
                              omaps[which], sem_o).wait()

    def win_pass(p, carry):
        win = cid * WPS + p
        lo = win * R
        lo_v = jnp.full((L,), lo, jnp.int32)
        hi_v = jnp.full((L,), lo + R, jnp.int32)

        def init(i, c):
            pltpu.async_copy(bias_t, acc_sh.at[pl.ds(sid * RPT + i * BT, BT)],
                             sem_i)
            return c
        lax.fori_loop(0, RPT // BT, init, 0)
        load_omap(0, 0)

        def init_w(i, c):
            pltpu.make_async_copy(bias_t, acc_sh.at[pl.ds(0, BT)],
                                  sem_i).wait()
            return c
        lax.fori_loop(0, RPT // BT, init_w, 0)
        plsc.subcore_barrier()

        def scan_chunk(ci, cnt, which):
            wait_omap(which)

            @pl.when(ci + 1 < NOC)
            def _():
                load_omap(ci + 1, 1 - which)
            omap_c = omaps[which]

            def scan(i, cnt):
                v = omap_c[pl.ds(i * L, L)]
                m = (v >= lo_v) & (v < hi_v)
                base_v = jnp.full((L,), ci * OC, jnp.int32) + \
                    jnp.full((L,), i * L, jnp.int32)
                packed = ((base_v << fourteen) + lane14) + (v - lo_v)
                return append(cnt, packed, m)
            return lax.fori_loop(0, OC // L, scan, cnt)

        def chunk_pair(t, cnt):
            cnt = scan_chunk(2 * t, cnt, 0)
            cnt = scan_chunk(2 * t + 1, cnt, 1)
            return cnt
        cnt = lax.fori_loop(0, NOC // 2, chunk_pair, 0)

        def pad(i, cnt):
            return append(cnt, dummy, ones > 0)
        cntf = lax.fori_loop(0, SCH // L, pad, cnt)

        kf = (cntf >> 6) - 1
        kfb = lax.rem(kf, NSB)
        for b in range(NSB):
            @pl.when(kfb == b)
            def _():
                wait_g(b)
                start_s(b)
                wait_s(b)

                @pl.when(kf > 0)
                def _():
                    wait_s((b + NSB - 1) % NSB)

                @pl.when(kf > 1)
                def _():
                    wait_s((b + NSB - 2) % NSB)
        plsc.subcore_barrier()

        pltpu.sync_copy(acc_sh.at[pl.ds(sid * RPT, RPT)],
                        out_hbm.at[pl.ds(win * R + sid * RPT, RPT)])
        plsc.subcore_barrier()
        return carry

    lax.fori_loop(0, WPS, win_pass, 0)


def _scatter(contrib, omap_pad, bias):
    f = pl.kernel(
        _scatter_body,
        out_type=jax.ShapeDtypeStruct((N_PAD, C), jnp.float32),
        mesh=_MESH,
        compiler_params=_PARAMS,
        scratch_types=[
            pltpu.VMEM((OC,), jnp.int32),
            pltpu.VMEM((OC,), jnp.int32),
            pltpu.VMEM((RING,), jnp.int32),
            pltpu.VMEM((C,), jnp.float32),
            pltpu.VMEM((BT, C), jnp.float32),
            pltpu.VMEM((SCH,), jnp.int32),
            pltpu.VMEM((SCH,), jnp.int32),
            pltpu.VMEM((SCH, C), jnp.float32),
            pltpu.VMEM((SCH,), jnp.int32),
            pltpu.VMEM((SCH,), jnp.int32),
            pltpu.VMEM((SCH, C), jnp.float32),
            pltpu.VMEM((SCH,), jnp.int32),
            pltpu.VMEM((SCH,), jnp.int32),
            pltpu.VMEM((SCH, C), jnp.float32),
            pltpu.VMEM_SHARED((R + L, C), jnp.float32),
        ] + [pltpu.SemaphoreType.DMA for _ in range(8)],
    )
    return f(contrib, omap_pad, bias)


def kernel(features, in_map, out_map, weight, bias):
    im = in_map.reshape(-1)
    om = out_map.reshape(-1)
    im_pad = jnp.concatenate(
        [im, jnp.zeros((E_PAD - E,), jnp.int32)])
    om_pad = jnp.concatenate(
        [om, jnp.full((E_PAD - E,), SENTINEL, jnp.int32)])
    gathered = _gather(features, im_pad)
    contrib = _gemm(gathered, weight)
    out_pad = _scatter(contrib, om_pad, bias)
    return out_pad[:N]

# --- scband reference (transcript-rebuilt; emitter-appended) ---
"""Pipeline reference for scband-spatially-sparse-conv-11132555231814 (READ-ONLY COPY).

The authoritative reference and input builder live on the scoring server;
editing this copy changes nothing except your own understanding.
"""

import jax, jax.numpy as jnp
import numpy as np

N = 100000      # number of active voxels (sparse tensor sites)
K = 27          # prod(kernel_size) = 3*3*3 kernel offsets
M = 20000       # matched in/out pairs per kernel offset (kernel map size)
C_IN = 128
C_OUT = 128


def setup_inputs(seed: int = 0) -> dict:
    key = jax.random.key(seed)
    k1, k2, k3, k4, k5 = jax.random.split(key, 5)
    features = jax.random.normal(k1, (N, C_IN), dtype=jnp.float32)
    # kernel maps: for each kernel offset k, in_map[k, m] is the input voxel index
    # and out_map[k, m] is the output voxel index of the m-th matched pair.
    in_map = jax.random.randint(k2, (K, M), 0, N, dtype=jnp.int32)
    out_map = jax.random.randint(k3, (K, M), 0, N, dtype=jnp.int32)
    # learned parameters per SpatiallySparseConv.__init__:
    # weight: [prod(kernel_size), in_channels, out_channels], bias: [out_channels]
    weight = jax.random.normal(k4, (K, C_IN, C_OUT), dtype=jnp.float32)
    bias = jax.random.normal(k5, (C_OUT,), dtype=jnp.float32)
    return {"features": features, "in_map": in_map, "out_map": out_map,
            "weight": weight, "bias": bias}


def reference(features, in_map, out_map, weight, bias):
    # Explicit-GEMM spatially sparse convolution (EXPLICIT_GEMM algo):
    # gather -> per-kernel-offset GEMM -> scatter-add, then bias.
    n_out = features.shape[0]
    c_out = weight.shape[2]
    # gather: [K, M, C_in]
    gathered = jnp.take(features, in_map, axis=0)
    # batched GEMM over kernel offsets: [K, M, C_out]
    contrib = jnp.einsum('kmc,kcd->kmd', gathered, weight)
    # scatter-add into output sites
    out = jnp.zeros((n_out, c_out), dtype=features.dtype)
    out = out.at[out_map.reshape(-1)].add(contrib.reshape(-1, c_out))
    out = out + bias
    return out

if __name__ == "__main__":
    import jax
    _d = setup_inputs()
    print(jax.jit(kernel)(*tuple(_d.values())))

</pallas_src>

<mosaic_0001>
#map = affine_map<(d0, d1) -> (0, 0)>
#map1 = affine_map<(d0, d1) -> (0)>
module attributes {stable_mosaic.version = 14 : i64} {
  func.func @_scatter_body(%arg0: i32, %arg1: i32, %arg2: memref<540000x128xf32, #tpu.memory_space<hbm>>, %arg3: memref<540672xi32, #tpu.memory_space<hbm>>, %arg4: memref<128xf32, #tpu.memory_space<hbm>>, %arg5: memref<100352x128xf32, #tpu.memory_space<hbm>>, %arg6: memref<1536xi32, #tpu.memory_space<vmem>>, %arg7: memref<1536xi32, #tpu.memory_space<vmem>>, %arg8: memref<256xi32, #tpu.memory_space<vmem>>, %arg9: memref<128xf32, #tpu.memory_space<vmem>>, %arg10: memref<8x128xf32, #tpu.memory_space<vmem>>, %arg11: memref<64xi32, #tpu.memory_space<vmem>>, %arg12: memref<64xi32, #tpu.memory_space<vmem>>, %arg13: memref<64x128xf32, #tpu.memory_space<vmem>>, %arg14: memref<64xi32, #tpu.memory_space<vmem>>, %arg15: memref<64xi32, #tpu.memory_space<vmem>>, %arg16: memref<64x128xf32, #tpu.memory_space<vmem>>, %arg17: memref<64xi32, #tpu.memory_space<vmem>>, %arg18: memref<64xi32, #tpu.memory_space<vmem>>, %arg19: memref<64x128xf32, #tpu.memory_space<vmem>>, %arg20: memref<12560x128xf32, #tpu.memory_space<vmem_shared>>, %arg21: memref<!tpu.dma_semaphore, #tpu.memory_space<semaphore_mem>>, %arg22: memref<!tpu.dma_semaphore, #tpu.memory_space<semaphore_mem>>, %arg23: memref<!tpu.dma_semaphore, #tpu.memory_space<semaphore_mem>>, %arg24: memref<!tpu.dma_semaphore, #tpu.memory_space<semaphore_mem>>, %arg25: memref<!tpu.dma_semaphore, #tpu.memory_space<semaphore_mem>>, %arg26: memref<!tpu.dma_semaphore, #tpu.memory_space<semaphore_mem>>, %arg27: memref<!tpu.dma_semaphore, #tpu.memory_space<semaphore_mem>>, %arg28: memref<!tpu.dma_semaphore, #tpu.memory_space<semaphore_mem>>) attributes {dimension_semantics = [#tpu.dimension_semantics<core_parallel>, #tpu.dimension_semantics<subcore_parallel>], iteration_bounds = array<i64: 2, 16>, scalar_prefetch = 0 : i64, scratch_operands = 23 : i64, tpu.core_type = #tpu.core_type<sc_vector_subcore>, window_params = [{transform_indices = #map}, {transform_indices = #map1}, {transform_indices = #map1}, {transform_indices = #map}]} {
    %mul3A = arith.constant 33792 : i32
    %mul3A_0 = arith.muli %arg1, %mul3A : i32
    "tpu.region"() ({
      %run_scoped3A = tpu.sem_alloc : memref<!tpu.dma_semaphore, #tpu.memory_space<semaphore_mem>>
      tpu.enqueue_dma source(%arg4 : memref<128xf32, #tpu.memory_space<hbm>>) target(%arg9 : memref<128xf32, #tpu.memory_space<vmem>>) target_semaphore(%run_scoped3A : memref<!tpu.dma_semaphore, #tpu.memory_space<semaphore_mem>>)
      tpu.wait_dma2 semaphore(%run_scoped3A : memref<!tpu.dma_semaphore, #tpu.memory_space<semaphore_mem>>) src(%arg4 : memref<128xf32, #tpu.memory_space<hbm>>) dst(%arg9 : memref<128xf32, #tpu.memory_space<vmem>>)
      tpu.yield
    }) : () -> ()
    %get3A = arith.constant 0 : index
    %get3A_1 = tpu.vector_load %arg9[%get3A] {strides = array<i32>} : memref<128xf32, #tpu.memory_space<vmem>>, vector<16xf32>,
    %swap3A = arith.constant 0 : i32
    %swap3A_2 = arith.index_cast %swap3A : i32 to index
    %swap3A_3 = arith.constant 0 : index
    %swap3A_4 = tpu.vector_load %arg10[%swap3A_2, %swap3A_3] {strides = array<i32>} : memref<8x128xf32, #tpu.memory_space<vmem>>, vector<16xf32>,
    tpu.vector_store %arg10[%swap3A_2, %swap3A_3], %get3A_1 {strides = array<i32>} : memref<8x128xf32, #tpu.memory_space<vmem>>, vector<16xf32>,
    %get3A_5 = arith.constant 16 : index
    %get3A_6 = tpu.vector_load %arg9[%get3A_5] {strides = array<i32>} : memref<128xf32, #tpu.memory_space<vmem>>, vector<16xf32>,
    %swap3A_7 = arith.constant 0 : i32
    %swap3A_8 = arith.index_cast %swap3A_7 : i32 to index
    %swap3A_9 = arith.constant 16 : index
    %swap3A_10 = tpu.vector_load %arg10[%swap3A_8, %swap3A_9] {strides = array<i32>} : memref<8x128xf32, #tpu.memory_space<vmem>>, vector<16xf32>,
    tpu.vector_store %arg10[%swap3A_8, %swap3A_9], %get3A_6 {strides = array<i32>} : memref<8x128xf32, #tpu.memory_space<vmem>>, vector<16xf32>,
    %get3A_11 = arith.constant 32 : index
    %get3A_12 = tpu.vector_load %arg9[%get3A_11] {strides = array<i32>} : memref<128xf32, #tpu.memory_space<vmem>>, vector<16xf32>,
    %swap3A_13 = arith.constant 0 : i32
    %swap3A_14 = arith.index_cast %swap3A_13 : i32 to index
    %swap3A_15 = arith.constant 32 : index
    %swap3A_16 = tpu.vector_load %arg10[%swap3A_14, %swap3A_15] {strides = array<i32>} : memref<8x128xf32, #tpu.memory_space<vmem>>, vector<16xf32>,
    tpu.vector_store %arg10[%swap3A_14, %swap3A_15], %get3A_12 {strides = array<i32>} : memref<8x128xf32, #tpu.memory_space<vmem>>, vector<16xf32>,
    %get3A_17 = arith.constant 48 : index
    %get3A_18 = tpu.vector_load %arg9[%get3A_17] {strides = array<i32>} : memref<128xf32, #tpu.memory_space<vmem>>, vector<16xf32>,
    %swap3A_19 = arith.constant 0 : i32
    %swap3A_20 = arith.index_cast %swap3A_19 : i32 to index
    %swap3A_21 = arith.constant 48 : index
    %swap3A_22 = tpu.vector_load %arg10[%swap3A_20, %swap3A_21] {strides = array<i32>} : memref<8x128xf32, #tpu.memory_space<vmem>>, vector<16xf32>,
    tpu.vector_store %arg10[%swap3A_20, %swap3A_21], %get3A_18 {strides = array<i32>} : memref<8x128xf32, #tpu.memory_space<vmem>>, vector<16xf32>,
    %get3A_23 = arith.constant 64 : index
    %get3A_24 = tpu.vector_load %arg9[%get3A_23] {strides = array<i32>} : memref<128xf32, #tpu.memory_space<vmem>>, vector<16xf32>,
    %swap3A_25 = arith.constant 0 : i32
    %swap3A_26 = arith.index_cast %swap3A_25 : i32 to index
    %swap3A_27 = arith.constant 64 : index
    %swap3A_28 = tpu.vector_load %arg10[%swap3A_26, %swap3A_27] {strides = array<i32>} : memref<8x128xf32, #tpu.memory_space<vmem>>, vector<16xf32>,
    tpu.vector_store %arg10[%swap3A_26, %swap3A_27], %get3A_24 {strides = array<i32>} : memref<8x128xf32, #tpu.memory_space<vmem>>, vector<16xf32>,
    %get3A_29 = arith.constant 80 : index
    %get3A_30 = tpu.vector_load %arg9[%get3A_29] {strides = array<i32>} : memref<128xf32, #tpu.memory_space<vmem>>, vector<16xf32>,
    %swap3A_31 = arith.constant 0 : i32
    %swap3A_32 = arith.index_cast %swap3A_31 : i32 to index
    %swap3A_33 = arith.constant 80 : index
    %swap3A_34 = tpu.vector_load %arg10[%swap3A_32, %swap3A_33] {strides = array<i32>} : memref<8x128xf32, #tpu.memory_space<vmem>>, vector<16xf32>,
    tpu.vector_store %arg10[%swap3A_32, %swap3A_33], %get3A_30 {strides = array<i32>} : memref<8x128xf32, #tpu.memory_space<vmem>>, vector<16xf32>,
    %get3A_35 = arith.constant 96 : index
    %get3A_36 = tpu.vector_load %arg9[%get3A_35] {strides = array<i32>} : memref<128xf32, #tpu.memory_space<vmem>>, vector<16xf32>,
    %swap3A_37 = arith.constant 0 : i32
    %swap3A_38 = arith.index_cast %swap3A_37 : i32 to index
    %swap3A_39 = arith.constant 96 : index
    %swap3A_40 = tpu.vector_load %arg10[%swap3A_38, %swap3A_39] {strides = array<i32>} : memref<8x128xf32, #tpu.memory_space<vmem>>, vector<16xf32>,
    tpu.vector_store %arg10[%swap3A_38, %swap3A_39], %get3A_36 {strides = array<i32>} : memref<8x128xf32, #tpu.memory_space<vmem>>, vector<16xf32>,
    %get3A_41 = arith.constant 112 : index
    %get3A_42 = tpu.vector_load %arg9[%get3A_41] {strides = array<i32>} : memref<128xf32, #tpu.memory_space<vmem>>, vector<16xf32>,
    %swap3A_43 = arith.constant 0 : i32
    %swap3A_44 = arith.index_cast %swap3A_43 : i32 to index
    %swap3A_45 = arith.constant 112 : index
    %swap3A_46 = tpu.vector_load %arg10[%swap3A_44, %swap3A_45] {strides = array<i32>} : memref<8x128xf32, #tpu.memory_space<vmem>>, vector<16xf32>,
    tpu.vector_store %arg10[%swap3A_44, %swap3A_45], %get3A_42 {strides = array<i32>} : memref<8x128xf32, #tpu.memory_space<vmem>>, vector<16xf32>,
    %get3A_47 = arith.constant 0 : index
    %get3A_48 = tpu.vector_load %arg9[%get3A_47] {strides = array<i32>} : memref<128xf32, #tpu.memory_space<vmem>>, vector<16xf32>,
    %swap3A_49 = arith.constant 1 : i32
    %swap3A_50 = arith.index_cast %swap3A_49 : i32 to index
    %swap3A_51 = arith.constant 0 : index
    %swap3A_52 = tpu.vector_load %arg10[%swap3A_50, %swap3A_51] {strides = array<i32>} : memref<8x128xf32, #tpu.memory_space<vmem>>, vector<16xf32>,
    tpu.vector_store %arg10[%swap3A_50, %swap3A_51], %get3A_48 {strides = array<i32>} : memref<8x128xf32, #tpu.memory_space<vmem>>, vector<16xf32>,
    %get3A_53 = arith.constant 16 : index
    %get3A_54 = tpu.vector_load %arg9[%get3A_53] {strides = array<i32>} : memref<128xf32, #tpu.memory_space<vmem>>, vector<16xf32>,
    %swap3A_55 = arith.constant 1 : i32
    %swap3A_56 = arith.index_cast %swap3A_55 : i32 to index
    %swap3A_57 = arith.constant 16 : index
    %swap3A_58 = tpu.vector_load %arg10[%swap3A_56, %swap3A_57] {strides = array<i32>} : memref<8x128xf32, #tpu.memory_space<vmem>>, vector<16xf32>,
    tpu.vector_store %arg10[%swap3A_56, %swap3A_57], %get3A_54 {strides = array<i32>} : memref<8x128xf32, #tpu.memory_space<vmem>>, vector<16xf32>,
    %get3A_59 = arith.constant 32 : index
    %get3A_60 = tpu.vector_load %arg9[%get3A_59] {strides = array<i32>} : memref<128xf32, #tpu.memory_space<vmem>>, vector<16xf32>,
    %swap3A_61 = arith.constant 1 : i32
    %swap3A_62 = arith.index_cast %swap3A_61 : i32 to index
    %swap3A_63 = arith.constant 32 : index
    %swap3A_64 = tpu.vector_load %arg10[%swap3A_62, %swap3A_63] {strides = array<i32>} : memref<8x128xf32, #tpu.memory_space<vmem>>, vector<16xf32>,
    tpu.vector_store %arg10[%swap3A_62, %swap3A_63], %get3A_60 {strides = array<i32>} : memref<8x128xf32, #tpu.memory_space<vmem>>, vector<16xf32>,
    %get3A_65 = arith.constant 48 : index
    %get3A_66 = tpu.vector_load %arg9[%get3A_65] {strides = array<i32>} : memref<128xf32, #tpu.memory_space<vmem>>, vector<16xf32>,
    %swap3A_67 = arith.constant 1 : i32
    %swap3A_68 = arith.index_cast %swap3A_67 : i32 to index
    %swap3A_69 = arith.constant 48 : index
    %swap3A_70 = tpu.vector_load %arg10[%swap3A_68, %swap3A_69] {strides = array<i32>} : memref<8x128xf32, #tpu.memory_space<vmem>>, vector<16xf32>,
    tpu.vector_store %arg10[%swap3A_68, %swap3A_69], %get3A_66 {strides = array<i32>} : memref<8x128xf32, #tpu.memory_space<vmem>>, vector<16xf32>,
    %get3A_71 = arith.constant 64 : index
    %get3A_72 = tpu.vector_load %arg9[%get3A_71] {strides = array<i32>} : memref<128xf32, #tpu.memory_space<vmem>>, vector<16xf32>,
    %swap3A_73 = arith.constant 1 : i32
    %swap3A_74 = arith.index_cast %swap3A_73 : i32 to index
    %swap3A_75 = arith.constant 64 : index
    %swap3A_76 = tpu.vector_load %arg10[%swap3A_74, %swap3A_75] {strides = array<i32>} : memref<8x128xf32, #tpu.memory_space<vmem>>, vector<16xf32>,
    tpu.vector_store %arg10[%swap3A_74, %swap3A_75], %get3A_72 {strides = array<i32>} : memref<8x128xf32, #tpu.memory_space<vmem>>, vector<16xf32>,
    %get3A_77 = arith.constant 80 : index
    %get3A_78 = tpu.vector_load %arg9[%get3A_77] {strides = array<i32>} : memref<128xf32, #tpu.memory_space<vmem>>, vector<16xf32>,
    %swap3A_79 = arith.constant 1 : i32
    %swap3A_80 = arith.index_cast %swap3A_79 : i32 to index
    %swap3A_81 = arith.constant 80 : index
    %swap3A_82 = tpu.vector_load %arg10[%swap3A_80, %swap3A_81] {strides = array<i32>} : memref<8x128xf32, #tpu.memory_space<vmem>>, vector<16xf32>,
    tpu.vector_store %arg10[%swap3A_80, %swap3A_81], %get3A_78 {strides = array<i32>} : memref<8x128xf32, #tpu.memory_space<vmem>>, vector<16xf32>,
    %get3A_83 = arith.constant 96 : index
    %get3A_84 = tpu.vector_load %arg9[%get3A_83] {strides = array<i32>} : memref<128xf32, #tpu.memory_space<vmem>>, vector<16xf32>,
    %swap3A_85 = arith.constant 1 : i32
    %swap3A_86 = arith.index_cast %swap3A_85 : i32 to index
    %swap3A_87 = arith.constant 96 : index
    %swap3A_88 = tpu.vector_load %arg10[%swap3A_86, %swap3A_87] {strides = array<i32>} : memref<8x128xf32, #tpu.memory_space<vmem>>, vector<16xf32>,
    tpu.vector_store %arg10[%swap3A_86, %swap3A_87], %get3A_84 {strides = array<i32>} : memref<8x128xf32, #tpu.memory_space<vmem>>, vector<16xf32>,
    %get3A_89 = arith.constant 112 : index
    %get3A_90 = tpu.vector_load %arg9[%get3A_89] {strides = array<i32>} : memref<128xf32, #tpu.memory_space<vmem>>, vector<16xf32>,
    %swap3A_91 = arith.constant 1 : i32
    %swap3A_92 = arith.index_cast %swap3A_91 : i32 to index
    %swap3A_93 = arith.constant 112 : index
    %swap3A_94 = tpu.vector_load %arg10[%swap3A_92, %swap3A_93] {strides = array<i32>} : memref<8x128xf32, #tpu.memory_space<vmem>>, vector<16xf32>,
    tpu.vector_store %arg10[%swap3A_92, %swap3A_93], %get3A_90 {strides = array<i32>} : memref<8x128xf32, #tpu.memory_space<vmem>>, vector<16xf32>,
    %get3A_95 = arith.constant 0 : index
    %get3A_96 = tpu.vector_load %arg9[%get3A_95] {strides = array<i32>} : memref<128xf32, #tpu.memory_space<vmem>>, vector<16xf32>,
    %swap3A_97 = arith.constant 2 : i32
    %swap3A_98 = arith.index_cast %swap3A_97 : i32 to index
    %swap3A_99 = arith.constant 0 : index
    %swap3A_100 = tpu.vector_load %arg10[%swap3A_98, %swap3A_99] {strides = array<i32>} : memref<8x128xf32, #tpu.memory_space<vmem>>, vector<16xf32>,
    tpu.vector_store %arg10[%swap3A_98, %swap3A_99], %get3A_96 {strides = array<i32>} : memref<8x128xf32, #tpu.memory_space<vmem>>, vector<16xf32>,
    %get3A_101 = arith.constant 16 : index
    %get3A_102 = tpu.vector_load %arg9[%get3A_101] {strides = array<i32>} : memref<128xf32, #tpu.memory_space<vmem>>, vector<16xf32>,
    %swap3A_103 = arith.constant 2 : i32
    %swap3A_104 = arith.index_cast %swap3A_103 : i32 to index
    %swap3A_105 = arith.constant 16 : index
    %swap3A_106 = tpu.vector_load %arg10[%swap3A_104, %swap3A_105] {strides = array<i32>} : memref<8x128xf32, #tpu.memory_space<vmem>>, vector<16xf32>,
    tpu.vector_store %arg10[%swap3A_104, %swap3A_105], %get3A_102 {strides = array<i32>} : memref<8x128xf32, #tpu.memory_space<vmem>>, vector<16xf32>,
    %get3A_107 = arith.constant 32 : index
    %get3A_108 = tpu.vector_load %arg9[%get3A_107] {strides = array<i32>} : memref<128xf32, #tpu.memory_space<vmem>>, vector<16xf32>,
    %swap3A_109 = arith.constant 2 : i32
    %swap3A_110 = arith.index_cast %swap3A_109 : i32 to index
    %swap3A_111 = arith.constant 32 : index
    %swap3A_112 = tpu.vector_load %arg10[%swap3A_110, %swap3A_111] {strides = array<i32>} : memref<8x128xf32, #tpu.memory_space<vmem>>, vector<16xf32>,
    tpu.vector_store %arg10[%swap3A_110, %swap3A_111], %get3A_108 {strides = array<i32>} : memref<8x128xf32, #tpu.memory_space<vmem>>, vector<16xf32>,
    %get3A_113 = arith.constant 48 : index
    %get3A_114 = tpu.vector_load %arg9[%get3A_113] {strides = array<i32>} : memref<128xf32, #tpu.memory_space<vmem>>, vector<16xf32>,
    %swap3A_115 = arith.constant 2 : i32
    %swap3A_116 = arith.index_cast %swap3A_115 : i32 to index
    %swap3A_117 = arith.constant 48 : index
    %swap3A_118 = tpu.vector_load %arg10[%swap3A_116, %swap3A_117] {strides = array<i32>} : memref<8x128xf32, #tpu.memory_space<vmem>>, vector<16xf32>,
    tpu.vector_store %arg10[%swap3A_116, %swap3A_117], %get3A_114 {strides = array<i32>} : memref<8x128xf32, #tpu.memory_space<vmem>>, vector<16xf32>,
    %get3A_119 = arith.constant 64 : index
    %get3A_120 = tpu.vector_load %arg9[%get3A_119] {strides = array<i32>} : memref<128xf32, #tpu.memory_space<vmem>>, vector<16xf32>,
    %swap3A_121 = arith.constant 2 : i32
    %swap3A_122 = arith.index_cast %swap3A_121 : i32 to index
    %swap3A_123 = arith.constant 64 : index
    %swap3A_124 = tpu.vector_load %arg10[%swap3A_122, %swap3A_123] {strides = array<i32>} : memref<8x128xf32, #tpu.memory_space<vmem>>, vector<16xf32>,
    tpu.vector_store %arg10[%swap3A_122, %swap3A_123], %get3A_120 {strides = array<i32>} : memref<8x128xf32, #tpu.memory_space<vmem>>, vector<16xf32>,
    %get3A_125 = arith.constant 80 : index
    %get3A_126 = tpu.vector_load %arg9[%get3A_125] {strides = array<i32>} : memref<128xf32, #tpu.memory_space<vmem>>, vector<16xf32>,
    %swap3A_127 = arith.constant 2 : i32
    %swap3A_128 = arith.index_cast %swap3A_127 : i32 to index
    %swap3A_129 = arith.constant 80 : index
    %swap3A_130 = tpu.vector_load %arg10[%swap3A_128, %swap3A_129] {strides = array<i32>} : memref<8x128xf32, #tpu.memory_space<vmem>>, vector<16xf32>,
    tpu.vector_store %arg10[%swap3A_128, %swap3A_129], %get3A_126 {strides = array<i32>} : memref<8x128xf32, #tpu.memory_space<vmem>>, vector<16xf32>,
    %get3A_131 = arith.constant 96 : index
    %get3A_132 = tpu.vector_load %arg9[%get3A_131] {strides = array<i32>} : memref<128xf32, #tpu.memory_space<vmem>>, vector<16xf32>,
    %swap3A_133 = arith.constant 2 : i32
    %swap3A_134 = arith.index_cast %swap3A_133 : i32 to index
    %swap3A_135 = arith.constant 96 : index
    %swap3A_136 = tpu.vector_load %arg10[%swap3A_134, %swap3A_135] {strides = array<i32>} : memref<8x128xf32, #tpu.memory_space<vmem>>, vector<16xf32>,
    tpu.vector_store %arg10[%swap3A_134, %swap3A_135], %get3A_132 {strides = array<i32>} : memref<8x128xf32, #tpu.memory_space<vmem>>, vector<16xf32>,
    %get3A_137 = arith.constant 112 : index
    %get3A_138 = tpu.vector_load %arg9[%get3A_137] {strides = array<i32>} : memref<128xf32, #tpu.memory_space<vmem>>, vector<16xf32>,
    %swap3A_139 = arith.constant 2 : i32
    %swap3A_140 = arith.index_cast %swap3A_139 : i32 to index
    %swap3A_141 = arith.constant 112 : index
    %swap3A_142 = tpu.vector_load %arg10[%swap3A_140, %swap3A_141] {strides = array<i32>} : memref<8x128xf32, #tpu.memory_space<vmem>>, vector<16xf32>,
    tpu.vector_store %arg10[%swap3A_140, %swap3A_141], %get3A_138 {strides = array<i32>} : memref<8x128xf32, #tpu.memory_space<vmem>>, vector<16xf32>,
    %get3A_143 = arith.constant 0 : index
    %get3A_144 = tpu.vector_load %arg9[%get3A_143] {strides = array<i32>} : memref<128xf32, #tpu.memory_space<vmem>>, vector<16xf32>,
    %swap3A_145 = arith.constant 3 : i32
    %swap3A_146 = arith.index_cast %swap3A_145 : i32 to index
    %swap3A_147 = arith.constant 0 : index
    %swap3A_148 = tpu.vector_load %arg10[%swap3A_146, %swap3A_147] {strides = array<i32>} : memref<8x128xf32, #tpu.memory_space<vmem>>, vector<16xf32>,
    tpu.vector_store %arg10[%swap3A_146, %swap3A_147], %get3A_144 {strides = array<i32>} : memref<8x128xf32, #tpu.memory_space<vmem>>, vector<16xf32>,
    %get3A_149 = arith.constant 16 : index
    %get3A_150 = tpu.vector_load %arg9[%get3A_149] {strides = array<i32>} : memref<128xf32, #tpu.memory_space<vmem>>, vector<16xf32>,
    %swap3A_151 = arith.constant 3 : i32
    %swap3A_152 = arith.index_cast %swap3A_151 : i32 to index
    %swap3A_153 = arith.constant 16 : index
    %swap3A_154 = tpu.vector_load %arg10[%swap3A_152, %swap3A_153] {strides = array<i32>} : memref<8x128xf32, #tpu.memory_space<vmem>>, vector<16xf32>,
    tpu.vector_store %arg10[%swap3A_152, %swap3A_153], %get3A_150 {strides = array<i32>} : memref<8x128xf32, #tpu.memory_space<vmem>>, vector<16xf32>,
    %get3A_155 = arith.constant 32 : index
    %get3A_156 = tpu.vector_load %arg9[%get3A_155] {strides = array<i32>} : memref<128xf32, #tpu.memory_space<vmem>>, vector<16xf32>,
    %swap3A_157 = arith.constant 3 : i32
    %swap3A_158 = arith.index_cast %swap3A_157 : i32 to index
    %swap3A_159 = arith.constant 32 : index
    %swap3A_160 = tpu.vector_load %arg10[%swap3A_158, %swap3A_159] {strides = array<i32>} : memref<8x128xf32, #tpu.memory_space<vmem>>, vector<16xf32>,
    tpu.vector_store %arg10[%swap3A_158, %swap3A_159], %get3A_156 {strides = array<i32>} : memref<8x128xf32, #tpu.memory_space<vmem>>, vector<16xf32>,
    %get3A_161 = arith.constant 48 : index
    %get3A_162 = tpu.vector_load %arg9[%get3A_161] {strides = array<i32>} : memref<128xf32, #tpu.memory_space<vmem>>, vector<16xf32>,
    %swap3A_163 = arith.constant 3 : i32
    %swap3A_164 = arith.index_cast %swap3A_163 : i32 to index
    %swap3A_165 = arith.constant 48 : index
    %swap3A_166 = tpu.vector_load %arg10[%swap3A_164, %swap3A_165] {strides = array<i32>} : memref<8x128xf32, #tpu.memory_space<vmem>>, vector<16xf32>,
    tpu.vector_store %arg10[%swap3A_164, %swap3A_165], %get3A_162 {strides = array<i32>} : memref<8x128xf32, #tpu.memory_space<vmem>>, vector<16xf32>,
    %get3A_167 = arith.constant 64 : index
    %get3A_168 = tpu.vector_load %arg9[%get3A_167] {strides = array<i32>} : memref<128xf32, #tpu.memory_space<vmem>>, vector<16xf32>,
    %swap3A_169 = arith.constant 3 : i32
    %swap3A_170 = arith.index_cast %swap3A_169 : i32 to index
    %swap3A_171 = arith.constant 64 : index
    %swap3A_172 = tpu.vector_load %arg10[%swap3A_170, %swap3A_171] {strides = array<i32>} : memref<8x128xf32, #tpu.memory_space<vmem>>, vector<16xf32>,
    tpu.vector_store %arg10[%swap3A_170, %swap3A_171], %get3A_168 {strides = array<i32>} : memref<8x128xf32, #tpu.memory_space<vmem>>, vector<16xf32>,
    %get3A_173 = arith.constant 80 : index
    %get3A_174 = tpu.vector_load %arg9[%get3A_173] {strides = array<i32>} : memref<128xf32, #tpu.memory_space<vmem>>, vector<16xf32>,
    %swap3A_175 = arith.constant 3 : i32
    %swap3A_176 = arith.index_cast %swap3A_175 : i32 to index
    %swap3A_177 = arith.constant 80 : index
    %swap3A_178 = tpu.vector_load %arg10[%swap3A_176, %swap3A_177] {strides = array<i32>} : memref<8x128xf32, #tpu.memory_space<vmem>>, vector<16xf32>,
    tpu.vector_store %arg10[%swap3A_176, %swap3A_177], %get3A_174 {strides = array<i32>} : memref<8x128xf32, #tpu.memory_space<vmem>>, vector<16xf32>,
    %get3A_179 = arith.constant 96 : index
    %get3A_180 = tpu.vector_load %arg9[%get3A_179] {strides = array<i32>} : memref<128xf32, #tpu.memory_space<vmem>>, vector<16xf32>,
    %swap3A_181 = arith.constant 3 : i32
    %swap3A_182 = arith.index_cast %swap3A_181 : i32 to index
    %swap3A_183 = arith.constant 96 : index
    %swap3A_184 = tpu.vector_load %arg10[%swap3A_182, %swap3A_183] {strides = array<i32>} : memref<8x128xf32, #tpu.memory_space<vmem>>, vector<16xf32>,
    tpu.vector_store %arg10[%swap3A_182, %swap3A_183], %get3A_180 {strides = array<i32>} : memref<8x128xf32, #tpu.memory_space<vmem>>, vector<16xf32>,
    %get3A_185 = arith.constant 112 : index
    %get3A_186 = tpu.vector_load %arg9[%get3A_185] {strides = array<i32>} : memref<128xf32, #tpu.memory_space<vmem>>, vector<16xf32>,
    %swap3A_187 = arith.constant 3 : i32
    %swap3A_188 = arith.index_cast %swap3A_187 : i32 to index
    %swap3A_189 = arith.constant 112 : index
    %swap3A_190 = tpu.vector_load %arg10[%swap3A_188, %swap3A_189] {strides = array<i32>} : memref<8x128xf32, #tpu.memory_space<vmem>>, vector<16xf32>,
    tpu.vector_store %arg10[%swap3A_188, %swap3A_189], %get3A_186 {strides = array<i32>} : memref<8x128xf32, #tpu.memory_space<vmem>>, vector<16xf32>,
    %get3A_191 = arith.constant 0 : index
    %get3A_192 = tpu.vector_load %arg9[%get3A_191] {strides = array<i32>} : memref<128xf32, #tpu.memory_space<vmem>>, vector<16xf32>,
    %swap3A_193 = arith.constant 4 : i32
    %swap3A_194 = arith.index_cast %swap3A_193 : i32 to index
    %swap3A_195 = arith.constant 0 : index
    %swap3A_196 = tpu.vector_load %arg10[%swap3A_194, %swap3A_195] {strides = array<i32>} : memref<8x128xf32, #tpu.memory_space<vmem>>, vector<16xf32>,
    tpu.vector_store %arg10[%swap3A_194, %swap3A_195], %get3A_192 {strides = array<i32>} : memref<8x128xf32, #tpu.memory_space<vmem>>, vector<16xf32>,
    %get3A_197 = arith.constant 16 : index
    %get3A_198 = tpu.vector_load %arg9[%get3A_197] {strides = array<i32>} : memref<128xf32, #tpu.memory_space<vmem>>, vector<16xf32>,
    %swap3A_199 = arith.constant 4 : i32
    %swap3A_200 = arith.index_cast %swap3A_199 : i32 to index
    %swap3A_201 = arith.constant 16 : index
    %swap3A_202 = tpu.vector_load %arg10[%swap3A_200, %swap3A_201] {strides = array<i32>} : memref<8x128xf32, #tpu.memory_space<vmem>>, vector<16xf32>,
    tpu.vector_store %arg10[%swap3A_200, %swap3A_201], %get3A_198 {strides = array<i32>} : memref<8x128xf32, #tpu.memory_space<vmem>>, vector<16xf32>,
    %get3A_203 = arith.constant 32 : index
    %get3A_204 = tpu.vector_load %arg9[%get3A_203] {strides = array<i32>} : memref<128xf32, #tpu.memory_space<vmem>>, vector<16xf32>,
    %swap3A_205 = arith.constant 4 : i32
    %swap3A_206 = arith.index_cast %swap3A_205 : i32 to index
    %swap3A_207 = arith.constant 32 : index
    %swap3A_208 = tpu.vector_load %arg10[%swap3A_206, %swap3A_207] {strides = array<i32>} : memref<8x128xf32, #tpu.memory_space<vmem>>, vector<16xf32>,
    tpu.vector_store %arg10[%swap3A_206, %swap3A_207], %get3A_204 {strides = array<i32>} : memref<8x128xf32, #tpu.memory_space<vmem>>, vector<16xf32>,
    %get3A_209 = arith.constant 48 : index
    %get3A_210 = tpu.vector_load %arg9[%get3A_209] {strides = array<i32>} : memref<128xf32, #tpu.memory_space<vmem>>, vector<16xf32>,
    %swap3A_211 = arith.constant 4 : i32
    %swap3A_212 = arith.index_cast %swap3A_211 : i32 to index
    %swap3A_213 = arith.constant 48 : index
    %swap3A_214 = tpu.vector_load %arg10[%swap3A_212, %swap3A_213] {strides = array<i32>} : memref<8x128xf32, #tpu.memory_space<vmem>>, vector<16xf32>,
    tpu.vector_store %arg10[%swap3A_212, %swap3A_213], %get3A_210 {strides = array<i32>} : memref<8x128xf32, #tpu.memory_space<vmem>>, vector<16xf32>,
    %get3A_215 = arith.constant 64 : index
    %get3A_216 = tpu.vector_load %arg9[%get3A_215] {strides = array<i32>} : memref<128xf32, #tpu.memory_space<vmem>>, vector<16xf32>,
    %swap3A_217 = arith.constant 4 : i32
    %swap3A_218 = arith.index_cast %swap3A_217 : i32 to index
    %swap3A_219 = arith.constant 64 : index
    %swap3A_220 = tpu.vector_load %arg10[%swap3A_218, %swap3A_219] {strides = array<i32>} : memref<8x128xf32, #tpu.memory_space<vmem>>, vector<16xf32>,
    tpu.vector_store %arg10[%swap3A_218, %swap3A_219], %get3A_216 {strides = array<i32>} : memref<8x128xf32, #tpu.memory_space<vmem>>, vector<16xf32>,
    %get3A_221 = arith.constant 80 : index
    %get3A_222 = tpu.vector_load %arg9[%get3A_221] {strides = array<i32>} : memref<128xf32, #tpu.memory_space<vmem>>, vector<16xf32>,
    %swap3A_223 = arith.constant 4 : i32
    %swap3A_224 = arith.index_cast %swap3A_223 : i32 to index
    %swap3A_225 = arith.constant 80 : index
    %swap3A_226 = tpu.vector_load %arg10[%swap3A_224, %swap3A_225] {strides = array<i32>} : memref<8x128xf32, #tpu.memory_space<vmem>>, vector<16xf32>,
    tpu.vector_store %arg10[%swap3A_224, %swap3A_225], %get3A_222 {strides = array<i32>} : memref<8x128xf32, #tpu.memory_space<vmem>>, vector<16xf32>,
    %get3A_227 = arith.constant 96 : index
    %get3A_228 = tpu.vector_load %arg9[%get3A_227] {strides = array<i32>} : memref<128xf32, #tpu.memory_space<vmem>>, vector<16xf32>,
    %swap3A_229 = arith.constant 4 : i32
    %swap3A_230 = arith.index_cast %swap3A_229 : i32 to index
    %swap3A_231 = arith.constant 96 : index
    %swap3A_232 = tpu.vector_load %arg10[%swap3A_230, %swap3A_231] {strides = array<i32>} : memref<8x128xf32, #tpu.memory_space<vmem>>, vector<16xf32>,
    tpu.vector_store %arg10[%swap3A_230, %swap3A_231], %get3A_228 {strides = array<i32>} : memref<8x128xf32, #tpu.memory_space<vmem>>, vector<16xf32>,
    %get3A_233 = arith.constant 112 : index
    %get3A_234 = tpu.vector_load %arg9[%get3A_233] {strides = array<i32>} : memref<128xf32, #tpu.memory_space<vmem>>, vector<16xf32>,
    %swap3A_235 = arith.constant 4 : i32
    %swap3A_236 = arith.index_cast %swap3A_235 : i32 to index
    %swap3A_237 = arith.constant 112 : index
    %swap3A_238 = tpu.vector_load %arg10[%swap3A_236, %swap3A_237] {strides = array<i32>} : memref<8x128xf32, #tpu.memory_space<vmem>>, vector<16xf32>,
    tpu.vector_store %arg10[%swap3A_236, %swap3A_237], %get3A_234 {strides = array<i32>} : memref<8x128xf32, #tpu.memory_space<vmem>>, vector<16xf32>,
    %get3A_239 = arith.constant 0 : index
    %get3A_240 = tpu.vector_load %arg9[%get3A_239] {strides = array<i32>} : memref<128xf32, #tpu.memory_space<vmem>>, vector<16xf32>,
    %swap3A_241 = arith.constant 5 : i32
    %swap3A_242 = arith.index_cast %swap3A_241 : i32 to index
    %swap3A_243 = arith.constant 0 : index
    %swap3A_244 = tpu.vector_load %arg10[%swap3A_242, %swap3A_243] {strides = array<i32>} : memref<8x128xf32, #tpu.memory_space<vmem>>, vector<16xf32>,
    tpu.vector_store %arg10[%swap3A_242, %swap3A_243], %get3A_240 {strides = array<i32>} : memref<8x128xf32, #tpu.memory_space<vmem>>, vector<16xf32>,
    %get3A_245 = arith.constant 16 : index
    %get3A_246 = tpu.vector_load %arg9[%get3A_245] {strides = array<i32>} : memref<128xf32, #tpu.memory_space<vmem>>, vector<16xf32>,
    %swap3A_247 = arith.constant 5 : i32
    %swap3A_248 = arith.index_cast %swap3A_247 : i32 to index
    %swap3A_249 = arith.constant 16 : index
    %swap3A_250 = tpu.vector_load %arg10[%swap3A_248, %swap3A_249] {strides = array<i32>} : memref<8x128xf32, #tpu.memory_space<vmem>>, vector<16xf32>,
    tpu.vector_store %arg10[%swap3A_248, %swap3A_249], %get3A_246 {strides = array<i32>} : memref<8x128xf32, #tpu.memory_space<vmem>>, vector<16xf32>,
    %get3A_251 = arith.constant 32 : index
    %get3A_252 = tpu.vector_load %arg9[%get3A_251] {strides = array<i32>} : memref<128xf32, #tpu.memory_space<vmem>>, vector<16xf32>,
    %swap3A_253 = arith.constant 5 : i32
    %swap3A_254 = arith.index_cast %swap3A_253 : i32 to index
    %swap3A_255 = arith.constant 32 : index
    %swap3A_256 = tpu.vector_load %arg10[%swap3A_254, %swap3A_255] {strides = array<i32>} : memref<8x128xf32, #tpu.memory_space<vmem>>, vector<16xf32>,
    tpu.vector_store %arg10[%swap3A_254, %swap3A_255], %get3A_252 {strides = array<i32>} : memref<8x128xf32, #tpu.memory_space<vmem>>, vector<16xf32>,
    %get3A_257 = arith.constant 48 : index
    %get3A_258 = tpu.vector_load %arg9[%get3A_257] {strides = array<i32>} : memref<128xf32, #tpu.memory_space<vmem>>, vector<16xf32>,
    %swap3A_259 = arith.constant 5 : i32
    %swap3A_260 = arith.index_cast %swap3A_259 : i32 to index
    %swap3A_261 = arith.constant 48 : index
    %swap3A_262 = tpu.vector_load %arg10[%swap3A_260, %swap3A_261] {strides = array<i32>} : memref<8x128xf32, #tpu.memory_space<vmem>>, vector<16xf32>,
    tpu.vector_store %arg10[%swap3A_260, %swap3A_261], %get3A_258 {strides = array<i32>} : memref<8x128xf32, #tpu.memory_space<vmem>>, vector<16xf32>,
    %get3A_263 = arith.constant 64 : index
    %get3A_264 = tpu.vector_load %arg9[%get3A_263] {strides = array<i32>} : memref<128xf32, #tpu.memory_space<vmem>>, vector<16xf32>,
    %swap3A_265 = arith.constant 5 : i32
    %swap3A_266 = arith.index_cast %swap3A_265 : i32 to index
    %swap3A_267 = arith.constant 64 : index
    %swap3A_268 = tpu.vector_load %arg10[%swap3A_266, %swap3A_267] {strides = array<i32>} : memref<8x128xf32, #tpu.memory_space<vmem>>, vector<16xf32>,
    tpu.vector_store %arg10[%swap3A_266, %swap3A_267], %get3A_264 {strides = array<i32>} : memref<8x128xf32, #tpu.memory_space<vmem>>, vector<16xf32>,
    %get3A_269 = arith.constant 80 : index
    %get3A_270 = tpu.vector_load %arg9[%get3A_269] {strides = array<i32>} : memref<128xf32, #tpu.memory_space<vmem>>, vector<16xf32>,
    %swap3A_271 = arith.constant 5 : i32
    %swap3A_272 = arith.index_cast %swap3A_271 : i32 to index
    %swap3A_273 = arith.constant 80 : index
    %swap3A_274 = tpu.vector_load %arg10[%swap3A_272, %swap3A_273] {strides = array<i32>} : memref<8x128xf32, #tpu.memory_space<vmem>>, vector<16xf32>,
    tpu.vector_store %arg10[%swap3A_272, %swap3A_273], %get3A_270 {strides = array<i32>} : memref<8x128xf32, #tpu.memory_space<vmem>>, vector<16xf32>,
    %get3A_275 = arith.constant 96 : index
    %get3A_276 = tpu.vector_load %arg9[%get3A_275] {strides = array<i32>} : memref<128xf32, #tpu.memory_space<vmem>>, vector<16xf32>,
    %swap3A_277 = arith.constant 5 : i32
    %swap3A_278 = arith.index_cast %swap3A_277 : i32 to index
    %swap3A_279 = arith.constant 96 : index
    %swap3A_280 = tpu.vector_load %arg10[%swap3A_278, %swap3A_279] {strides = array<i32>} : memref<8x128xf32, #tpu.memory_space<vmem>>, vector<16xf32>,
    tpu.vector_store %arg10[%swap3A_278, %swap3A_279], %get3A_276 {strides = array<i32>} : memref<8x128xf32, #tpu.memory_space<vmem>>, vector<16xf32>,
    %get3A_281 = arith.constant 112 : index
    %get3A_282 = tpu.vector_load %arg9[%get3A_281] {strides = array<i32>} : memref<128xf32, #tpu.memory_space<vmem>>, vector<16xf32>,
    %swap3A_283 = arith.constant 5 : i32
    %swap3A_284 = arith.index_cast %swap3A_283 : i32 to index
    %swap3A_285 = arith.constant 112 : index
    %swap3A_286 = tpu.vector_load %arg10[%swap3A_284, %swap3A_285] {strides = array<i32>} : memref<8x128xf32, #tpu.memory_space<vmem>>, vector<16xf32>,
    tpu.vector_store %arg10[%swap3A_284, %swap3A_285], %get3A_282 {strides = array<i32>} : memref<8x128xf32, #tpu.memory_space<vmem>>, vector<16xf32>,
    %get3A_287 = arith.constant 0 : index
    %get3A_288 = tpu.vector_load %arg9[%get3A_287] {strides = array<i32>} : memref<128xf32, #tpu.memory_space<vmem>>, vector<16xf32>,
    %swap3A_289 = arith.constant 6 : i32
    %swap3A_290 = arith.index_cast %swap3A_289 : i32 to index
    %swap3A_291 = arith.constant 0 : index
    %swap3A_292 = tpu.vector_load %arg10[%swap3A_290, %swap3A_291] {strides = array<i32>} : memref<8x128xf32, #tpu.memory_space<vmem>>, vector<16xf32>,
    tpu.vector_store %arg10[%swap3A_290, %swap3A_291], %get3A_288 {strides = array<i32>} : memref<8x128xf32, #tpu.memory_space<vmem>>, vector<16xf32>,
    %get3A_293 = arith.constant 16 : index
    %get3A_294 = tpu.vector_load %arg9[%get3A_293] {strides = array<i32>} : memref<128xf32, #tpu.memory_space<vmem>>, vector<16xf32>,
    %swap3A_295 = arith.constant 6 : i32
    %swap3A_296 = arith.index_cast %swap3A_295 : i32 to index
    %swap3A_297 = arith.constant 16 : index
    %swap3A_298 = tpu.vector_load %arg10[%swap3A_296, %swap3A_297] {strides = array<i32>} : memref<8x128xf32, #tpu.memory_space<vmem>>, vector<16xf32>,
    tpu.vector_store %arg10[%swap3A_296, %swap3A_297], %get3A_294 {strides = array<i32>} : memref<8x128xf32, #tpu.memory_space<vmem>>, vector<16xf32>,
    %get3A_299 = arith.constant 32 : index
    %get3A_300 = tpu.vector_load %arg9[%get3A_299] {strides = array<i32>} : memref<128xf32, #tpu.memory_space<vmem>>, vector<16xf32>,
    %swap3A_301 = arith.constant 6 : i32
    %swap3A_302 = arith.index_cast %swap3A_301 : i32 to index
    %swap3A_303 = arith.constant 32 : index
    %swap3A_304 = tpu.vector_load %arg10[%swap3A_302, %swap3A_303] {strides = array<i32>} : memref<8x128xf32, #tpu.memory_space<vmem>>, vector<16xf32>,
    tpu.vector_store %arg10[%swap3A_302, %swap3A_303], %get3A_300 {strides = array<i32>} : memref<8x128xf32, #tpu.memory_space<vmem>>, vector<16xf32>,
    %get3A_305 = arith.constant 48 : index
    %get3A_306 = tpu.vector_load %arg9[%get3A_305] {strides = array<i32>} : memref<128xf32, #tpu.memory_space<vmem>>, vector<16xf32>,
    %swap3A_307 = arith.constant 6 : i32
    %swap3A_308 = arith.index_cast %swap3A_307 : i32 to index
    %swap3A_309 = arith.constant 48 : index
    %swap3A_310 = tpu.vector_load %arg10[%swap3A_308, %swap3A_309] {strides = array<i32>} : memref<8x128xf32, #tpu.memory_space<vmem>>, vector<16xf32>,
    tpu.vector_store %arg10[%swap3A_308, %swap3A_309], %get3A_306 {strides = array<i32>} : memref<8x128xf32, #tpu.memory_space<vmem>>, vector<16xf32>,
    %get3A_311 = arith.constant 64 : index
    %get3A_312 = tpu.vector_load %arg9[%get3A_311] {strides = array<i32>} : memref<128xf32, #tpu.memory_space<vmem>>, vector<16xf32>,
    %swap3A_313 = arith.constant 6 : i32
    %swap3A_314 = arith.index_cast %swap3A_313 : i32 to index
    %swap3A_315 = arith.constant 64 : index
    %swap3A_316 = tpu.vector_load %arg10[%swap3A_314, %swap3A_315] {strides = array<i32>} : memref<8x128xf32, #tpu.memory_space<vmem>>, vector<16xf32>,
    tpu.vector_store %arg10[%swap3A_314, %swap3A_315], %get3A_312 {strides = array<i32>} : memref<8x128xf32, #tpu.memory_space<vmem>>, vector<16xf32>,
    %get3A_317 = arith.constant 80 : index
    %get3A_318 = tpu.vector_load %arg9[%get3A_317] {strides = array<i32>} : memref<128xf32, #tpu.memory_space<vmem>>, vector<16xf32>,
    %swap3A_319 = arith.constant 6 : i32
    %swap3A_320 = arith.index_cast %swap3A_319 : i32 to index
    %swap3A_321 = arith.constant 80 : index
    %swap3A_322 = tpu.vector_load %arg10[%swap3A_320, %swap3A_321] {strides = array<i32>} : memref<8x128xf32, #tpu.memory_space<vmem>>, vector<16xf32>,
    tpu.vector_store %arg10[%swap3A_320, %swap3A_321], %get3A_318 {strides = array<i32>} : memref<8x128xf32, #tpu.memory_space<vmem>>, vector<16xf32>,
    %get3A_323 = arith.constant 96 : index
    %get3A_324 = tpu.vector_load %arg9[%get3A_323] {strides = array<i32>} : memref<128xf32, #tpu.memory_space<vmem>>, vector<16xf32>,
    %swap3A_325 = arith.constant 6 : i32
    %swap3A_326 = arith.index_cast %swap3A_325 : i32 to index
    %swap3A_327 = arith.constant 96 : index
    %swap3A_328 = tpu.vector_load %arg10[%swap3A_326, %swap3A_327] {strides = array<i32>} : memref<8x128xf32, #tpu.memory_space<vmem>>, vector<16xf32>,
    tpu.vector_store %arg10[%swap3A_326, %swap3A_327], %get3A_324 {strides = array<i32>} : memref<8x128xf32, #tpu.memory_space<vmem>>, vector<16xf32>,
    %get3A_329 = arith.constant 112 : index
    %get3A_330 = tpu.vector_load %arg9[%get3A_329] {strides = array<i32>} : memref<128xf32, #tpu.memory_space<vmem>>, vector<16xf32>,
    %swap3A_331 = arith.constant 6 : i32
    %swap3A_332 = arith.index_cast %swap3A_331 : i32 to index
    %swap3A_333 = arith.constant 112 : index
    %swap3A_334 = tpu.vector_load %arg10[%swap3A_332, %swap3A_333] {strides = array<i32>} : memref<8x128xf32, #tpu.memory_space<vmem>>, vector<16xf32>,
    tpu.vector_store %arg10[%swap3A_332, %swap3A_333], %get3A_330 {strides = array<i32>} : memref<8x128xf32, #tpu.memory_space<vmem>>, vector<16xf32>,
    %get3A_335 = arith.constant 0 : index
    %get3A_336 = tpu.vector_load %arg9[%get3A_335] {strides = array<i32>} : memref<128xf32, #tpu.memory_space<vmem>>, vector<16xf32>,
    %swap3A_337 = arith.constant 7 : i32
    %swap3A_338 = arith.index_cast %swap3A_337 : i32 to index
    %swap3A_339 = arith.constant 0 : index
    %swap3A_340 = tpu.vector_load %arg10[%swap3A_338, %swap3A_339] {strides = array<i32>} : memref<8x128xf32, #tpu.memory_space<vmem>>, vector<16xf32>,
    tpu.vector_store %arg10[%swap3A_338, %swap3A_339], %get3A_336 {strides = array<i32>} : memref<8x128xf32, #tpu.memory_space<vmem>>, vector<16xf32>,
    %get3A_341 = arith.constant 16 : index
    %get3A_342 = tpu.vector_load %arg9[%get3A_341] {strides = array<i32>} : memref<128xf32, #tpu.memory_space<vmem>>, vector<16xf32>,
    %swap3A_343 = arith.constant 7 : i32
    %swap3A_344 = arith.index_cast %swap3A_343 : i32 to index
    %swap3A_345 = arith.constant 16 : index
    %swap3A_346 = tpu.vector_load %arg10[%swap3A_344, %swap3A_345] {strides = array<i32>} : memref<8x128xf32, #tpu.memory_space<vmem>>, vector<16xf32>,
    tpu.vector_store %arg10[%swap3A_344, %swap3A_345], %get3A_342 {strides = array<i32>} : memref<8x128xf32, #tpu.memory_space<vmem>>, vector<16xf32>,
    %get3A_347 = arith.constant 32 : index
    %get3A_348 = tpu.vector_load %arg9[%get3A_347] {strides = array<i32>} : memref<128xf32, #tpu.memory_space<vmem>>, vector<16xf32>,
    %swap3A_349 = arith.constant 7 : i32
    %swap3A_350 = arith.index_cast %swap3A_349 : i32 to index
    %swap3A_351 = arith.constant 32 : index
    %swap3A_352 = tpu.vector_load %arg10[%swap3A_350, %swap3A_351] {strides = array<i32>} : memref<8x128xf32, #tpu.memory_space<vmem>>, vector<16xf32>,
    tpu.vector_store %arg10[%swap3A_350, %swap3A_351], %get3A_348 {strides = array<i32>} : memref<8x128xf32, #tpu.memory_space<vmem>>, vector<16xf32>,
    %get3A_353 = arith.constant 48 : index
    %get3A_354 = tpu.vector_load %arg9[%get3A_353] {strides = array<i32>} : memref<128xf32, #tpu.memory_space<vmem>>, vector<16xf32>,
    %swap3A_355 = arith.constant 7 : i32
    %swap3A_356 = arith.index_cast %swap3A_355 : i32 to index
    %swap3A_357 = arith.constant 48 : index
    %swap3A_358 = tpu.vector_load %arg10[%swap3A_356, %swap3A_357] {strides = array<i32>} : memref<8x128xf32, #tpu.memory_space<vmem>>, vector<16xf32>,
    tpu.vector_store %arg10[%swap3A_356, %swap3A_357], %get3A_354 {strides = array<i32>} : memref<8x128xf32, #tpu.memory_space<vmem>>, vector<16xf32>,
    %get3A_359 = arith.constant 64 : index
    %get3A_360 = tpu.vector_load %arg9[%get3A_359] {strides = array<i32>} : memref<128xf32, #tpu.memory_space<vmem>>, vector<16xf32>,
    %swap3A_361 = arith.constant 7 : i32
    %swap3A_362 = arith.index_cast %swap3A_361 : i32 to index
    %swap3A_363 = arith.constant 64 : index
    %swap3A_364 = tpu.vector_load %arg10[%swap3A_362, %swap3A_363] {strides = array<i32>} : memref<8x128xf32, #tpu.memory_space<vmem>>, vector<16xf32>,
    tpu.vector_store %arg10[%swap3A_362, %swap3A_363], %get3A_360 {strides = array<i32>} : memref<8x128xf32, #tpu.memory_space<vmem>>, vector<16xf32>,
    %get3A_365 = arith.constant 80 : index
    %get3A_366 = tpu.vector_load %arg9[%get3A_365] {strides = array<i32>} : memref<128xf32, #tpu.memory_space<vmem>>, vector<16xf32>,
    %swap3A_367 = arith.constant 7 : i32
    %swap3A_368 = arith.index_cast %swap3A_367 : i32 to index
    %swap3A_369 = arith.constant 80 : index
    %swap3A_370 = tpu.vector_load %arg10[%swap3A_368, %swap3A_369] {strides = array<i32>} : memref<8x128xf32, #tpu.memory_space<vmem>>, vector<16xf32>,
    tpu.vector_store %arg10[%swap3A_368, %swap3A_369], %get3A_366 {strides = array<i32>} : memref<8x128xf32, #tpu.memory_space<vmem>>, vector<16xf32>,
    %get3A_371 = arith.constant 96 : index
    %get3A_372 = tpu.vector_load %arg9[%get3A_371] {strides = array<i32>} : memref<128xf32, #tpu.memory_space<vmem>>, vector<16xf32>,
    %swap3A_373 = arith.constant 7 : i32
    %swap3A_374 = arith.index_cast %swap3A_373 : i32 to index
    %swap3A_375 = arith.constant 96 : index
    %swap3A_376 = tpu.vector_load %arg10[%swap3A_374, %swap3A_375] {strides = array<i32>} : memref<8x128xf32, #tpu.memory_space<vmem>>, vector<16xf32>,
    tpu.vector_store %arg10[%swap3A_374, %swap3A_375], %get3A_372 {strides = array<i32>} : memref<8x128xf32, #tpu.memory_space<vmem>>, vector<16xf32>,
    %get3A_377 = arith.constant 112 : index
    %get3A_378 = tpu.vector_load %arg9[%get3A_377] {strides = array<i32>} : memref<128xf32, #tpu.memory_space<vmem>>, vector<16xf32>,
    %swap3A_379 = arith.constant 7 : i32
    %swap3A_380 = arith.index_cast %swap3A_379 : i32 to index
    %swap3A_381 = arith.constant 112 : index
    %swap3A_382 = tpu.vector_load %arg10[%swap3A_380, %swap3A_381] {strides = array<i32>} : memref<8x128xf32, #tpu.memory_space<vmem>>, vector<16xf32>,
    tpu.vector_store %arg10[%swap3A_380, %swap3A_381], %get3A_378 {strides = array<i32>} : memref<8x128xf32, #tpu.memory_space<vmem>>, vector<16xf32>,
    %iota3A = tpu.iota {dimensions = array<i32: 0>} : vector<16xi32>
    %broadcast_in_dim3A = arith.constant 14 : i32
    %broadcast_in_dim3A_383 = vector.broadcast %broadcast_in_dim3A : i32 to vector<16xi32>
    %shift_left3A = arith.shli %iota3A, %broadcast_in_dim3A_383 : vector<16xi32>
    %broadcast_in_dim3A_384 = arith.constant 255 : i32
    %broadcast_in_dim3A_385 = vector.broadcast %broadcast_in_dim3A_384 : i32 to vector<16xi32>
    %broadcast_in_dim3A_386 = vector.broadcast %mul3A_0 : i32 to vector<16xi32>
    %broadcast_in_dim3A_387 = arith.constant 14 : i32
    %broadcast_in_dim3A_388 = vector.broadcast %broadcast_in_dim3A_387 : i32 to vector<16xi32>
    %broadcast_in_dim3A_389 = arith.constant 16383 : i32
    %broadcast_in_dim3A_390 = vector.broadcast %broadcast_in_dim3A_389 : i32 to vector<16xi32>
    %broadcast_in_dim3A_391 = arith.constant 12544 : i32
    %broadcast_in_dim3A_392 = vector.broadcast %broadcast_in_dim3A_391 : i32 to vector<16xi32>
    %broadcast_in_dim3A_393 = arith.constant 1 : i32
    %broadcast_in_dim3A_394 = vector.broadcast %broadcast_in_dim3A_393 : i32 to vector<16xi32>
    %scan3A = arith.constant 0 : i32
    %scan3A_395 = arith.constant 0 : i32
    %scan3A_396 = arith.constant 4 : i32
    %scan3A_397 = arith.addi %scan3A_395, %scan3A_396 : i32
    %scan3A_398 = arith.constant 1 : i32
    scf.for %scan3A_400 = %scan3A_395 to %scan3A_397 step %scan3A_398  : i32 {
      %mul3A_401 = arith.constant 4 : i32
      %mul3A_402 = arith.muli %arg0, %mul3A_401 : i32
      %add3A = arith.addi %mul3A_402, %scan3A_400 : i32
      %mul3A_403 = arith.constant 12544 : i32
      %mul3A_404 = arith.muli %add3A, %mul3A_403 : i32
      %broadcast_in_dim3A_405 = vector.broadcast %mul3A_404 : i32 to vector<16xi32>
      %add3A_406 = arith.constant 12544 : i32
      %add3A_407 = arith.addi %mul3A_404, %add3A_406 : i32
      %broadcast_in_dim3A_408 = vector.broadcast %add3A_407 : i32 to vector<16xi32>
      %scan3A_409 = arith.constant 0 : i32
      %scan3A_410 = arith.constant 0 : i32
      %scan3A_411 = arith.constant 98 : i32
      %scan3A_412 = arith.addi %scan3A_410, %scan3A_411 : i32
      %scan3A_413 = arith.constant 1 : i32
      scf.for %scan3A_461 = %scan3A_410 to %scan3A_412 step %scan3A_413  : i32 {
        %mul3A_462 = arith.constant 784 : i32
        %mul3A_463 = arith.muli %arg1, %mul3A_462 : i32
        %mul3A_464 = arith.constant 8 : i32
        %mul3A_465 = arith.muli %scan3A_461, %mul3A_464 : i32
        %add3A_466 = arith.addi %mul3A_463, %mul3A_465 : i32
        %dma_start3A_467 = arith.constant 0 : i32
        %dma_start3A_468 = tpu.memref_slice %arg20[%add3A_466, %dma_start3A_467] : memref<12560x128xf32, #tpu.memory_space<vmem_shared>> -> memref<8x128xf32, #tpu.memory_space<vmem_shared>>
        %dma_start3A_469 = arith.constant 0 : i32
        %dma_start3A_470 = tpu.memref_slice %arg20[%add3A_466, %dma_start3A_469] : memref<12560x128xf32, #tpu.memory_space<vmem_shared>> -> memref<8x128xf32, #tpu.memory_space<vmem_shared>>
        tpu.enqueue_dma source(%arg10 : memref<8x128xf32, #tpu.memory_space<vmem>>) target(%dma_start3A_470 : memref<8x128xf32, #tpu.memory_space<vmem_shared>>) target_semaphore(%arg21 : memref<!tpu.dma_semaphore, #tpu.memory_space<semaphore_mem>>)
      }
      %scan3A_414 = arith.constant 98 : i32
      %add3A_415 = arith.constant 0 : i32
      %add3A_416 = arith.addi %mul3A_0, %add3A_415 : i32
      %dma_start3A = tpu.memref_slice %arg3[%add3A_416] : memref<540672xi32, #tpu.memory_space<hbm>> -> memref<1536xi32, #tpu.memory_space<hbm>>
      %dma_start3A_417 = tpu.memref_slice %arg3[%add3A_416] : memref<540672xi32, #tpu.memory_space<hbm>> -> memref<1536xi32, #tpu.memory_space<hbm>>
      tpu.enqueue_dma source(%dma_start3A_417 : memref<1536xi32, #tpu.memory_space<hbm>>) target(%arg6 : memref<1536xi32, #tpu.memory_space<vmem>>) target_semaphore(%arg22 : memref<!tpu.dma_semaphore, #tpu.memory_space<semaphore_mem>>)
      %scan3A_418 = arith.constant 0 : i32
      %scan3A_419 = arith.constant 0 : i32
      %scan3A_420 = arith.constant 98 : i32
      %scan3A_421 = arith.addi %scan3A_419, %scan3A_420 : i32
      %scan3A_422 = arith.constant 1 : i32
      scf.for %scan3A_461 = %scan3A_419 to %scan3A_421 step %scan3A_422  : i32 {
        %dma_wait3A = arith.constant 0 : i32
        %dma_wait3A_462 = arith.constant 0 : i32
        %dma_wait3A_463 = tpu.memref_slice %arg20[%dma_wait3A, %dma_wait3A_462] : memref<12560x128xf32, #tpu.memory_space<vmem_shared>> -> memref<8x128xf32, #tpu.memory_space<vmem_shared>>
        %dma_wait3A_464 = arith.constant 0 : i32
        %dma_wait3A_465 = arith.constant 0 : i32
        %dma_wait3A_466 = tpu.memref_slice %arg20[%dma_wait3A_464, %dma_wait3A_465] : memref<12560x128xf32, #tpu.memory_space<vmem_shared>> -> memref<8x128xf32, #tpu.memory_space<vmem_shared>>
        tpu.wait_dma2 semaphore(%arg21 : memref<!tpu.dma_semaphore, #tpu.memory_space<semaphore_mem>>) src(%arg10 : memref<8x128xf32, #tpu.memory_space<vmem>>) dst(%dma_wait3A_466 : memref<8x128xf32, #tpu.memory_space<vmem_shared>>)
      }
      %scan3A_423 = arith.constant 98 : i32
      %barrier3A = arith.constant 0 : index
      tpu.barrier barrier_id(%barrier3A)
      %scan3A_424 = arith.constant 0 : i32
      %scan3A_425 = arith.constant 0 : i32
      %scan3A_426 = arith.constant 11 : i32
      %scan3A_427 = arith.addi %scan3A_425, %scan3A_426 : i32
      %scan3A_428 = arith.constant 1 : i32
      %scan3A_429 = scf.for %scan3A_461 = %scan3A_425 to %scan3A_427 step %scan3A_428 iter_args(%scan3A_462 = %scan3A_424) -> (i32)  : i32 {
        %mul3A_463 = arith.constant 2 : i32
        %mul3A_464 = arith.muli %mul3A_463, %scan3A_461 : i32
        %dma_wait3A = arith.constant 0 : i32
        %dma_wait3A_465 = tpu.memref_slice %arg3[%dma_wait3A] : memref<540672xi32, #tpu.memory_space<hbm>> -> memref<1536xi32, #tpu.memory_space<hbm>>
        %dma_wait3A_466 = arith.constant 0 : i32
        %dma_wait3A_467 = tpu.memref_slice %arg3[%dma_wait3A_466] : memref<540672xi32, #tpu.memory_space<hbm>> -> memref<1536xi32, #tpu.memory_space<hbm>>
        tpu.wait_dma2 semaphore(%arg22 : memref<!tpu.dma_semaphore, #tpu.memory_space<semaphore_mem>>) src(%dma_wait3A_467 : memref<1536xi32, #tpu.memory_space<hbm>>) dst(%arg6 : memref<1536xi32, #tpu.memory_space<vmem>>)
        %add3A_468 = arith.constant 1 : i32
        %add3A_469 = arith.addi %mul3A_464, %add3A_468 : i32
        %lt3A = arith.constant 22 : i32
        %lt3A_470 = arith.cmpi slt, %add3A_469, %lt3A : i32
        %convert_element_type3A_471 = arith.extui %lt3A_470 : i1 to i32
        %cond3A_472 = arith.constant 0 : i32
        %cond3A_473 = arith.cmpi ne, %convert_element_type3A_471, %cond3A_472 : i32
        scf.if %cond3A_473 {
          %add3A_501 = arith.constant 1 : i32
          %add3A_502 = arith.addi %mul3A_464, %add3A_501 : i32
          %mul3A_503 = arith.constant 1536 : i32
          %mul3A_504 = arith.muli %add3A_502, %mul3A_503 : i32
          %add3A_505 = arith.addi %mul3A_0, %mul3A_504 : i32
          %dma_start3A_506 = tpu.memref_slice %arg3[%add3A_505] : memref<540672xi32, #tpu.memory_space<hbm>> -> memref<1536xi32, #tpu.memory_space<hbm>>
          %dma_start3A_507 = tpu.memref_slice %arg3[%add3A_505] : memref<540672xi32, #tpu.memory_space<hbm>> -> memref<1536xi32, #tpu.memory_space<hbm>>
          tpu.enqueue_dma source(%dma_start3A_507 : memref<1536xi32, #tpu.memory_space<hbm>>) target(%arg7 : memref<1536xi32, #tpu.memory_space<vmem>>) target_semaphore(%arg22 : memref<!tpu.dma_semaphore, #tpu.memory_space<semaphore_mem>>)
        } else {
        }
        %scan3A_474 = arith.constant 0 : i32
        %scan3A_475 = arith.constant 96 : i32
        %scan3A_476 = arith.addi %scan3A_474, %scan3A_475 : i32
        %scan3A_477 = arith.constant 1 : i32
        %scan3A_478 = scf.for %scan3A_501 = %scan3A_474 to %scan3A_476 step %scan3A_477 iter_args(%scan3A_502 = %scan3A_462) -> (i32)  : i32 {
          %mul3A_503 = arith.constant 16 : i32
          %mul3A_504 = arith.muli %scan3A_501, %mul3A_503 : i32
          %get3A_505 = arith.index_cast %mul3A_504 : i32 to index
          %get3A_506 = tpu.vector_load %arg6[%get3A_505] {strides = array<i32>} : memref<1536xi32, #tpu.memory_space<vmem>>, vector<16xi32>,
          %ge3A = arith.cmpi sge, %get3A_506, %broadcast_in_dim3A_405 : vector<16xi32>
          %lt3A_507 = arith.cmpi slt, %get3A_506, %broadcast_in_dim3A_408 : vector<16xi32>
          %and3A = arith.andi %ge3A, %lt3A_507 : vector<16xi1>
          %mul3A_508 = arith.constant 1536 : i32
          %mul3A_509 = arith.muli %mul3A_464, %mul3A_508 : i32
          %broadcast_in_dim3A_510 = vector.broadcast %mul3A_509 : i32 to vector<16xi32>
          %mul3A_511 = arith.constant 16 : i32
          %mul3A_512 = arith.muli %scan3A_501, %mul3A_511 : i32
          %broadcast_in_dim3A_513 = vector.broadcast %mul3A_512 : i32 to vector<16xi32>
          %add3A_514 = arith.addi %broadcast_in_dim3A_510, %broadcast_in_dim3A_513 : vector<16xi32>
          %shift_left3A_515 = arith.shli %add3A_514, %broadcast_in_dim3A_388 : vector<16xi32>
          %add3A_516 = arith.addi %shift_left3A_515, %shift_left3A : vector<16xi32>
          %sub3A_517 = arith.subi %get3A_506, %broadcast_in_dim3A_405 : vector<16xi32>
          %add3A_518 = arith.addi %add3A_516, %sub3A_517 : vector<16xi32>
          %convert_element_type3A_519 = arith.extui %and3A : vector<16xi1> to vector<16xi32>
          %broadcast_in_dim3A_520 = arith.constant true
          %broadcast_in_dim3A_521 = vector.broadcast %broadcast_in_dim3A_520 : i1 to vector<16xi1>
          %masked_cumsum3A = tpu.scan <sum>, %convert_element_type3A_519 masked %broadcast_in_dim3A_521 : vector<16xi32>, vector<16xi1> -> vector<16xi32>
          %sub3A_522 = arith.constant 1 : i32
          %sub3A_523 = arith.subi %scan3A_502, %sub3A_522 : i32
          %broadcast_in_dim3A_524 = vector.broadcast %sub3A_523 : i32 to vector<16xi32>
          %add3A_525 = arith.addi %broadcast_in_dim3A_524, %masked_cumsum3A : vector<16xi32>
          %and3A_526 = arith.andi %add3A_525, %broadcast_in_dim3A_385 : vector<16xi32>
          tpu.vector_store_idx %arg8[%and3A_526], %add3A_518 masked %and3A : memref<256xi32, #tpu.memory_space<vmem>>[vector<16xi32>], vector<16xi32>, vector<16xi1>
          %slice3A = vector.extract_strided_slice %masked_cumsum3A {offsets = [15], sizes = [1], strides = [1]} : vector<16xi32> to vector<1xi32>
          %squeeze3A = vector.extract %slice3A[0] : i32 from vector<1xi32>
          %add3A_527 = arith.addi %scan3A_502, %squeeze3A : i32
          %shift_right_arithmetic3A_528 = arith.constant 6 : i32
          %shift_right_arithmetic3A_529 = arith.shrsi %add3A_527, %shift_right_arithmetic3A_528 : i32
          %shift_right_arithmetic3A_530 = arith.constant 6 : i32
          %shift_right_arithmetic3A_531 = arith.shrsi %scan3A_502, %shift_right_arithmetic3A_530 : i32
          %gt3A = arith.cmpi sgt, %shift_right_arithmetic3A_529, %shift_right_arithmetic3A_531 : i32
          %convert_element_type3A_532 = arith.extui %gt3A : i1 to i32
          %cond3A_533 = arith.constant 0 : i32
          %cond3A_534 = arith.cmpi ne, %convert_element_type3A_532, %cond3A_533 : i32
          scf.if %cond3A_534 {
            %shift_right_arithmetic3A_535 = arith.constant 6 : i32
            %shift_right_arithmetic3A_536 = arith.shrsi %scan3A_502, %shift_right_arithmetic3A_535 : i32
            %rem3A_537 = arith.constant 3 : i32
            %rem3A_538 = arith.remsi %shift_right_arithmetic3A_536, %rem3A_537 : i32
            %eq3A_539 = arith.constant 0 : i32
            %eq3A_540 = arith.cmpi eq, %rem3A_538, %eq3A_539 : i32
            %convert_element_type3A_541 = arith.extui %eq3A_540 : i1 to i32
            %cond3A_542 = arith.constant 0 : i32
            %cond3A_543 = arith.cmpi ne, %convert_element_type3A_541, %cond3A_542 : i32
            scf.if %cond3A_543 {
              %gt3A_554 = arith.constant 0 : i32
              %gt3A_555 = arith.cmpi sgt, %shift_right_arithmetic3A_536, %gt3A_554 : i32
              %convert_element_type3A_556 = arith.extui %gt3A_555 : i1 to i32
              %cond3A_557 = arith.constant 0 : i32
              %cond3A_558 = arith.cmpi ne, %convert_element_type3A_556, %cond3A_557 : i32
              scf.if %cond3A_558 {
                %dma_wait3A_615 = arith.constant 0 : i32
                %dma_wait3A_616 = arith.constant 0 : i32
                %dma_wait3A_617 = tpu.memref_slice %arg2[%dma_wait3A_615, %dma_wait3A_616] : memref<540000x128xf32, #tpu.memory_space<hbm>> -> memref<540000x128xf32, #tpu.memory_space<hbm>>
                tpu.wait_indirect_dma semaphore(%arg25 : memref<!tpu.dma_semaphore, #tpu.memory_space<semaphore_mem>>) src(%dma_wait3A_617 : memref<540000x128xf32, #tpu.memory_space<hbm>>) dst(%arg19 : memref<64x128xf32, #tpu.memory_space<vmem>>)
                %dma_start3A_618 = arith.constant 0 : i32
                %dma_start3A_619 = arith.constant 0 : i32
                %dma_start3A_620 = tpu.memref_slice %arg20[%dma_start3A_618, %dma_start3A_619] : memref<12560x128xf32, #tpu.memory_space<vmem_shared>> -> memref<12560x128xf32, #tpu.memory_space<vmem_shared>>
                tpu.enqueue_indirect_dma source(%arg19 : memref<64x128xf32, #tpu.memory_space<vmem>>) target(%dma_start3A_620 : memref<12560x128xf32, #tpu.memory_space<vmem_shared>>) offsets(%arg18 : memref<64xi32, #tpu.memory_space<vmem>>) semaphore(%arg28 : memref<!tpu.dma_semaphore, #tpu.memory_space<semaphore_mem>>) {add = true}
              } else {
              }
              %gt3A_559 = arith.constant 2 : i32
              %gt3A_560 = arith.cmpi sgt, %shift_right_arithmetic3A_536, %gt3A_559 : i32
              %convert_element_type3A_561 = arith.extui %gt3A_560 : i1 to i32
              %cond3A_562 = arith.constant 0 : i32
              %cond3A_563 = arith.cmpi ne, %convert_element_type3A_561, %cond3A_562 : i32
              scf.if %cond3A_563 {
                %dma_wait3A_615 = arith.constant 0 : i32
                %dma_wait3A_616 = arith.constant 0 : i32
                %dma_wait3A_617 = tpu.memref_slice %arg20[%dma_wait3A_615, %dma_wait3A_616] : memref<12560x128xf32, #tpu.memory_space<vmem_shared>> -> memref<12560x128xf32, #tpu.memory_space<vmem_shared>>
                tpu.wait_indirect_dma semaphore(%arg26 : memref<!tpu.dma_semaphore, #tpu.memory_space<semaphore_mem>>) src(%arg13 : memref<64x128xf32, #tpu.memory_space<vmem>>) dst(%dma_wait3A_617 : memref<12560x128xf32, #tpu.memory_space<vmem_shared>>)
              } else {
              }
              %and3A_564 = arith.constant 3 : i32
              %and3A_565 = arith.andi %shift_right_arithmetic3A_536, %and3A_564 : i32
              %mul3A_566 = arith.constant 64 : i32
              %mul3A_567 = arith.muli %and3A_565, %mul3A_566 : i32
              %add3A_568 = arith.constant 0 : i32
              %add3A_569 = arith.addi %mul3A_567, %add3A_568 : i32
              %get3A_570 = arith.index_cast %add3A_569 : i32 to index
              %get3A_571 = tpu.vector_load %arg8[%get3A_570] {strides = array<i32>} : memref<256xi32, #tpu.memory_space<vmem>>, vector<16xi32>,
              %shift_right_arithmetic3A_572 = arith.shrsi %get3A_571, %broadcast_in_dim3A_388 : vector<16xi32>
              %add3A_573 = arith.addi %shift_right_arithmetic3A_572, %broadcast_in_dim3A_386 : vector<16xi32>
              %swap3A_574 = arith.constant 0 : index
              %swap3A_575 = tpu.vector_load %arg11[%swap3A_574] {strides = array<i32>} : memref<64xi32, #tpu.memory_space<vmem>>, vector<16xi32>,
              tpu.vector_store %arg11[%swap3A_574], %add3A_573 {strides = array<i32>} : memref<64xi32, #tpu.memory_space<vmem>>, vector<16xi32>,
              %and3A_576 = arith.andi %get3A_571, %broadcast_in_dim3A_390 : vector<16xi32>
              %swap3A_577 = arith.constant 0 : index
              %swap3A_578 = tpu.vector_load %arg12[%swap3A_577] {strides = array<i32>} : memref<64xi32, #tpu.memory_space<vmem>>, vector<16xi32>,
              tpu.vector_store %arg12[%swap3A_577], %and3A_576 {strides = array<i32>} : memref<64xi32, #tpu.memory_space<vmem>>, vector<16xi32>,
              %add3A_579 = arith.constant 16 : i32
              %add3A_580 = arith.addi %mul3A_567, %add3A_579 : i32
              %get3A_581 = arith.index_cast %add3A_580 : i32 to index
              %get3A_582 = tpu.vector_load %arg8[%get3A_581] {strides = array<i32>} : memref<256xi32, #tpu.memory_space<vmem>>, vector<16xi32>,
              %shift_right_arithmetic3A_583 = arith.shrsi %get3A_582, %broadcast_in_dim3A_388 : vector<16xi32>
              %add3A_584 = arith.addi %shift_right_arithmetic3A_583, %broadcast_in_dim3A_386 : vector<16xi32>
              %swap3A_585 = arith.constant 16 : index
              %swap3A_586 = tpu.vector_load %arg11[%swap3A_585] {strides = array<i32>} : memref<64xi32, #tpu.memory_space<vmem>>, vector<16xi32>,
              tpu.vector_store %arg11[%swap3A_585], %add3A_584 {strides = array<i32>} : memref<64xi32, #tpu.memory_space<vmem>>, vector<16xi32>,
              %and3A_587 = arith.andi %get3A_582, %broadcast_in_dim3A_390 : vector<16xi32>
              %swap3A_588 = arith.constant 16 : index
              %swap3A_589 = tpu.vector_load %arg12[%swap3A_588] {strides = array<i32>} : memref<64xi32, #tpu.memory_space<vmem>>, vector<16xi32>,
              tpu.vector_store %arg12[%swap3A_588], %and3A_587 {strides = array<i32>} : memref<64xi32, #tpu.memory_space<vmem>>, vector<16xi32>,
              %add3A_590 = arith.constant 32 : i32
              %add3A_591 = arith.addi %mul3A_567, %add3A_590 : i32
              %get3A_592 = arith.index_cast %add3A_591 : i32 to index
              %get3A_593 = tpu.vector_load %arg8[%get3A_592] {strides = array<i32>} : memref<256xi32, #tpu.memory_space<vmem>>, vector<16xi32>,
              %shift_right_arithmetic3A_594 = arith.shrsi %get3A_593, %broadcast_in_dim3A_388 : vector<16xi32>
              %add3A_595 = arith.addi %shift_right_arithmetic3A_594, %broadcast_in_dim3A_386 : vector<16xi32>
              %swap3A_596 = arith.constant 32 : index
              %swap3A_597 = tpu.vector_load %arg11[%swap3A_596] {strides = array<i32>} : memref<64xi32, #tpu.memory_space<vmem>>, vector<16xi32>,
              tpu.vector_store %arg11[%swap3A_596], %add3A_595 {strides = array<i32>} : memref<64xi32, #tpu.memory_space<vmem>>, vector<16xi32>,
              %and3A_598 = arith.andi %get3A_593, %broadcast_in_dim3A_390 : vector<16xi32>
              %swap3A_599 = arith.constant 32 : index
              %swap3A_600 = tpu.vector_load %arg12[%swap3A_599] {strides = array<i32>} : memref<64xi32, #tpu.memory_space<vmem>>, vector<16xi32>,
              tpu.vector_store %arg12[%swap3A_599], %and3A_598 {strides = array<i32>} : memref<64xi32, #tpu.memory_space<vmem>>, vector<16xi32>,
              %add3A_601 = arith.constant 48 : i32
              %add3A_602 = arith.addi %mul3A_567, %add3A_601 : i32
              %get3A_603 = arith.index_cast %add3A_602 : i32 to index
              %get3A_604 = tpu.vector_load %arg8[%get3A_603] {strides = array<i32>} : memref<256xi32, #tpu.memory_space<vmem>>, vector<16xi32>,
              %shift_right_arithmetic3A_605 = arith.shrsi %get3A_604, %broadcast_in_dim3A_388 : vector<16xi32>
              %add3A_606 = arith.addi %shift_right_arithmetic3A_605, %broadcast_in_dim3A_386 : vector<16xi32>
              %swap3A_607 = arith.constant 48 : index
              %swap3A_608 = tpu.vector_load %arg11[%swap3A_607] {strides = array<i32>} : memref<64xi32, #tpu.memory_space<vmem>>, vector<16xi32>,
              tpu.vector_store %arg11[%swap3A_607], %add3A_606 {strides = array<i32>} : memref<64xi32, #tpu.memory_space<vmem>>, vector<16xi32>,
              %and3A_609 = arith.andi %get3A_604, %broadcast_in_dim3A_390 : vector<16xi32>
              %swap3A_610 = arith.constant 48 : index
              %swap3A_611 = tpu.vector_load %arg12[%swap3A_610] {strides = array<i32>} : memref<64xi32, #tpu.memory_space<vmem>>, vector<16xi32>,
              tpu.vector_store %arg12[%swap3A_610], %and3A_609 {strides = array<i32>} : memref<64xi32, #tpu.memory_space<vmem>>, vector<16xi32>,
              %dma_start3A_612 = arith.constant 0 : i32
              %dma_start3A_613 = arith.constant 0 : i32
              %dma_start3A_614 = tpu.memref_slice %arg2[%dma_start3A_612, %dma_start3A_613] : memref<540000x128xf32, #tpu.memory_space<hbm>> -> memref<540000x128xf32, #tpu.memory_space<hbm>>
              tpu.enqueue_indirect_dma source(%dma_start3A_614 : memref<540000x128xf32, #tpu.memory_space<hbm>>) target(%arg13 : memref<64x128xf32, #tpu.memory_space<vmem>>) offsets(%arg11 : memref<64xi32, #tpu.memory_space<vmem>>) semaphore(%arg23 : memref<!tpu.dma_semaphore, #tpu.memory_space<semaphore_mem>>)
            } else {
            }
            %eq3A_544 = arith.constant 1 : i32
            %eq3A_545 = arith.cmpi eq, %rem3A_538, %eq3A_544 : i32
            %convert_element_type3A_546 = arith.extui %eq3A_545 : i1 to i32
            %cond3A_547 = arith.constant 0 : i32
            %cond3A_548 = arith.cmpi ne, %convert_element_type3A_546, %cond3A_547 : i32
            scf.if %cond3A_548 {
              %gt3A_554 = arith.constant 0 : i32
              %gt3A_555 = arith.cmpi sgt, %shift_right_arithmetic3A_536, %gt3A_554 : i32
              %convert_element_type3A_556 = arith.extui %gt3A_555 : i1 to i32
              %cond3A_557 = arith.constant 0 : i32
              %cond3A_558 = arith.cmpi ne, %convert_element_type3A_556, %cond3A_557 : i32
              scf.if %cond3A_558 {
                %dma_wait3A_615 = arith.constant 0 : i32
                %dma_wait3A_616 = arith.constant 0 : i32
                %dma_wait3A_617 = tpu.memref_slice %arg2[%dma_wait3A_615, %dma_wait3A_616] : memref<540000x128xf32, #tpu.memory_space<hbm>> -> memref<540000x128xf32, #tpu.memory_space<hbm>>
                tpu.wait_indirect_dma semaphore(%arg23 : memref<!tpu.dma_semaphore, #tpu.memory_space<semaphore_mem>>) src(%dma_wait3A_617 : memref<540000x128xf32, #tpu.memory_space<hbm>>) dst(%arg13 : memref<64x128xf32, #tpu.memory_space<vmem>>)
                %dma_start3A_618 = arith.constant 0 : i32
                %dma_start3A_619 = arith.constant 0 : i32
                %dma_start3A_620 = tpu.memref_slice %arg20[%dma_start3A_618, %dma_start3A_619] : memref<12560x128xf32, #tpu.memory_space<vmem_shared>> -> memref<12560x128xf32, #tpu.memory_space<vmem_shared>>
                tpu.enqueue_indirect_dma source(%arg13 : memref<64x128xf32, #tpu.memory_space<vmem>>) target(%dma_start3A_620 : memref<12560x128xf32, #tpu.memory_space<vmem_shared>>) offsets(%arg12 : memref<64xi32, #tpu.memory_space<vmem>>) semaphore(%arg26 : memref<!tpu.dma_semaphore, #tpu.memory_space<semaphore_mem>>) {add = true}
              } else {
              }
              %gt3A_559 = arith.constant 2 : i32
              %gt3A_560 = arith.cmpi sgt, %shift_right_arithmetic3A_536, %gt3A_559 : i32
              %convert_element_type3A_561 = arith.extui %gt3A_560 : i1 to i32
              %cond3A_562 = arith.constant 0 : i32
              %cond3A_563 = arith.cmpi ne, %convert_element_type3A_561, %cond3A_562 : i32
              scf.if %cond3A_563 {
                %dma_wait3A_615 = arith.constant 0 : i32
                %dma_wait3A_616 = arith.constant 0 : i32
                %dma_wait3A_617 = tpu.memref_slice %arg20[%dma_wait3A_615, %dma_wait3A_616] : memref<12560x128xf32, #tpu.memory_space<vmem_shared>> -> memref<12560x128xf32, #tpu.memory_space<vmem_shared>>
                tpu.wait_indirect_dma semaphore(%arg27 : memref<!tpu.dma_semaphore, #tpu.memory_space<semaphore_mem>>) src(%arg16 : memref<64x128xf32, #tpu.memory_space<vmem>>) dst(%dma_wait3A_617 : memref<12560x128xf32, #tpu.memory_space<vmem_shared>>)
              } else {
              }
              %and3A_564 = arith.constant 3 : i32
              %and3A_565 = arith.andi %shift_right_arithmetic3A_536, %and3A_564 : i32
              %mul3A_566 = arith.constant 64 : i32
              %mul3A_567 = arith.muli %and3A_565, %mul3A_566 : i32
              %add3A_568 = arith.constant 0 : i32
              %add3A_569 = arith.addi %mul3A_567, %add3A_568 : i32
              %get3A_570 = arith.index_cast %add3A_569 : i32 to index
              %get3A_571 = tpu.vector_load %arg8[%get3A_570] {strides = array<i32>} : memref<256xi32, #tpu.memory_space<vmem>>, vector<16xi32>,
              %shift_right_arithmetic3A_572 = arith.shrsi %get3A_571, %broadcast_in_dim3A_388 : vector<16xi32>
              %add3A_573 = arith.addi %shift_right_arithmetic3A_572, %broadcast_in_dim3A_386 : vector<16xi32>
              %swap3A_574 = arith.constant 0 : index
              %swap3A_575 = tpu.vector_load %arg14[%swap3A_574] {strides = array<i32>} : memref<64xi32, #tpu.memory_space<vmem>>, vector<16xi32>,
              tpu.vector_store %arg14[%swap3A_574], %add3A_573 {strides = array<i32>} : memref<64xi32, #tpu.memory_space<vmem>>, vector<16xi32>,
              %and3A_576 = arith.andi %get3A_571, %broadcast_in_dim3A_390 : vector<16xi32>
              %swap3A_577 = arith.constant 0 : index
              %swap3A_578 = tpu.vector_load %arg15[%swap3A_577] {strides = array<i32>} : memref<64xi32, #tpu.memory_space<vmem>>, vector<16xi32>,
              tpu.vector_store %arg15[%swap3A_577], %and3A_576 {strides = array<i32>} : memref<64xi32, #tpu.memory_space<vmem>>, vector<16xi32>,
              %add3A_579 = arith.constant 16 : i32
              %add3A_580 = arith.addi %mul3A_567, %add3A_579 : i32
              %get3A_581 = arith.index_cast %add3A_580 : i32 to index
              %get3A_582 = tpu.vector_load %arg8[%get3A_581] {strides = array<i32>} : memref<256xi32, #tpu.memory_space<vmem>>, vector<16xi32>,
              %shift_right_arithmetic3A_583 = arith.shrsi %get3A_582, %broadcast_in_dim3A_388 : vector<16xi32>
              %add3A_584 = arith.addi %shift_right_arithmetic3A_583, %broadcast_in_dim3A_386 : vector<16xi32>
              %swap3A_585 = arith.constant 16 : index
              %swap3A_586 = tpu.vector_load %arg14[%swap3A_585] {strides = array<i32>} : memref<64xi32, #tpu.memory_space<vmem>>, vector<16xi32>,
              tpu.vector_store %arg14[%swap3A_585], %add3A_584 {strides = array<i32>} : memref<64xi32, #tpu.memory_space<vmem>>, vector<16xi32>,
              %and3A_587 = arith.andi %get3A_582, %broadcast_in_dim3A_390 : vector<16xi32>
              %swap3A_588 = arith.constant 16 : index
              %swap3A_589 = tpu.vector_load %arg15[%swap3A_588] {strides = array<i32>} : memref<64xi32, #tpu.memory_space<vmem>>, vector<16xi32>,
              tpu.vector_store %arg15[%swap3A_588], %and3A_587 {strides = array<i32>} : memref<64xi32, #tpu.memory_space<vmem>>, vector<16xi32>,
              %add3A_590 = arith.constant 32 : i32
              %add3A_591 = arith.addi %mul3A_567, %add3A_590 : i32
              %get3A_592 = arith.index_cast %add3A_591 : i32 to index
              %get3A_593 = tpu.vector_load %arg8[%get3A_592] {strides = array<i32>} : memref<256xi32, #tpu.memory_space<vmem>>, vector<16xi32>,
              %shift_right_arithmetic3A_594 = arith.shrsi %get3A_593, %broadcast_in_dim3A_388 : vector<16xi32>
              %add3A_595 = arith.addi %shift_right_arithmetic3A_594, %broadcast_in_dim3A_386 : vector<16xi32>
              %swap3A_596 = arith.constant 32 : index
              %swap3A_597 = tpu.vector_load %arg14[%swap3A_596] {strides = array<i32>} : memref<64xi32, #tpu.memory_space<vmem>>, vector<16xi32>,
              tpu.vector_store %arg14[%swap3A_596], %add3A_595 {strides = array<i32>} : memref<64xi32, #tpu.memory_space<vmem>>, vector<16xi32>,
              %and3A_598 = arith.andi %get3A_593, %broadcast_in_dim3A_390 : vector<16xi32>
              %swap3A_599 = arith.constant 32 : index
              %swap3A_600 = tpu.vector_load %arg15[%swap3A_599] {strides = array<i32>} : memref<64xi32, #tpu.memory_space<vmem>>, vector<16xi32>,
              tpu.vector_store %arg15[%swap3A_599], %and3A_598 {strides = array<i32>} : memref<64xi32, #tpu.memory_space<vmem>>, vector<16xi32>,
              %add3A_601 = arith.constant 48 : i32
              %add3A_602 = arith.addi %mul3A_567, %add3A_601 : i32
              %get3A_603 = arith.index_cast %add3A_602 : i32 to index
              %get3A_604 = tpu.vector_load %arg8[%get3A_603] {strides = array<i32>} : memref<256xi32, #tpu.memory_space<vmem>>, vector<16xi32>,
              %shift_right_arithmetic3A_605 = arith.shrsi %get3A_604, %broadcast_in_dim3A_388 : vector<16xi32>
              %add3A_606 = arith.addi %shift_right_arithmetic3A_605, %broadcast_in_dim3A_386 : vector<16xi32>
              %swap3A_607 = arith.constant 48 : index
              %swap3A_608 = tpu.vector_load %arg14[%swap3A_607] {strides = array<i32>} : memref<64xi32, #tpu.memory_space<vmem>>, vector<16xi32>,
              tpu.vector_store %arg14[%swap3A_607], %add3A_606 {strides = array<i32>} : memref<64xi32, #tpu.memory_space<vmem>>, vector<16xi32>,
              %and3A_609 = arith.andi %get3A_604, %broadcast_in_dim3A_390 : vector<16xi32>
              %swap3A_610 = arith.constant 48 : index
              %swap3A_611 = tpu.vector_load %arg15[%swap3A_610] {strides = array<i32>} : memref<64xi32, #tpu.memory_space<vmem>>, vector<16xi32>,
              tpu.vector_store %arg15[%swap3A_610], %and3A_609 {strides = array<i32>} : memref<64xi32, #tpu.memory_space<vmem>>, vector<16xi32>,
              %dma_start3A_612 = arith.constant 0 : i32
              %dma_start3A_613 = arith.constant 0 : i32
              %dma_start3A_614 = tpu.memref_slice %arg2[%dma_start3A_612, %dma_start3A_613] : memref<540000x128xf32, #tpu.memory_space<hbm>> -> memref<540000x128xf32, #tpu.memory_space<hbm>>
              tpu.enqueue_indirect_dma source(%dma_start3A_614 : memref<540000x128xf32, #tpu.memory_space<hbm>>) target(%arg16 : memref<64x128xf32, #tpu.memory_space<vmem>>) offsets(%arg14 : memref<64xi32, #tpu.memory_space<vmem>>) semaphore(%arg24 : memref<!tpu.dma_semaphore, #tpu.memory_space<semaphore_mem>>)
            } else {
            }
            %eq3A_549 = arith.constant 2 : i32
            %eq3A_550 = arith.cmpi eq, %rem3A_538, %eq3A_549 : i32
            %convert_element_type3A_551 = arith.extui %eq3A_550 : i1 to i32
            %cond3A_552 = arith.constant 0 : i32
            %cond3A_553 = arith.cmpi ne, %convert_element_type3A_551, %cond3A_552 : i32
            scf.if %cond3A_553 {
              %gt3A_554 = arith.constant 0 : i32
              %gt3A_555 = arith.cmpi sgt, %shift_right_arithmetic3A_536, %gt3A_554 : i32
              %convert_element_type3A_556 = arith.extui %gt3A_555 : i1 to i32
              %cond3A_557 = arith.constant 0 : i32
              %cond3A_558 = arith.cmpi ne, %convert_element_type3A_556, %cond3A_557 : i32
              scf.if %cond3A_558 {
                %dma_wait3A_615 = arith.constant 0 : i32
                %dma_wait3A_616 = arith.constant 0 : i32
                %dma_wait3A_617 = tpu.memref_slice %arg2[%dma_wait3A_615, %dma_wait3A_616] : memref<540000x128xf32, #tpu.memory_space<hbm>> -> memref<540000x128xf32, #tpu.memory_space<hbm>>
                tpu.wait_indirect_dma semaphore(%arg24 : memref<!tpu.dma_semaphore, #tpu.memory_space<semaphore_mem>>) src(%dma_wait3A_617 : memref<540000x128xf32, #tpu.memory_space<hbm>>) dst(%arg16 : memref<64x128xf32, #tpu.memory_space<vmem>>)
                %dma_start3A_618 = arith.constant 0 : i32
                %dma_start3A_619 = arith.constant 0 : i32
                %dma_start3A_620 = tpu.memref_slice %arg20[%dma_start3A_618, %dma_start3A_619] : memref<12560x128xf32, #tpu.memory_space<vmem_shared>> -> memref<12560x128xf32, #tpu.memory_space<vmem_shared>>
                tpu.enqueue_indirect_dma source(%arg16 : memref<64x128xf32, #tpu.memory_space<vmem>>) target(%dma_start3A_620 : memref<12560x128xf32, #tpu.memory_space<vmem_shared>>) offsets(%arg15 : memref<64xi32, #tpu.memory_space<vmem>>) semaphore(%arg27 : memref<!tpu.dma_semaphore, #tpu.memory_space<semaphore_mem>>) {add = true}
              } else {
              }
              %gt3A_559 = arith.constant 2 : i32
              %gt3A_560 = arith.cmpi sgt, %shift_right_arithmetic3A_536, %gt3A_559 : i32
              %convert_element_type3A_561 = arith.extui %gt3A_560 : i1 to i32
              %cond3A_562 = arith.constant 0 : i32
              %cond3A_563 = arith.cmpi ne, %convert_element_type3A_561, %cond3A_562 : i32
              scf.if %cond3A_563 {
                %dma_wait3A_615 = arith.constant 0 : i32
                %dma_wait3A_616 = arith.constant 0 : i32
                %dma_wait3A_617 = tpu.memref_slice %arg20[%dma_wait3A_615, %dma_wait3A_616] : memref<12560x128xf32, #tpu.memory_space<vmem_shared>> -> memref<12560x128xf32, #tpu.memory_space<vmem_shared>>
                tpu.wait_indirect_dma semaphore(%arg28 : memref<!tpu.dma_semaphore, #tpu.memory_space<semaphore_mem>>) src(%arg19 : memref<64x128xf32, #tpu.memory_space<vmem>>) dst(%dma_wait3A_617 : memref<12560x128xf32, #tpu.memory_space<vmem_shared>>)
              } else {
              }
              %and3A_564 = arith.constant 3 : i32
              %and3A_565 = arith.andi %shift_right_arithmetic3A_536, %and3A_564 : i32
              %mul3A_566 = arith.constant 64 : i32
              %mul3A_567 = arith.muli %and3A_565, %mul3A_566 : i32
              %add3A_568 = arith.constant 0 : i32
              %add3A_569 = arith.addi %mul3A_567, %add3A_568 : i32
              %get3A_570 = arith.index_cast %add3A_569 : i32 to index
              %get3A_571 = tpu.vector_load %arg8[%get3A_570] {strides = array<i32>} : memref<256xi32, #tpu.memory_space<vmem>>, vector<16xi32>,
              %shift_right_arithmetic3A_572 = arith.shrsi %get3A_571, %broadcast_in_dim3A_388 : vector<16xi32>
              %add3A_573 = arith.addi %shift_right_arithmetic3A_572, %broadcast_in_dim3A_386 : vector<16xi32>
              %swap3A_574 = arith.constant 0 : index
              %swap3A_575 = tpu.vector_load %arg17[%swap3A_574] {strides = array<i32>} : memref<64xi32, #tpu.memory_space<vmem>>, vector<16xi32>,
              tpu.vector_store %arg17[%swap3A_574], %add3A_573 {strides = array<i32>} : memref<64xi32, #tpu.memory_space<vmem>>, vector<16xi32>,
              %and3A_576 = arith.andi %get3A_571, %broadcast_in_dim3A_390 : vector<16xi32>
              %swap3A_577 = arith.constant 0 : index
              %swap3A_578 = tpu.vector_load %arg18[%swap3A_577] {strides = array<i32>} : memref<64xi32, #tpu.memory_space<vmem>>, vector<16xi32>,
              tpu.vector_store %arg18[%swap3A_577], %and3A_576 {strides = array<i32>} : memref<64xi32, #tpu.memory_space<vmem>>, vector<16xi32>,
              %add3A_579 = arith.constant 16 : i32
              %add3A_580 = arith.addi %mul3A_567, %add3A_579 : i32
              %get3A_581 = arith.index_cast %add3A_580 : i32 to index
              %get3A_582 = tpu.vector_load %arg8[%get3A_581] {strides = array<i32>} : memref<256xi32, #tpu.memory_space<vmem>>, vector<16xi32>,
              %shift_right_arithmetic3A_583 = arith.shrsi %get3A_582, %broadcast_in_dim3A_388 : vector<16xi32>
              %add3A_584 = arith.addi %shift_right_arithmetic3A_583, %broadcast_in_dim3A_386 : vector<16xi32>
              %swap3A_585 = arith.constant 16 : index
              %swap3A_586 = tpu.vector_load %arg17[%swap3A_585] {strides = array<i32>} : memref<64xi32, #tpu.memory_space<vmem>>, vector<16xi32>,
              tpu.vector_store %arg17[%swap3A_585], %add3A_584 {strides = array<i32>} : memref<64xi32, #tpu.memory_space<vmem>>, vector<16xi32>,
              %and3A_587 = arith.andi %get3A_582, %broadcast_in_dim3A_390 : vector<16xi32>
              %swap3A_588 = arith.constant 16 : index
              %swap3A_589 = tpu.vector_load %arg18[%swap3A_588] {strides = array<i32>} : memref<64xi32, #tpu.memory_space<vmem>>, vector<16xi32>,
              tpu.vector_store %arg18[%swap3A_588], %and3A_587 {strides = array<i32>} : memref<64xi32, #tpu.memory_space<vmem>>, vector<16xi32>,
              %add3A_590 = arith.constant 32 : i32
              %add3A_591 = arith.addi %mul3A_567, %add3A_590 : i32
              %get3A_592 = arith.index_cast %add3A_591 : i32 to index
              %get3A_593 = tpu.vector_load %arg8[%get3A_592] {strides = array<i32>} : memref<256xi32, #tpu.memory_space<vmem>>, vector<16xi32>,
              %shift_right_arithmetic3A_594 = arith.shrsi %get3A_593, %broadcast_in_dim3A_388 : vector<16xi32>
              %add3A_595 = arith.addi %shift_right_arithmetic3A_594, %broadcast_in_dim3A_386 : vector<16xi32>
              %swap3A_596 = arith.constant 32 : index
              %swap3A_597 = tpu.vector_load %arg17[%swap3A_596] {strides = array<i32>} : memref<64xi32, #tpu.memory_space<vmem>>, vector<16xi32>,
              tpu.vector_store %arg17[%swap3A_596], %add3A_595 {strides = array<i32>} : memref<64xi32, #tpu.memory_space<vmem>>, vector<16xi32>,
              %and3A_598 = arith.andi %get3A_593, %broadcast_in_dim3A_390 : vector<16xi32>
              %swap3A_599 = arith.constant 32 : index
              %swap3A_600 = tpu.vector_load %arg18[%swap3A_599] {strides = array<i32>} : memref<64xi32, #tpu.memory_space<vmem>>, vector<16xi32>,
              tpu.vector_store %arg18[%swap3A_599], %and3A_598 {strides = array<i32>} : memref<64xi32, #tpu.memory_space<vmem>>, vector<16xi32>,
              %add3A_601 = arith.constant 48 : i32
              %add3A_602 = arith.addi %mul3A_567, %add3A_601 : i32
              %get3A_603 = arith.index_cast %add3A_602 : i32 to index
              %get3A_604 = tpu.vector_load %arg8[%get3A_603] {strides = array<i32>} : memref<256xi32, #tpu.memory_space<vmem>>, vector<16xi32>,
              %shift_right_arithmetic3A_605 = arith.shrsi %get3A_604, %broadcast_in_dim3A_388 : vector<16xi32>
              %add3A_606 = arith.addi %shift_right_arithmetic3A_605, %broadcast_in_dim3A_386 : vector<16xi32>
              %swap3A_607 = arith.constant 48 : index
              %swap3A_608 = tpu.vector_load %arg17[%swap3A_607] {strides = array<i32>} : memref<64xi32, #tpu.memory_space<vmem>>, vector<16xi32>,
              tpu.vector_store %arg17[%swap3A_607], %add3A_606 {strides = array<i32>} : memref<64xi32, #tpu.memory_space<vmem>>, vector<16xi32>,
              %and3A_609 = arith.andi %get3A_604, %broadcast_in_dim3A_390 : vector<16xi32>
              %swap3A_610 = arith.constant 48 : index
              %swap3A_611 = tpu.vector_load %arg18[%swap3A_610] {strides = array<i32>} : memref<64xi32, #tpu.memory_space<vmem>>, vector<16xi32>,
              tpu.vector_store %arg18[%swap3A_610], %and3A_609 {strides = array<i32>} : memref<64xi32, #tpu.memory_space<vmem>>, vector<16xi32>,
              %dma_start3A_612 = arith.constant 0 : i32
              %dma_start3A_613 = arith.constant 0 : i32
              %dma_start3A_614 = tpu.memref_slice %arg2[%dma_start3A_612, %dma_start3A_613] : memref<540000x128xf32, #tpu.memory_space<hbm>> -> memref<540000x128xf32, #tpu.memory_space<hbm>>
              tpu.enqueue_indirect_dma source(%dma_start3A_614 : memref<540000x128xf32, #tpu.memory_space<hbm>>) target(%arg19 : memref<64x128xf32, #tpu.memory_space<vmem>>) offsets(%arg17 : memref<64xi32, #tpu.memory_space<vmem>>) semaphore(%arg25 : memref<!tpu.dma_semaphore, #tpu.memory_space<semaphore_mem>>)
            } else {
            }
          } else {
          }
          scf.yield %add3A_527 : i32
        }
        %scan3A_479 = arith.constant 96 : i32
        %mul3A_480 = arith.constant 2 : i32
        %mul3A_481 = arith.muli %mul3A_480, %scan3A_461 : i32
        %add3A_482 = arith.constant 1 : i32
        %add3A_483 = arith.addi %mul3A_481, %add3A_482 : i32
        %dma_wait3A_484 = arith.constant 0 : i32
        %dma_wait3A_485 = tpu.memref_slice %arg3[%dma_wait3A_484] : memref<540672xi32, #tpu.memory_space<hbm>> -> memref<1536xi32, #tpu.memory_space<hbm>>
        %dma_wait3A_486 = arith.constant 0 : i32
        %dma_wait3A_487 = tpu.memref_slice %arg3[%dma_wait3A_486] : memref<540672xi32, #tpu.memory_space<hbm>> -> memref<1536xi32, #tpu.memory_space<hbm>>
        tpu.wait_dma2 semaphore(%arg22 : memref<!tpu.dma_semaphore, #tpu.memory_space<semaphore_mem>>) src(%dma_wait3A_487 : memref<1536xi32, #tpu.memory_space<hbm>>) dst(%arg7 : memref<1536xi32, #tpu.memory_space<vmem>>)
        %add3A_488 = arith.constant 1 : i32
        %add3A_489 = arith.addi %add3A_483, %add3A_488 : i32
        %lt3A_490 = arith.constant 22 : i32
        %lt3A_491 = arith.cmpi slt, %add3A_489, %lt3A_490 : i32
        %convert_element_type3A_492 = arith.extui %lt3A_491 : i1 to i32
        %cond3A_493 = arith.constant 0 : i32
        %cond3A_494 = arith.cmpi ne, %convert_element_type3A_492, %cond3A_493 : i32
        scf.if %cond3A_494 {
          %add3A_501 = arith.constant 1 : i32
          %add3A_502 = arith.addi %add3A_483, %add3A_501 : i32
          %mul3A_503 = arith.constant 1536 : i32
          %mul3A_504 = arith.muli %add3A_502, %mul3A_503 : i32
          %add3A_505 = arith.addi %mul3A_0, %mul3A_504 : i32
          %dma_start3A_506 = tpu.memref_slice %arg3[%add3A_505] : memref<540672xi32, #tpu.memory_space<hbm>> -> memref<1536xi32, #tpu.memory_space<hbm>>
          %dma_start3A_507 = tpu.memref_slice %arg3[%add3A_505] : memref<540672xi32, #tpu.memory_space<hbm>> -> memref<1536xi32, #tpu.memory_space<hbm>>
          tpu.enqueue_dma source(%dma_start3A_507 : memref<1536xi32, #tpu.memory_space<hbm>>) target(%arg6 : memref<1536xi32, #tpu.memory_space<vmem>>) target_semaphore(%arg22 : memref<!tpu.dma_semaphore, #tpu.memory_space<semaphore_mem>>)
        } else {
        }
        %scan3A_495 = arith.constant 0 : i32
        %scan3A_496 = arith.constant 96 : i32
        %scan3A_497 = arith.addi %scan3A_495, %scan3A_496 : i32
        %scan3A_498 = arith.constant 1 : i32
        %scan3A_499 = scf.for %scan3A_501 = %scan3A_495 to %scan3A_497 step %scan3A_498 iter_args(%scan3A_502 = %scan3A_478) -> (i32)  : i32 {
          %mul3A_503 = arith.constant 16 : i32
          %mul3A_504 = arith.muli %scan3A_501, %mul3A_503 : i32
          %get3A_505 = arith.index_cast %mul3A_504 : i32 to index
          %get3A_506 = tpu.vector_load %arg7[%get3A_505] {strides = array<i32>} : memref<1536xi32, #tpu.memory_space<vmem>>, vector<16xi32>,
          %ge3A = arith.cmpi sge, %get3A_506, %broadcast_in_dim3A_405 : vector<16xi32>
          %lt3A_507 = arith.cmpi slt, %get3A_506, %broadcast_in_dim3A_408 : vector<16xi32>
          %and3A = arith.andi %ge3A, %lt3A_507 : vector<16xi1>
          %mul3A_508 = arith.constant 1536 : i32
          %mul3A_509 = arith.muli %add3A_483, %mul3A_508 : i32
          %broadcast_in_dim3A_510 = vector.broadcast %mul3A_509 : i32 to vector<16xi32>
          %mul3A_511 = arith.constant 16 : i32
          %mul3A_512 = arith.muli %scan3A_501, %mul3A_511 : i32
          %broadcast_in_dim3A_513 = vector.broadcast %mul3A_512 : i32 to vector<16xi32>
          %add3A_514 = arith.addi %broadcast_in_dim3A_510, %broadcast_in_dim3A_513 : vector<16xi32>
          %shift_left3A_515 = arith.shli %add3A_514, %broadcast_in_dim3A_388 : vector<16xi32>
          %add3A_516 = arith.addi %shift_left3A_515, %shift_left3A : vector<16xi32>
          %sub3A_517 = arith.subi %get3A_506, %broadcast_in_dim3A_405 : vector<16xi32>
          %add3A_518 = arith.addi %add3A_516, %sub3A_517 : vector<16xi32>
          %convert_element_type3A_519 = arith.extui %and3A : vector<16xi1> to vector<16xi32>
          %broadcast_in_dim3A_520 = arith.constant true
          %broadcast_in_dim3A_521 = vector.broadcast %broadcast_in_dim3A_520 : i1 to vector<16xi1>
          %masked_cumsum3A = tpu.scan <sum>, %convert_element_type3A_519 masked %broadcast_in_dim3A_521 : vector<16xi32>, vector<16xi1> -> vector<16xi32>
          %sub3A_522 = arith.constant 1 : i32
          %sub3A_523 = arith.subi %scan3A_502, %sub3A_522 : i32
          %broadcast_in_dim3A_524 = vector.broadcast %sub3A_523 : i32 to vector<16xi32>
          %add3A_525 = arith.addi %broadcast_in_dim3A_524, %masked_cumsum3A : vector<16xi32>
          %and3A_526 = arith.andi %add3A_525, %broadcast_in_dim3A_385 : vector<16xi32>
          tpu.vector_store_idx %arg8[%and3A_526], %add3A_518 masked %and3A : memref<256xi32, #tpu.memory_space<vmem>>[vector<16xi32>], vector<16xi32>, vector<16xi1>
          %slice3A = vector.extract_strided_slice %masked_cumsum3A {offsets = [15], sizes = [1], strides = [1]} : vector<16xi32> to vector<1xi32>
          %squeeze3A = vector.extract %slice3A[0] : i32 from vector<1xi32>
          %add3A_527 = arith.addi %scan3A_502, %squeeze3A : i32
          %shift_right_arithmetic3A_528 = arith.constant 6 : i32
          %shift_right_arithmetic3A_529 = arith.shrsi %add3A_527, %shift_right_arithmetic3A_528 : i32
          %shift_right_arithmetic3A_530 = arith.constant 6 : i32
          %shift_right_arithmetic3A_531 = arith.shrsi %scan3A_502, %shift_right_arithmetic3A_530 : i32
          %gt3A = arith.cmpi sgt, %shift_right_arithmetic3A_529, %shift_right_arithmetic3A_531 : i32
          %convert_element_type3A_532 = arith.extui %gt3A : i1 to i32
          %cond3A_533 = arith.constant 0 : i32
          %cond3A_534 = arith.cmpi ne, %convert_element_type3A_532, %cond3A_533 : i32
          scf.if %cond3A_534 {
            %shift_right_arithmetic3A_535 = arith.constant 6 : i32
            %shift_right_arithmetic3A_536 = arith.shrsi %scan3A_502, %shift_right_arithmetic3A_535 : i32
            %rem3A_537 = arith.constant 3 : i32
            %rem3A_538 = arith.remsi %shift_right_arithmetic3A_536, %rem3A_537 : i32
            %eq3A_539 = arith.constant 0 : i32
            %eq3A_540 = arith.cmpi eq, %rem3A_538, %eq3A_539 : i32
            %convert_element_type3A_541 = arith.extui %eq3A_540 : i1 to i32
            %cond3A_542 = arith.constant 0 : i32
            %cond3A_543 = arith.cmpi ne, %convert_element_type3A_541, %cond3A_542 : i32
            scf.if %cond3A_543 {
              %gt3A_554 = arith.constant 0 : i32
              %gt3A_555 = arith.cmpi sgt, %shift_right_arithmetic3A_536, %gt3A_554 : i32
              %convert_element_type3A_556 = arith.extui %gt3A_555 : i1 to i32
              %cond3A_557 = arith.constant 0 : i32
              %cond3A_558 = arith.cmpi ne, %convert_element_type3A_556, %cond3A_557 : i32
              scf.if %cond3A_558 {
                %dma_wait3A_615 = arith.constant 0 : i32
                %dma_wait3A_616 = arith.constant 0 : i32
                %dma_wait3A_617 = tpu.memref_slice %arg2[%dma_wait3A_615, %dma_wait3A_616] : memref<540000x128xf32, #tpu.memory_space<hbm>> -> memref<540000x128xf32, #tpu.memory_space<hbm>>
                tpu.wait_indirect_dma semaphore(%arg25 : memref<!tpu.dma_semaphore, #tpu.memory_space<semaphore_mem>>) src(%dma_wait3A_617 : memref<540000x128xf32, #tpu.memory_space<hbm>>) dst(%arg19 : memref<64x128xf32, #tpu.memory_space<vmem>>)
                %dma_start3A_618 = arith.constant 0 : i32
                %dma_start3A_619 = arith.constant 0 : i32
                %dma_start3A_620 = tpu.memref_slice %arg20[%dma_start3A_618, %dma_start3A_619] : memref<12560x128xf32, #tpu.memory_space<vmem_shared>> -> memref<12560x128xf32, #tpu.memory_space<vmem_shared>>
                tpu.enqueue_indirect_dma source(%arg19 : memref<64x128xf32, #tpu.memory_space<vmem>>) target(%dma_start3A_620 : memref<12560x128xf32, #tpu.memory_space<vmem_shared>>) offsets(%arg18 : memref<64xi32, #tpu.memory_space<vmem>>) semaphore(%arg28 : memref<!tpu.dma_semaphore, #tpu.memory_space<semaphore_mem>>) {add = true}
              } else {
              }
              %gt3A_559 = arith.constant 2 : i32
              %gt3A_560 = arith.cmpi sgt, %shift_right_arithmetic3A_536, %gt3A_559 : i32
              %convert_element_type3A_561 = arith.extui %gt3A_560 : i1 to i32
              %cond3A_562 = arith.constant 0 : i32
              %cond3A_563 = arith.cmpi ne, %convert_element_type3A_561, %cond3A_562 : i32
              scf.if %cond3A_563 {
                %dma_wait3A_615 = arith.constant 0 : i32
                %dma_wait3A_616 = arith.constant 0 : i32
                %dma_wait3A_617 = tpu.memref_slice %arg20[%dma_wait3A_615, %dma_wait3A_616] : memref<12560x128xf32, #tpu.memory_space<vmem_shared>> -> memref<12560x128xf32, #tpu.memory_space<vmem_shared>>
                tpu.wait_indirect_dma semaphore(%arg26 : memref<!tpu.dma_semaphore, #tpu.memory_space<semaphore_mem>>) src(%arg13 : memref<64x128xf32, #tpu.memory_space<vmem>>) dst(%dma_wait3A_617 : memref<12560x128xf32, #tpu.memory_space<vmem_shared>>)
              } else {
              }
              %and3A_564 = arith.constant 3 : i32
              %and3A_565 = arith.andi %shift_right_arithmetic3A_536, %and3A_564 : i32
              %mul3A_566 = arith.constant 64 : i32
              %mul3A_567 = arith.muli %and3A_565, %mul3A_566 : i32
              %add3A_568 = arith.constant 0 : i32
              %add3A_569 = arith.addi %mul3A_567, %add3A_568 : i32
              %get3A_570 = arith.index_cast %add3A_569 : i32 to index
              %get3A_571 = tpu.vector_load %arg8[%get3A_570] {strides = array<i32>} : memref<256xi32, #tpu.memory_space<vmem>>, vector<16xi32>,
              %shift_right_arithmetic3A_572 = arith.shrsi %get3A_571, %broadcast_in_dim3A_388 : vector<16xi32>
              %add3A_573 = arith.addi %shift_right_arithmetic3A_572, %broadcast_in_dim3A_386 : vector<16xi32>
              %swap3A_574 = arith.constant 0 : index
              %swap3A_575 = tpu.vector_load %arg11[%swap3A_574] {strides = array<i32>} : memref<64xi32, #tpu.memory_space<vmem>>, vector<16xi32>,
              tpu.vector_store %arg11[%swap3A_574], %add3A_573 {strides = array<i32>} : memref<64xi32, #tpu.memory_space<vmem>>, vector<16xi32>,
              %and3A_576 = arith.andi %get3A_571, %broadcast_in_dim3A_390 : vector<16xi32>
              %swap3A_577 = arith.constant 0 : index
              %swap3A_578 = tpu.vector_load %arg12[%swap3A_577] {strides = array<i32>} : memref<64xi32, #tpu.memory_space<vmem>>, vector<16xi32>,
              tpu.vector_store %arg12[%swap3A_577], %and3A_576 {strides = array<i32>} : memref<64xi32, #tpu.memory_space<vmem>>, vector<16xi32>,
              %add3A_579 = arith.constant 16 : i32
              %add3A_580 = arith.addi %mul3A_567, %add3A_579 : i32
              %get3A_581 = arith.index_cast %add3A_580 : i32 to index
              %get3A_582 = tpu.vector_load %arg8[%get3A_581] {strides = array<i32>} : memref<256xi32, #tpu.memory_space<vmem>>, vector<16xi32>,
              %shift_right_arithmetic3A_583 = arith.shrsi %get3A_582, %broadcast_in_dim3A_388 : vector<16xi32>
              %add3A_584 = arith.addi %shift_right_arithmetic3A_583, %broadcast_in_dim3A_386 : vector<16xi32>
              %swap3A_585 = arith.constant 16 : index
              %swap3A_586 = tpu.vector_load %arg11[%swap3A_585] {strides = array<i32>} : memref<64xi32, #tpu.memory_space<vmem>>, vector<16xi32>,
              tpu.vector_store %arg11[%swap3A_585], %add3A_584 {strides = array<i32>} : memref<64xi32, #tpu.memory_space<vmem>>, vector<16xi32>,
              %and3A_587 = arith.andi %get3A_582, %broadcast_in_dim3A_390 : vector<16xi32>
              %swap3A_588 = arith.constant 16 : index
              %swap3A_589 = tpu.vector_load %arg12[%swap3A_588] {strides = array<i32>} : memref<64xi32, #tpu.memory_space<vmem>>, vector<16xi32>,
              tpu.vector_store %arg12[%swap3A_588], %and3A_587 {strides = array<i32>} : memref<64xi32, #tpu.memory_space<vmem>>, vector<16xi32>,
              %add3A_590 = arith.constant 32 : i32
              %add3A_591 = arith.addi %mul3A_567, %add3A_590 : i32
              %get3A_592 = arith.index_cast %add3A_591 : i32 to index
              %get3A_593 = tpu.vector_load %arg8[%get3A_592] {strides = array<i32>} : memref<256xi32, #tpu.memory_space<vmem>>, vector<16xi32>,
              %shift_right_arithmetic3A_594 = arith.shrsi %get3A_593, %broadcast_in_dim3A_388 : vector<16xi32>
              %add3A_595 = arith.addi %shift_right_arithmetic3A_594, %broadcast_in_dim3A_386 : vector<16xi32>
              %swap3A_596 = arith.constant 32 : index
              %swap3A_597 = tpu.vector_load %arg11[%swap3A_596] {strides = array<i32>} : memref<64xi32, #tpu.memory_space<vmem>>, vector<16xi32>,
              tpu.vector_store %arg11[%swap3A_596], %add3A_595 {strides = array<i32>} : memref<64xi32, #tpu.memory_space<vmem>>, vector<16xi32>,
              %and3A_598 = arith.andi %get3A_593, %broadcast_in_dim3A_390 : vector<16xi32>
              %swap3A_599 = arith.constant 32 : index
              %swap3A_600 = tpu.vector_load %arg12[%swap3A_599] {strides = array<i32>} : memref<64xi32, #tpu.memory_space<vmem>>, vector<16xi32>,
              tpu.vector_store %arg12[%swap3A_599], %and3A_598 {strides = array<i32>} : memref<64xi32, #tpu.memory_space<vmem>>, vector<16xi32>,
              %add3A_601 = arith.constant 48 : i32
              %add3A_602 = arith.addi %mul3A_567, %add3A_601 : i32
              %get3A_603 = arith.index_cast %add3A_602 : i32 to index
              %get3A_604 = tpu.vector_load %arg8[%get3A_603] {strides = array<i32>} : memref<256xi32, #tpu.memory_space<vmem>>, vector<16xi32>,
              %shift_right_arithmetic3A_605 = arith.shrsi %get3A_604, %broadcast_in_dim3A_388 : vector<16xi32>
              %add3A_606 = arith.addi %shift_right_arithmetic3A_605, %broadcast_in_dim3A_386 : vector<16xi32>
              %swap3A_607 = arith.constant 48 : index
              %swap3A_608 = tpu.vector_load %arg11[%swap3A_607] {strides = array<i32>} : memref<64xi32, #tpu.memory_space<vmem>>, vector<16xi32>,
              tpu.vector_store %arg11[%swap3A_607], %add3A_606 {strides = array<i32>} : memref<64xi32, #tpu.memory_space<vmem>>, vector<16xi32>,
              %and3A_609 = arith.andi %get3A_604, %broadcast_in_dim3A_390 : vector<16xi32>
              %swap3A_610 = arith.constant 48 : index
              %swap3A_611 = tpu.vector_load %arg12[%swap3A_610] {strides = array<i32>} : memref<64xi32, #tpu.memory_space<vmem>>, vector<16xi32>,
              tpu.vector_store %arg12[%swap3A_610], %and3A_609 {strides = array<i32>} : memref<64xi32, #tpu.memory_space<vmem>>, vector<16xi32>,
              %dma_start3A_612 = arith.constant 0 : i32
              %dma_start3A_613 = arith.constant 0 : i32
              %dma_start3A_614 = tpu.memref_slice %arg2[%dma_start3A_612, %dma_start3A_613] : memref<540000x128xf32, #tpu.memory_space<hbm>> -> memref<540000x128xf32, #tpu.memory_space<hbm>>
              tpu.enqueue_indirect_dma source(%dma_start3A_614 : memref<540000x128xf32, #tpu.memory_space<hbm>>) target(%arg13 : memref<64x128xf32, #tpu.memory_space<vmem>>) offsets(%arg11 : memref<64xi32, #tpu.memory_space<vmem>>) semaphore(%arg23 : memref<!tpu.dma_semaphore, #tpu.memory_space<semaphore_mem>>)
            } else {
            }
            %eq3A_544 = arith.constant 1 : i32
            %eq3A_545 = arith.cmpi eq, %rem3A_538, %eq3A_544 : i32
            %convert_element_type3A_546 = arith.extui %eq3A_545 : i1 to i32
            %cond3A_547 = arith.constant 0 : i32
            %cond3A_548 = arith.cmpi ne, %convert_element_type3A_546, %cond3A_547 : i32
            scf.if %cond3A_548 {
              %gt3A_554 = arith.constant 0 : i32
              %gt3A_555 = arith.cmpi sgt, %shift_right_arithmetic3A_536, %gt3A_554 : i32
              %convert_element_type3A_556 = arith.extui %gt3A_555 : i1 to i32
              %cond3A_557 = arith.constant 0 : i32
              %cond3A_558 = arith.cmpi ne, %convert_element_type3A_556, %cond3A_557 : i32
              scf.if %cond3A_558 {
                %dma_wait3A_615 = arith.constant 0 : i32
                %dma_wait3A_616 = arith.constant 0 : i32
                %dma_wait3A_617 = tpu.memref_slice %arg2[%dma_wait3A_615, %dma_wait3A_616] : memref<540000x128xf32, #tpu.memory_space<hbm>> -> memref<540000x128xf32, #tpu.memory_space<hbm>>
                tpu.wait_indirect_dma semaphore(%arg23 : memref<!tpu.dma_semaphore, #tpu.memory_space<semaphore_mem>>) src(%dma_wait3A_617 : memref<540000x128xf32, #tpu.memory_space<hbm>>) dst(%arg13 : memref<64x128xf32, #tpu.memory_space<vmem>>)
                %dma_start3A_618 = arith.constant 0 : i32
                %dma_start3A_619 = arith.constant 0 : i32
                %dma_start3A_620 = tpu.memref_slice %arg20[%dma_start3A_618, %dma_start3A_619] : memref<12560x128xf32, #tpu.memory_space<vmem_shared>> -> memref<12560x128xf32, #tpu.memory_space<vmem_shared>>
                tpu.enqueue_indirect_dma source(%arg13 : memref<64x128xf32, #tpu.memory_space<vmem>>) target(%dma_start3A_620 : memref<12560x128xf32, #tpu.memory_space<vmem_shared>>) offsets(%arg12 : memref<64xi32, #tpu.memory_space<vmem>>) semaphore(%arg26 : memref<!tpu.dma_semaphore, #tpu.memory_space<semaphore_mem>>) {add = true}
              } else {
              }
              %gt3A_559 = arith.constant 2 : i32
              %gt3A_560 = arith.cmpi sgt, %shift_right_arithmetic3A_536, %gt3A_559 : i32
              %convert_element_type3A_561 = arith.extui %gt3A_560 : i1 to i32
              %cond3A_562 = arith.constant 0 : i32
              %cond3A_563 = arith.cmpi ne, %convert_element_type3A_561, %cond3A_562 : i32
              scf.if %cond3A_563 {
                %dma_wait3A_615 = arith.constant 0 : i32
                %dma_wait3A_616 = arith.constant 0 : i32
                %dma_wait3A_617 = tpu.memref_slice %arg20[%dma_wait3A_615, %dma_wait3A_616] : memref<12560x128xf32, #tpu.memory_space<vmem_shared>> -> memref<12560x128xf32, #tpu.memory_space<vmem_shared>>
                tpu.wait_indirect_dma semaphore(%arg27 : memref<!tpu.dma_semaphore, #tpu.memory_space<semaphore_mem>>) src(%arg16 : memref<64x128xf32, #tpu.memory_space<vmem>>) dst(%dma_wait3A_617 : memref<12560x128xf32, #tpu.memory_space<vmem_shared>>)
              } else {
              }
              %and3A_564 = arith.constant 3 : i32
              %and3A_565 = arith.andi %shift_right_arithmetic3A_536, %and3A_564 : i32
              %mul3A_566 = arith.constant 64 : i32
              %mul3A_567 = arith.muli %and3A_565, %mul3A_566 : i32
              %add3A_568 = arith.constant 0 : i32
              %add3A_569 = arith.addi %mul3A_567, %add3A_568 : i32
              %get3A_570 = arith.index_cast %add3A_569 : i32 to index
              %get3A_571 = tpu.vector_load %arg8[%get3A_570] {strides = array<i32>} : memref<256xi32, #tpu.memory_space<vmem>>, vector<16xi32>,
              %shift_right_arithmetic3A_572 = arith.shrsi %get3A_571, %broadcast_in_dim3A_388 : vector<16xi32>
              %add3A_573 = arith.addi %shift_right_arithmetic3A_572, %broadcast_in_dim3A_386 : vector<16xi32>
              %swap3A_574 = arith.constant 0 : index
              %swap3A_575 = tpu.vector_load %arg14[%swap3A_574] {strides = array<i32>} : memref<64xi32, #tpu.memory_space<vmem>>, vector<16xi32>,
              tpu.vector_store %arg14[%swap3A_574], %add3A_573 {strides = array<i32>} : memref<64xi32, #tpu.memory_space<vmem>>, vector<16xi32>,
              %and3A_576 = arith.andi %get3A_571, %broadcast_in_dim3A_390 : vector<16xi32>
              %swap3A_577 = arith.constant 0 : index
              %swap3A_578 = tpu.vector_load %arg15[%swap3A_577] {strides = array<i32>} : memref<64xi32, #tpu.memory_space<vmem>>, vector<16xi32>,
              tpu.vector_store %arg15[%swap3A_577], %and3A_576 {strides = array<i32>} : memref<64xi32, #tpu.memory_space<vmem>>, vector<16xi32>,
              %add3A_579 = arith.constant 16 : i32
              %add3A_580 = arith.addi %mul3A_567, %add3A_579 : i32
              %get3A_581 = arith.index_cast %add3A_580 : i32 to index
              %get3A_582 = tpu.vector_load %arg8[%get3A_581] {strides = array<i32>} : memref<256xi32, #tpu.memory_space<vmem>>, vector<16xi32>,
              %shift_right_arithmetic3A_583 = arith.shrsi %get3A_582, %broadcast_in_dim3A_388 : vector<16xi32>
              %add3A_584 = arith.addi %shift_right_arithmetic3A_583, %broadcast_in_dim3A_386 : vector<16xi32>
              %swap3A_585 = arith.constant 16 : index
              %swap3A_586 = tpu.vector_load %arg14[%swap3A_585] {strides = array<i32>} : memref<64xi32, #tpu.memory_space<vmem>>, vector<16xi32>,
              tpu.vector_store %arg14[%swap3A_585], %add3A_584 {strides = array<i32>} : memref<64xi32, #tpu.memory_space<vmem>>, vector<16xi32>,
              %and3A_587 = arith.andi %get3A_582, %broadcast_in_dim3A_390 : vector<16xi32>
              %swap3A_588 = arith.constant 16 : index
              %swap3A_589 = tpu.vector_load %arg15[%swap3A_588] {strides = array<i32>} : memref<64xi32, #tpu.memory_space<vmem>>, vector<16xi32>,
              tpu.vector_store %arg15[%swap3A_588], %and3A_587 {strides = array<i32>} : memref<64xi32, #tpu.memory_space<vmem>>, vector<16xi32>,
              %add3A_590 = arith.constant 32 : i32
              %add3A_591 = arith.addi %mul3A_567, %add3A_590 : i32
              %get3A_592 = arith.index_cast %add3A_591 : i32 to index
              %get3A_593 = tpu.vector_load %arg8[%get3A_592] {strides = array<i32>} : memref<256xi32, #tpu.memory_space<vmem>>, vector<16xi32>,
              %shift_right_arithmetic3A_594 = arith.shrsi %get3A_593, %broadcast_in_dim3A_388 : vector<16xi32>
              %add3A_595 = arith.addi %shift_right_arithmetic3A_594, %broadcast_in_dim3A_386 : vector<16xi32>
              %swap3A_596 = arith.constant 32 : index
              %swap3A_597 = tpu.vector_load %arg14[%swap3A_596] {strides = array<i32>} : memref<64xi32, #tpu.memory_space<vmem>>, vector<16xi32>,
              tpu.vector_store %arg14[%swap3A_596], %add3A_595 {strides = array<i32>} : memref<64xi32, #tpu.memory_space<vmem>>, vector<16xi32>,
              %and3A_598 = arith.andi %get3A_593, %broadcast_in_dim3A_390 : vector<16xi32>
              %swap3A_599 = arith.constant 32 : index
              %swap3A_600 = tpu.vector_load %arg15[%swap3A_599] {strides = array<i32>} : memref<64xi32, #tpu.memory_space<vmem>>, vector<16xi32>,
              tpu.vector_store %arg15[%swap3A_599], %and3A_598 {strides = array<i32>} : memref<64xi32, #tpu.memory_space<vmem>>, vector<16xi32>,
              %add3A_601 = arith.constant 48 : i32
              %add3A_602 = arith.addi %mul3A_567, %add3A_601 : i32
              %get3A_603 = arith.index_cast %add3A_602 : i32 to index
              %get3A_604 = tpu.vector_load %arg8[%get3A_603] {strides = array<i32>} : memref<256xi32, #tpu.memory_space<vmem>>, vector<16xi32>,
              %shift_right_arithmetic3A_605 = arith.shrsi %get3A_604, %broadcast_in_dim3A_388 : vector<16xi32>
              %add3A_606 = arith.addi %shift_right_arithmetic3A_605, %broadcast_in_dim3A_386 : vector<16xi32>
              %swap3A_607 = arith.constant 48 : index
              %swap3A_608 = tpu.vector_load %arg14[%swap3A_607] {strides = array<i32>} : memref<64xi32, #tpu.memory_space<vmem>>, vector<16xi32>,
              tpu.vector_store %arg14[%swap3A_607], %add3A_606 {strides = array<i32>} : memref<64xi32, #tpu.memory_space<vmem>>, vector<16xi32>,
              %and3A_609 = arith.andi %get3A_604, %broadcast_in_dim3A_390 : vector<16xi32>
              %swap3A_610 = arith.constant 48 : index
              %swap3A_611 = tpu.vector_load %arg15[%swap3A_610] {strides = array<i32>} : memref<64xi32, #tpu.memory_space<vmem>>, vector<16xi32>,
              tpu.vector_store %arg15[%swap3A_610], %and3A_609 {strides = array<i32>} : memref<64xi32, #tpu.memory_space<vmem>>, vector<16xi32>,
              %dma_start3A_612 = arith.constant 0 : i32
              %dma_start3A_613 = arith.constant 0 : i32
              %dma_start3A_614 = tpu.memref_slice %arg2[%dma_start3A_612, %dma_start3A_613] : memref<540000x128xf32, #tpu.memory_space<hbm>> -> memref<540000x128xf32, #tpu.memory_space<hbm>>
              tpu.enqueue_indirect_dma source(%dma_start3A_614 : memref<540000x128xf32, #tpu.memory_space<hbm>>) target(%arg16 : memref<64x128xf32, #tpu.memory_space<vmem>>) offsets(%arg14 : memref<64xi32, #tpu.memory_space<vmem>>) semaphore(%arg24 : memref<!tpu.dma_semaphore, #tpu.memory_space<semaphore_mem>>)
            } else {
            }
            %eq3A_549 = arith.constant 2 : i32
            %eq3A_550 = arith.cmpi eq, %rem3A_538, %eq3A_549 : i32
            %convert_element_type3A_551 = arith.extui %eq3A_550 : i1 to i32
            %cond3A_552 = arith.constant 0 : i32
            %cond3A_553 = arith.cmpi ne, %convert_element_type3A_551, %cond3A_552 : i32
            scf.if %cond3A_553 {
              %gt3A_554 = arith.constant 0 : i32
              %gt3A_555 = arith.cmpi sgt, %shift_right_arithmetic3A_536, %gt3A_554 : i32
              %convert_element_type3A_556 = arith.extui %gt3A_555 : i1 to i32
              %cond3A_557 = arith.constant 0 : i32
              %cond3A_558 = arith.cmpi ne, %convert_element_type3A_556, %cond3A_557 : i32
              scf.if %cond3A_558 {
                %dma_wait3A_615 = arith.constant 0 : i32
                %dma_wait3A_616 = arith.constant 0 : i32
                %dma_wait3A_617 = tpu.memref_slice %arg2[%dma_wait3A_615, %dma_wait3A_616] : memref<540000x128xf32, #tpu.memory_space<hbm>> -> memref<540000x128xf32, #tpu.memory_space<hbm>>
                tpu.wait_indirect_dma semaphore(%arg24 : memref<!tpu.dma_semaphore, #tpu.memory_space<semaphore_mem>>) src(%dma_wait3A_617 : memref<540000x128xf32, #tpu.memory_space<hbm>>) dst(%arg16 : memref<64x128xf32, #tpu.memory_space<vmem>>)
                %dma_start3A_618 = arith.constant 0 : i32
                %dma_start3A_619 = arith.constant 0 : i32
                %dma_start3A_620 = tpu.memref_slice %arg20[%dma_start3A_618, %dma_start3A_619] : memref<12560x128xf32, #tpu.memory_space<vmem_shared>> -> memref<12560x128xf32, #tpu.memory_space<vmem_shared>>
                tpu.enqueue_indirect_dma source(%arg16 : memref<64x128xf32, #tpu.memory_space<vmem>>) target(%dma_start3A_620 : memref<12560x128xf32, #tpu.memory_space<vmem_shared>>) offsets(%arg15 : memref<64xi32, #tpu.memory_space<vmem>>) semaphore(%arg27 : memref<!tpu.dma_semaphore, #tpu.memory_space<semaphore_mem>>) {add = true}
              } else {
              }
              %gt3A_559 = arith.constant 2 : i32
              %gt3A_560 = arith.cmpi sgt, %shift_right_arithmetic3A_536, %gt3A_559 : i32
              %convert_element_type3A_561 = arith.extui %gt3A_560 : i1 to i32
              %cond3A_562 = arith.constant 0 : i32
              %cond3A_563 = arith.cmpi ne, %convert_element_type3A_561, %cond3A_562 : i32
              scf.if %cond3A_563 {
                %dma_wait3A_615 = arith.constant 0 : i32
                %dma_wait3A_616 = arith.constant 0 : i32
                %dma_wait3A_617 = tpu.memref_slice %arg20[%dma_wait3A_615, %dma_wait3A_616] : memref<12560x128xf32, #tpu.memory_space<vmem_shared>> -> memref<12560x128xf32, #tpu.memory_space<vmem_shared>>
                tpu.wait_indirect_dma semaphore(%arg28 : memref<!tpu.dma_semaphore, #tpu.memory_space<semaphore_mem>>) src(%arg19 : memref<64x128xf32, #tpu.memory_space<vmem>>) dst(%dma_wait3A_617 : memref<12560x128xf32, #tpu.memory_space<vmem_shared>>)
              } else {
              }
              %and3A_564 = arith.constant 3 : i32
              %and3A_565 = arith.andi %shift_right_arithmetic3A_536, %and3A_564 : i32
              %mul3A_566 = arith.constant 64 : i32
              %mul3A_567 = arith.muli %and3A_565, %mul3A_566 : i32
              %add3A_568 = arith.constant 0 : i32
              %add3A_569 = arith.addi %mul3A_567, %add3A_568 : i32
              %get3A_570 = arith.index_cast %add3A_569 : i32 to index
              %get3A_571 = tpu.vector_load %arg8[%get3A_570] {strides = array<i32>} : memref<256xi32, #tpu.memory_space<vmem>>, vector<16xi32>,
              %shift_right_arithmetic3A_572 = arith.shrsi %get3A_571, %broadcast_in_dim3A_388 : vector<16xi32>
              %add3A_573 = arith.addi %shift_right_arithmetic3A_572, %broadcast_in_dim3A_386 : vector<16xi32>
              %swap3A_574 = arith.constant 0 : index
              %swap3A_575 = tpu.vector_load %arg17[%swap3A_574] {strides = array<i32>} : memref<64xi32, #tpu.memory_space<vmem>>, vector<16xi32>,
              tpu.vector_store %arg17[%swap3A_574], %add3A_573 {strides = array<i32>} : memref<64xi32, #tpu.memory_space<vmem>>, vector<16xi32>,
              %and3A_576 = arith.andi %get3A_571, %broadcast_in_dim3A_390 : vector<16xi32>
              %swap3A_577 = arith.constant 0 : index
              %swap3A_578 = tpu.vector_load %arg18[%swap3A_577] {strides = array<i32>} : memref<64xi32, #tpu.memory_space<vmem>>, vector<16xi32>,
              tpu.vector_store %arg18[%swap3A_577], %and3A_576 {strides = array<i32>} : memref<64xi32, #tpu.memory_space<vmem>>, vector<16xi32>,
              %add3A_579 = arith.constant 16 : i32
              %add3A_580 = arith.addi %mul3A_567, %add3A_579 : i32
              %get3A_581 = arith.index_cast %add3A_580 : i32 to index
              %get3A_582 = tpu.vector_load %arg8[%get3A_581] {strides = array<i32>} : memref<256xi32, #tpu.memory_space<vmem>>, vector<16xi32>,
              %shift_right_arithmetic3A_583 = arith.shrsi %get3A_582, %broadcast_in_dim3A_388 : vector<16xi32>
              %add3A_584 = arith.addi %shift_right_arithmetic3A_583, %broadcast_in_dim3A_386 : vector<16xi32>
              %swap3A_585 = arith.constant 16 : index
              %swap3A_586 = tpu.vector_load %arg17[%swap3A_585] {strides = array<i32>} : memref<64xi32, #tpu.memory_space<vmem>>, vector<16xi32>,
              tpu.vector_store %arg17[%swap3A_585], %add3A_584 {strides = array<i32>} : memref<64xi32, #tpu.memory_space<vmem>>, vector<16xi32>,
              %and3A_587 = arith.andi %get3A_582, %broadcast_in_dim3A_390 : vector<16xi32>
              %swap3A_588 = arith.constant 16 : index
              %swap3A_589 = tpu.vector_load %arg18[%swap3A_588] {strides = array<i32>} : memref<64xi32, #tpu.memory_space<vmem>>, vector<16xi32>,
              tpu.vector_store %arg18[%swap3A_588], %and3A_587 {strides = array<i32>} : memref<64xi32, #tpu.memory_space<vmem>>, vector<16xi32>,
              %add3A_590 = arith.constant 32 : i32
              %add3A_591 = arith.addi %mul3A_567, %add3A_590 : i32
              %get3A_592 = arith.index_cast %add3A_591 : i32 to index
              %get3A_593 = tpu.vector_load %arg8[%get3A_592] {strides = array<i32>} : memref<256xi32, #tpu.memory_space<vmem>>, vector<16xi32>,
              %shift_right_arithmetic3A_594 = arith.shrsi %get3A_593, %broadcast_in_dim3A_388 : vector<16xi32>
              %add3A_595 = arith.addi %shift_right_arithmetic3A_594, %broadcast_in_dim3A_386 : vector<16xi32>
              %swap3A_596 = arith.constant 32 : index
              %swap3A_597 = tpu.vector_load %arg17[%swap3A_596] {strides = array<i32>} : memref<64xi32, #tpu.memory_space<vmem>>, vector<16xi32>,
              tpu.vector_store %arg17[%swap3A_596], %add3A_595 {strides = array<i32>} : memref<64xi32, #tpu.memory_space<vmem>>, vector<16xi32>,
              %and3A_598 = arith.andi %get3A_593, %broadcast_in_dim3A_390 : vector<16xi32>
              %swap3A_599 = arith.constant 32 : index
              %swap3A_600 = tpu.vector_load %arg18[%swap3A_599] {strides = array<i32>} : memref<64xi32, #tpu.memory_space<vmem>>, vector<16xi32>,
              tpu.vector_store %arg18[%swap3A_599], %and3A_598 {strides = array<i32>} : memref<64xi32, #tpu.memory_space<vmem>>, vector<16xi32>,
              %add3A_601 = arith.constant 48 : i32
              %add3A_602 = arith.addi %mul3A_567, %add3A_601 : i32
              %get3A_603 = arith.index_cast %add3A_602 : i32 to index
              %get3A_604 = tpu.vector_load %arg8[%get3A_603] {strides = array<i32>} : memref<256xi32, #tpu.memory_space<vmem>>, vector<16xi32>,
              %shift_right_arithmetic3A_605 = arith.shrsi %get3A_604, %broadcast_in_dim3A_388 : vector<16xi32>
              %add3A_606 = arith.addi %shift_right_arithmetic3A_605, %broadcast_in_dim3A_386 : vector<16xi32>
              %swap3A_607 = arith.constant 48 : index
              %swap3A_608 = tpu.vector_load %arg17[%swap3A_607] {strides = array<i32>} : memref<64xi32, #tpu.memory_space<vmem>>, vector<16xi32>,
              tpu.vector_store %arg17[%swap3A_607], %add3A_606 {strides = array<i32>} : memref<64xi32, #tpu.memory_space<vmem>>, vector<16xi32>,
              %and3A_609 = arith.andi %get3A_604, %broadcast_in_dim3A_390 : vector<16xi32>
              %swap3A_610 = arith.constant 48 : index
              %swap3A_611 = tpu.vector_load %arg18[%swap3A_610] {strides = array<i32>} : memref<64xi32, #tpu.memory_space<vmem>>, vector<16xi32>,
              tpu.vector_store %arg18[%swap3A_610], %and3A_609 {strides = array<i32>} : memref<64xi32, #tpu.memory_space<vmem>>, vector<16xi32>,
              %dma_start3A_612 = arith.constant 0 : i32
              %dma_start3A_613 = arith.constant 0 : i32
              %dma_start3A_614 = tpu.memref_slice %arg2[%dma_start3A_612, %dma_start3A_613] : memref<540000x128xf32, #tpu.memory_space<hbm>> -> memref<540000x128xf32, #tpu.memory_space<hbm>>
              tpu.enqueue_indirect_dma source(%dma_start3A_614 : memref<540000x128xf32, #tpu.memory_space<hbm>>) target(%arg19 : memref<64x128xf32, #tpu.memory_space<vmem>>) offsets(%arg17 : memref<64xi32, #tpu.memory_space<vmem>>) semaphore(%arg25 : memref<!tpu.dma_semaphore, #tpu.memory_space<semaphore_mem>>)
            } else {
            }
          } else {
          }
          scf.yield %add3A_527 : i32
        }
        %scan3A_500 = arith.constant 96 : i32
        scf.yield %scan3A_499 : i32
      }
      %scan3A_430 = arith.constant 11 : i32
      %scan3A_431 = arith.constant 0 : i32
      %scan3A_432 = arith.constant 4 : i32
      %scan3A_433 = arith.addi %scan3A_431, %scan3A_432 : i32
      %scan3A_434 = arith.constant 1 : i32
      %scan3A_435 = scf.for %scan3A_461 = %scan3A_431 to %scan3A_433 step %scan3A_434 iter_args(%scan3A_462 = %scan3A_429) -> (i32)  : i32 {
        %gt3A = arith.constant 0 : i32
        %gt3A_463 = vector.broadcast %gt3A : i32 to vector<16xi32>
        %gt3A_464 = arith.cmpi sgt, %broadcast_in_dim3A_394, %gt3A_463 : vector<16xi32>
        %convert_element_type3A_465 = arith.extui %gt3A_464 : vector<16xi1> to vector<16xi32>
        %broadcast_in_dim3A_466 = arith.constant true
        %broadcast_in_dim3A_467 = vector.broadcast %broadcast_in_dim3A_466 : i1 to vector<16xi1>
        %masked_cumsum3A = tpu.scan <sum>, %convert_element_type3A_465 masked %broadcast_in_dim3A_467 : vector<16xi32>, vector<16xi1> -> vector<16xi32>
        %sub3A_468 = arith.constant 1 : i32
        %sub3A_469 = arith.subi %scan3A_462, %sub3A_468 : i32
        %broadcast_in_dim3A_470 = vector.broadcast %sub3A_469 : i32 to vector<16xi32>
        %add3A_471 = arith.addi %broadcast_in_dim3A_470, %masked_cumsum3A : vector<16xi32>
        %and3A = arith.andi %add3A_471, %broadcast_in_dim3A_385 : vector<16xi32>
        tpu.vector_store_idx %arg8[%and3A], %broadcast_in_dim3A_392 masked %gt3A_464 : memref<256xi32, #tpu.memory_space<vmem>>[vector<16xi32>], vector<16xi32>, vector<16xi1>
        %slice3A = vector.extract_strided_slice %masked_cumsum3A {offsets = [15], sizes = [1], strides = [1]} : vector<16xi32> to vector<1xi32>
        %squeeze3A = vector.extract %slice3A[0] : i32 from vector<1xi32>
        %add3A_472 = arith.addi %scan3A_462, %squeeze3A : i32
        %shift_right_arithmetic3A_473 = arith.constant 6 : i32
        %shift_right_arithmetic3A_474 = arith.shrsi %add3A_472, %shift_right_arithmetic3A_473 : i32
        %shift_right_arithmetic3A_475 = arith.constant 6 : i32
        %shift_right_arithmetic3A_476 = arith.shrsi %scan3A_462, %shift_right_arithmetic3A_475 : i32
        %gt3A_477 = arith.cmpi sgt, %shift_right_arithmetic3A_474, %shift_right_arithmetic3A_476 : i32
        %convert_element_type3A_478 = arith.extui %gt3A_477 : i1 to i32
        %cond3A_479 = arith.constant 0 : i32
        %cond3A_480 = arith.cmpi ne, %convert_element_type3A_478, %cond3A_479 : i32
        scf.if %cond3A_480 {
          %shift_right_arithmetic3A_481 = arith.constant 6 : i32
          %shift_right_arithmetic3A_482 = arith.shrsi %scan3A_462, %shift_right_arithmetic3A_481 : i32
          %rem3A_483 = arith.constant 3 : i32
          %rem3A_484 = arith.remsi %shift_right_arithmetic3A_482, %rem3A_483 : i32
          %eq3A_485 = arith.constant 0 : i32
          %eq3A_486 = arith.cmpi eq, %rem3A_484, %eq3A_485 : i32
          %convert_element_type3A_487 = arith.extui %eq3A_486 : i1 to i32
          %cond3A_488 = arith.constant 0 : i32
          %cond3A_489 = arith.cmpi ne, %convert_element_type3A_487, %cond3A_488 : i32
          scf.if %cond3A_489 {
            %gt3A_500 = arith.constant 0 : i32
            %gt3A_501 = arith.cmpi sgt, %shift_right_arithmetic3A_482, %gt3A_500 : i32
            %convert_element_type3A_502 = arith.extui %gt3A_501 : i1 to i32
            %cond3A_503 = arith.constant 0 : i32
            %cond3A_504 = arith.cmpi ne, %convert_element_type3A_502, %cond3A_503 : i32
            scf.if %cond3A_504 {
              %dma_wait3A = arith.constant 0 : i32
              %dma_wait3A_561 = arith.constant 0 : i32
              %dma_wait3A_562 = tpu.memref_slice %arg2[%dma_wait3A, %dma_wait3A_561] : memref<540000x128xf32, #tpu.memory_space<hbm>> -> memref<540000x128xf32, #tpu.memory_space<hbm>>
              tpu.wait_indirect_dma semaphore(%arg25 : memref<!tpu.dma_semaphore, #tpu.memory_space<semaphore_mem>>) src(%dma_wait3A_562 : memref<540000x128xf32, #tpu.memory_space<hbm>>) dst(%arg19 : memref<64x128xf32, #tpu.memory_space<vmem>>)
              %dma_start3A_563 = arith.constant 0 : i32
              %dma_start3A_564 = arith.constant 0 : i32
              %dma_start3A_565 = tpu.memref_slice %arg20[%dma_start3A_563, %dma_start3A_564] : memref<12560x128xf32, #tpu.memory_space<vmem_shared>> -> memref<12560x128xf32, #tpu.memory_space<vmem_shared>>
              tpu.enqueue_indirect_dma source(%arg19 : memref<64x128xf32, #tpu.memory_space<vmem>>) target(%dma_start3A_565 : memref<12560x128xf32, #tpu.memory_space<vmem_shared>>) offsets(%arg18 : memref<64xi32, #tpu.memory_space<vmem>>) semaphore(%arg28 : memref<!tpu.dma_semaphore, #tpu.memory_space<semaphore_mem>>) {add = true}
            } else {
            }
            %gt3A_505 = arith.constant 2 : i32
            %gt3A_506 = arith.cmpi sgt, %shift_right_arithmetic3A_482, %gt3A_505 : i32
            %convert_element_type3A_507 = arith.extui %gt3A_506 : i1 to i32
            %cond3A_508 = arith.constant 0 : i32
            %cond3A_509 = arith.cmpi ne, %convert_element_type3A_507, %cond3A_508 : i32
            scf.if %cond3A_509 {
              %dma_wait3A = arith.constant 0 : i32
              %dma_wait3A_561 = arith.constant 0 : i32
              %dma_wait3A_562 = tpu.memref_slice %arg20[%dma_wait3A, %dma_wait3A_561] : memref<12560x128xf32, #tpu.memory_space<vmem_shared>> -> memref<12560x128xf32, #tpu.memory_space<vmem_shared>>
              tpu.wait_indirect_dma semaphore(%arg26 : memref<!tpu.dma_semaphore, #tpu.memory_space<semaphore_mem>>) src(%arg13 : memref<64x128xf32, #tpu.memory_space<vmem>>) dst(%dma_wait3A_562 : memref<12560x128xf32, #tpu.memory_space<vmem_shared>>)
            } else {
            }
            %and3A_510 = arith.constant 3 : i32
            %and3A_511 = arith.andi %shift_right_arithmetic3A_482, %and3A_510 : i32
            %mul3A_512 = arith.constant 64 : i32
            %mul3A_513 = arith.muli %and3A_511, %mul3A_512 : i32
            %add3A_514 = arith.constant 0 : i32
            %add3A_515 = arith.addi %mul3A_513, %add3A_514 : i32
            %get3A_516 = arith.index_cast %add3A_515 : i32 to index
            %get3A_517 = tpu.vector_load %arg8[%get3A_516] {strides = array<i32>} : memref<256xi32, #tpu.memory_space<vmem>>, vector<16xi32>,
            %shift_right_arithmetic3A_518 = arith.shrsi %get3A_517, %broadcast_in_dim3A_388 : vector<16xi32>
            %add3A_519 = arith.addi %shift_right_arithmetic3A_518, %broadcast_in_dim3A_386 : vector<16xi32>
            %swap3A_520 = arith.constant 0 : index
            %swap3A_521 = tpu.vector_load %arg11[%swap3A_520] {strides = array<i32>} : memref<64xi32, #tpu.memory_space<vmem>>, vector<16xi32>,
            tpu.vector_store %arg11[%swap3A_520], %add3A_519 {strides = array<i32>} : memref<64xi32, #tpu.memory_space<vmem>>, vector<16xi32>,
            %and3A_522 = arith.andi %get3A_517, %broadcast_in_dim3A_390 : vector<16xi32>
            %swap3A_523 = arith.constant 0 : index
            %swap3A_524 = tpu.vector_load %arg12[%swap3A_523] {strides = array<i32>} : memref<64xi32, #tpu.memory_space<vmem>>, vector<16xi32>,
            tpu.vector_store %arg12[%swap3A_523], %and3A_522 {strides = array<i32>} : memref<64xi32, #tpu.memory_space<vmem>>, vector<16xi32>,
            %add3A_525 = arith.constant 16 : i32
            %add3A_526 = arith.addi %mul3A_513, %add3A_525 : i32
            %get3A_527 = arith.index_cast %add3A_526 : i32 to index
            %get3A_528 = tpu.vector_load %arg8[%get3A_527] {strides = array<i32>} : memref<256xi32, #tpu.memory_space<vmem>>, vector<16xi32>,
            %shift_right_arithmetic3A_529 = arith.shrsi %get3A_528, %broadcast_in_dim3A_388 : vector<16xi32>
            %add3A_530 = arith.addi %shift_right_arithmetic3A_529, %broadcast_in_dim3A_386 : vector<16xi32>
            %swap3A_531 = arith.constant 16 : index
            %swap3A_532 = tpu.vector_load %arg11[%swap3A_531] {strides = array<i32>} : memref<64xi32, #tpu.memory_space<vmem>>, vector<16xi32>,
            tpu.vector_store %arg11[%swap3A_531], %add3A_530 {strides = array<i32>} : memref<64xi32, #tpu.memory_space<vmem>>, vector<16xi32>,
            %and3A_533 = arith.andi %get3A_528, %broadcast_in_dim3A_390 : vector<16xi32>
            %swap3A_534 = arith.constant 16 : index
            %swap3A_535 = tpu.vector_load %arg12[%swap3A_534] {strides = array<i32>} : memref<64xi32, #tpu.memory_space<vmem>>, vector<16xi32>,
            tpu.vector_store %arg12[%swap3A_534], %and3A_533 {strides = array<i32>} : memref<64xi32, #tpu.memory_space<vmem>>, vector<16xi32>,
            %add3A_536 = arith.constant 32 : i32
            %add3A_537 = arith.addi %mul3A_513, %add3A_536 : i32
            %get3A_538 = arith.index_cast %add3A_537 : i32 to index
            %get3A_539 = tpu.vector_load %arg8[%get3A_538] {strides = array<i32>} : memref<256xi32, #tpu.memory_space<vmem>>, vector<16xi32>,
            %shift_right_arithmetic3A_540 = arith.shrsi %get3A_539, %broadcast_in_dim3A_388 : vector<16xi32>
            %add3A_541 = arith.addi %shift_right_arithmetic3A_540, %broadcast_in_dim3A_386 : vector<16xi32>
            %swap3A_542 = arith.constant 32 : index
            %swap3A_543 = tpu.vector_load %arg11[%swap3A_542] {strides = array<i32>} : memref<64xi32, #tpu.memory_space<vmem>>, vector<16xi32>,
            tpu.vector_store %arg11[%swap3A_542], %add3A_541 {strides = array<i32>} : memref<64xi32, #tpu.memory_space<vmem>>, vector<16xi32>,
            %and3A_544 = arith.andi %get3A_539, %broadcast_in_dim3A_390 : vector<16xi32>
            %swap3A_545 = arith.constant 32 : index
            %swap3A_546 = tpu.vector_load %arg12[%swap3A_545] {strides = array<i32>} : memref<64xi32, #tpu.memory_space<vmem>>, vector<16xi32>,
            tpu.vector_store %arg12[%swap3A_545], %and3A_544 {strides = array<i32>} : memref<64xi32, #tpu.memory_space<vmem>>, vector<16xi32>,
            %add3A_547 = arith.constant 48 : i32
            %add3A_548 = arith.addi %mul3A_513, %add3A_547 : i32
            %get3A_549 = arith.index_cast %add3A_548 : i32 to index
            %get3A_550 = tpu.vector_load %arg8[%get3A_549] {strides = array<i32>} : memref<256xi32, #tpu.memory_space<vmem>>, vector<16xi32>,
            %shift_right_arithmetic3A_551 = arith.shrsi %get3A_550, %broadcast_in_dim3A_388 : vector<16xi32>
            %add3A_552 = arith.addi %shift_right_arithmetic3A_551, %broadcast_in_dim3A_386 : vector<16xi32>
            %swap3A_553 = arith.constant 48 : index
            %swap3A_554 = tpu.vector_load %arg11[%swap3A_553] {strides = array<i32>} : memref<64xi32, #tpu.memory_space<vmem>>, vector<16xi32>,
            tpu.vector_store %arg11[%swap3A_553], %add3A_552 {strides = array<i32>} : memref<64xi32, #tpu.memory_space<vmem>>, vector<16xi32>,
            %and3A_555 = arith.andi %get3A_550, %broadcast_in_dim3A_390 : vector<16xi32>
            %swap3A_556 = arith.constant 48 : index
            %swap3A_557 = tpu.vector_load %arg12[%swap3A_556] {strides = array<i32>} : memref<64xi32, #tpu.memory_space<vmem>>, vector<16xi32>,
            tpu.vector_store %arg12[%swap3A_556], %and3A_555 {strides = array<i32>} : memref<64xi32, #tpu.memory_space<vmem>>, vector<16xi32>,
            %dma_start3A_558 = arith.constant 0 : i32
            %dma_start3A_559 = arith.constant 0 : i32
            %dma_start3A_560 = tpu.memref_slice %arg2[%dma_start3A_558, %dma_start3A_559] : memref<540000x128xf32, #tpu.memory_space<hbm>> -> memref<540000x128xf32, #tpu.memory_space<hbm>>
            tpu.enqueue_indirect_dma source(%dma_start3A_560 : memref<540000x128xf32, #tpu.memory_space<hbm>>) target(%arg13 : memref<64x128xf32, #tpu.memory_space<vmem>>) offsets(%arg11 : memref<64xi32, #tpu.memory_space<vmem>>) semaphore(%arg23 : memref<!tpu.dma_semaphore, #tpu.memory_space<semaphore_mem>>)
          } else {
          }
          %eq3A_490 = arith.constant 1 : i32
          %eq3A_491 = arith.cmpi eq, %rem3A_484, %eq3A_490 : i32
          %convert_element_type3A_492 = arith.extui %eq3A_491 : i1 to i32
          %cond3A_493 = arith.constant 0 : i32
          %cond3A_494 = arith.cmpi ne, %convert_element_type3A_492, %cond3A_493 : i32
          scf.if %cond3A_494 {
            %gt3A_500 = arith.constant 0 : i32
            %gt3A_501 = arith.cmpi sgt, %shift_right_arithmetic3A_482, %gt3A_500 : i32
            %convert_element_type3A_502 = arith.extui %gt3A_501 : i1 to i32
            %cond3A_503 = arith.constant 0 : i32
            %cond3A_504 = arith.cmpi ne, %convert_element_type3A_502, %cond3A_503 : i32
            scf.if %cond3A_504 {
              %dma_wait3A = arith.constant 0 : i32
              %dma_wait3A_561 = arith.constant 0 : i32
              %dma_wait3A_562 = tpu.memref_slice %arg2[%dma_wait3A, %dma_wait3A_561] : memref<540000x128xf32, #tpu.memory_space<hbm>> -> memref<540000x128xf32, #tpu.memory_space<hbm>>
              tpu.wait_indirect_dma semaphore(%arg23 : memref<!tpu.dma_semaphore, #tpu.memory_space<semaphore_mem>>) src(%dma_wait3A_562 : memref<540000x128xf32, #tpu.memory_space<hbm>>) dst(%arg13 : memref<64x128xf32, #tpu.memory_space<vmem>>)
              %dma_start3A_563 = arith.constant 0 : i32
              %dma_start3A_564 = arith.constant 0 : i32
              %dma_start3A_565 = tpu.memref_slice %arg20[%dma_start3A_563, %dma_start3A_564] : memref<12560x128xf32, #tpu.memory_space<vmem_shared>> -> memref<12560x128xf32, #tpu.memory_space<vmem_shared>>
              tpu.enqueue_indirect_dma source(%arg13 : memref<64x128xf32, #tpu.memory_space<vmem>>) target(%dma_start3A_565 : memref<12560x128xf32, #tpu.memory_space<vmem_shared>>) offsets(%arg12 : memref<64xi32, #tpu.memory_space<vmem>>) semaphore(%arg26 : memref<!tpu.dma_semaphore, #tpu.memory_space<semaphore_mem>>) {add = true}
            } else {
            }
            %gt3A_505 = arith.constant 2 : i32
            %gt3A_506 = arith.cmpi sgt, %shift_right_arithmetic3A_482, %gt3A_505 : i32
            %convert_element_type3A_507 = arith.extui %gt3A_506 : i1 to i32
            %cond3A_508 = arith.constant 0 : i32
            %cond3A_509 = arith.cmpi ne, %convert_element_type3A_507, %cond3A_508 : i32
            scf.if %cond3A_509 {
              %dma_wait3A = arith.constant 0 : i32
              %dma_wait3A_561 = arith.constant 0 : i32
              %dma_wait3A_562 = tpu.memref_slice %arg20[%dma_wait3A, %dma_wait3A_561] : memref<12560x128xf32, #tpu.memory_space<vmem_shared>> -> memref<12560x128xf32, #tpu.memory_space<vmem_shared>>
              tpu.wait_indirect_dma semaphore(%arg27 : memref<!tpu.dma_semaphore, #tpu.memory_space<semaphore_mem>>) src(%arg16 : memref<64x128xf32, #tpu.memory_space<vmem>>) dst(%dma_wait3A_562 : memref<12560x128xf32, #tpu.memory_space<vmem_shared>>)
            } else {
            }
            %and3A_510 = arith.constant 3 : i32
            %and3A_511 = arith.andi %shift_right_arithmetic3A_482, %and3A_510 : i32
            %mul3A_512 = arith.constant 64 : i32
            %mul3A_513 = arith.muli %and3A_511, %mul3A_512 : i32
            %add3A_514 = arith.constant 0 : i32
            %add3A_515 = arith.addi %mul3A_513, %add3A_514 : i32
            %get3A_516 = arith.index_cast %add3A_515 : i32 to index
            %get3A_517 = tpu.vector_load %arg8[%get3A_516] {strides = array<i32>} : memref<256xi32, #tpu.memory_space<vmem>>, vector<16xi32>,
            %shift_right_arithmetic3A_518 = arith.shrsi %get3A_517, %broadcast_in_dim3A_388 : vector<16xi32>
            %add3A_519 = arith.addi %shift_right_arithmetic3A_518, %broadcast_in_dim3A_386 : vector<16xi32>
            %swap3A_520 = arith.constant 0 : index
            %swap3A_521 = tpu.vector_load %arg14[%swap3A_520] {strides = array<i32>} : memref<64xi32, #tpu.memory_space<vmem>>, vector<16xi32>,
            tpu.vector_store %arg14[%swap3A_520], %add3A_519 {strides = array<i32>} : memref<64xi32, #tpu.memory_space<vmem>>, vector<16xi32>,
            %and3A_522 = arith.andi %get3A_517, %broadcast_in_dim3A_390 : vector<16xi32>
            %swap3A_523 = arith.constant 0 : index
            %swap3A_524 = tpu.vector_load %arg15[%swap3A_523] {strides = array<i32>} : memref<64xi32, #tpu.memory_space<vmem>>, vector<16xi32>,
            tpu.vector_store %arg15[%swap3A_523], %and3A_522 {strides = array<i32>} : memref<64xi32, #tpu.memory_space<vmem>>, vector<16xi32>,
            %add3A_525 = arith.constant 16 : i32
            %add3A_526 = arith.addi %mul3A_513, %add3A_525 : i32
            %get3A_527 = arith.index_cast %add3A_526 : i32 to index
            %get3A_528 = tpu.vector_load %arg8[%get3A_527] {strides = array<i32>} : memref<256xi32, #tpu.memory_space<vmem>>, vector<16xi32>,
            %shift_right_arithmetic3A_529 = arith.shrsi %get3A_528, %broadcast_in_dim3A_388 : vector<16xi32>
            %add3A_530 = arith.addi %shift_right_arithmetic3A_529, %broadcast_in_dim3A_386 : vector<16xi32>
            %swap3A_531 = arith.constant 16 : index
            %swap3A_532 = tpu.vector_load %arg14[%swap3A_531] {strides = array<i32>} : memref<64xi32, #tpu.memory_space<vmem>>, vector<16xi32>,
            tpu.vector_store %arg14[%swap3A_531], %add3A_530 {strides = array<i32>} : memref<64xi32, #tpu.memory_space<vmem>>, vector<16xi32>,
            %and3A_533 = arith.andi %get3A_528, %broadcast_in_dim3A_390 : vector<16xi32>
            %swap3A_534 = arith.constant 16 : index
            %swap3A_535 = tpu.vector_load %arg15[%swap3A_534] {strides = array<i32>} : memref<64xi32, #tpu.memory_space<vmem>>, vector<16xi32>,
            tpu.vector_store %arg15[%swap3A_534], %and3A_533 {strides = array<i32>} : memref<64xi32, #tpu.memory_space<vmem>>, vector<16xi32>,
            %add3A_536 = arith.constant 32 : i32
            %add3A_537 = arith.addi %mul3A_513, %add3A_536 : i32
            %get3A_538 = arith.index_cast %add3A_537 : i32 to index
            %get3A_539 = tpu.vector_load %arg8[%get3A_538] {strides = array<i32>} : memref<256xi32, #tpu.memory_space<vmem>>, vector<16xi32>,
            %shift_right_arithmetic3A_540 = arith.shrsi %get3A_539, %broadcast_in_dim3A_388 : vector<16xi32>
            %add3A_541 = arith.addi %shift_right_arithmetic3A_540, %broadcast_in_dim3A_386 : vector<16xi32>
            %swap3A_542 = arith.constant 32 : index
            %swap3A_543 = tpu.vector_load %arg14[%swap3A_542] {strides = array<i32>} : memref<64xi32, #tpu.memory_space<vmem>>, vector<16xi32>,
            tpu.vector_store %arg14[%swap3A_542], %add3A_541 {strides = array<i32>} : memref<64xi32, #tpu.memory_space<vmem>>, vector<16xi32>,
            %and3A_544 = arith.andi %get3A_539, %broadcast_in_dim3A_390 : vector<16xi32>
            %swap3A_545 = arith.constant 32 : index
            %swap3A_546 = tpu.vector_load %arg15[%swap3A_545] {strides = array<i32>} : memref<64xi32, #tpu.memory_space<vmem>>, vector<16xi32>,
            tpu.vector_store %arg15[%swap3A_545], %and3A_544 {strides = array<i32>} : memref<64xi32, #tpu.memory_space<vmem>>, vector<16xi32>,
            %add3A_547 = arith.constant 48 : i32
            %add3A_548 = arith.addi %mul3A_513, %add3A_547 : i32
            %get3A_549 = arith.index_cast %add3A_548 : i32 to index
            %get3A_550 = tpu.vector_load %arg8[%get3A_549] {strides = array<i32>} : memref<256xi32, #tpu.memory_space<vmem>>, vector<16xi32>,
            %shift_right_arithmetic3A_551 = arith.shrsi %get3A_550, %broadcast_in_dim3A_388 : vector<16xi32>
            %add3A_552 = arith.addi %shift_right_arithmetic3A_551, %broadcast_in_dim3A_386 : vector<16xi32>
            %swap3A_553 = arith.constant 48 : index
            %swap3A_554 = tpu.vector_load %arg14[%swap3A_553] {strides = array<i32>} : memref<64xi32, #tpu.memory_space<vmem>>, vector<16xi32>,
            tpu.vector_store %arg14[%swap3A_553], %add3A_552 {strides = array<i32>} : memref<64xi32, #tpu.memory_space<vmem>>, vector<16xi32>,
            %and3A_555 = arith.andi %get3A_550, %broadcast_in_dim3A_390 : vector<16xi32>
            %swap3A_556 = arith.constant 48 : index
            %swap3A_557 = tpu.vector_load %arg15[%swap3A_556] {strides = array<i32>} : memref<64xi32, #tpu.memory_space<vmem>>, vector<16xi32>,
            tpu.vector_store %arg15[%swap3A_556], %and3A_555 {strides = array<i32>} : memref<64xi32, #tpu.memory_space<vmem>>, vector<16xi32>,
            %dma_start3A_558 = arith.constant 0 : i32
            %dma_start3A_559 = arith.constant 0 : i32
            %dma_start3A_560 = tpu.memref_slice %arg2[%dma_start3A_558, %dma_start3A_559] : memref<540000x128xf32, #tpu.memory_space<hbm>> -> memref<540000x128xf32, #tpu.memory_space<hbm>>
            tpu.enqueue_indirect_dma source(%dma_start3A_560 : memref<540000x128xf32, #tpu.memory_space<hbm>>) target(%arg16 : memref<64x128xf32, #tpu.memory_space<vmem>>) offsets(%arg14 : memref<64xi32, #tpu.memory_space<vmem>>) semaphore(%arg24 : memref<!tpu.dma_semaphore, #tpu.memory_space<semaphore_mem>>)
          } else {
          }
          %eq3A_495 = arith.constant 2 : i32
          %eq3A_496 = arith.cmpi eq, %rem3A_484, %eq3A_495 : i32
          %convert_element_type3A_497 = arith.extui %eq3A_496 : i1 to i32
          %cond3A_498 = arith.constant 0 : i32
          %cond3A_499 = arith.cmpi ne, %convert_element_type3A_497, %cond3A_498 : i32
          scf.if %cond3A_499 {
            %gt3A_500 = arith.constant 0 : i32
            %gt3A_501 = arith.cmpi sgt, %shift_right_arithmetic3A_482, %gt3A_500 : i32
            %convert_element_type3A_502 = arith.extui %gt3A_501 : i1 to i32
            %cond3A_503 = arith.constant 0 : i32
            %cond3A_504 = arith.cmpi ne, %convert_element_type3A_502, %cond3A_503 : i32
            scf.if %cond3A_504 {
              %dma_wait3A = arith.constant 0 : i32
              %dma_wait3A_561 = arith.constant 0 : i32
              %dma_wait3A_562 = tpu.memref_slice %arg2[%dma_wait3A, %dma_wait3A_561] : memref<540000x128xf32, #tpu.memory_space<hbm>> -> memref<540000x128xf32, #tpu.memory_space<hbm>>
              tpu.wait_indirect_dma semaphore(%arg24 : memref<!tpu.dma_semaphore, #tpu.memory_space<semaphore_mem>>) src(%dma_wait3A_562 : memref<540000x128xf32, #tpu.memory_space<hbm>>) dst(%arg16 : memref<64x128xf32, #tpu.memory_space<vmem>>)
              %dma_start3A_563 = arith.constant 0 : i32
              %dma_start3A_564 = arith.constant 0 : i32
              %dma_start3A_565 = tpu.memref_slice %arg20[%dma_start3A_563, %dma_start3A_564] : memref<12560x128xf32, #tpu.memory_space<vmem_shared>> -> memref<12560x128xf32, #tpu.memory_space<vmem_shared>>
              tpu.enqueue_indirect_dma source(%arg16 : memref<64x128xf32, #tpu.memory_space<vmem>>) target(%dma_start3A_565 : memref<12560x128xf32, #tpu.memory_space<vmem_shared>>) offsets(%arg15 : memref<64xi32, #tpu.memory_space<vmem>>) semaphore(%arg27 : memref<!tpu.dma_semaphore, #tpu.memory_space<semaphore_mem>>) {add = true}
            } else {
            }
            %gt3A_505 = arith.constant 2 : i32
            %gt3A_506 = arith.cmpi sgt, %shift_right_arithmetic3A_482, %gt3A_505 : i32
            %convert_element_type3A_507 = arith.extui %gt3A_506 : i1 to i32
            %cond3A_508 = arith.constant 0 : i32
            %cond3A_509 = arith.cmpi ne, %convert_element_type3A_507, %cond3A_508 : i32
            scf.if %cond3A_509 {
              %dma_wait3A = arith.constant 0 : i32
              %dma_wait3A_561 = arith.constant 0 : i32
              %dma_wait3A_562 = tpu.memref_slice %arg20[%dma_wait3A, %dma_wait3A_561] : memref<12560x128xf32, #tpu.memory_space<vmem_shared>> -> memref<12560x128xf32, #tpu.memory_space<vmem_shared>>
              tpu.wait_indirect_dma semaphore(%arg28 : memref<!tpu.dma_semaphore, #tpu.memory_space<semaphore_mem>>) src(%arg19 : memref<64x128xf32, #tpu.memory_space<vmem>>) dst(%dma_wait3A_562 : memref<12560x128xf32, #tpu.memory_space<vmem_shared>>)
            } else {
            }
            %and3A_510 = arith.constant 3 : i32
            %and3A_511 = arith.andi %shift_right_arithmetic3A_482, %and3A_510 : i32
            %mul3A_512 = arith.constant 64 : i32
            %mul3A_513 = arith.muli %and3A_511, %mul3A_512 : i32
            %add3A_514 = arith.constant 0 : i32
            %add3A_515 = arith.addi %mul3A_513, %add3A_514 : i32
            %get3A_516 = arith.index_cast %add3A_515 : i32 to index
            %get3A_517 = tpu.vector_load %arg8[%get3A_516] {strides = array<i32>} : memref<256xi32, #tpu.memory_space<vmem>>, vector<16xi32>,
            %shift_right_arithmetic3A_518 = arith.shrsi %get3A_517, %broadcast_in_dim3A_388 : vector<16xi32>
            %add3A_519 = arith.addi %shift_right_arithmetic3A_518, %broadcast_in_dim3A_386 : vector<16xi32>
            %swap3A_520 = arith.constant 0 : index
            %swap3A_521 = tpu.vector_load %arg17[%swap3A_520] {strides = array<i32>} : memref<64xi32, #tpu.memory_space<vmem>>, vector<16xi32>,
            tpu.vector_store %arg17[%swap3A_520], %add3A_519 {strides = array<i32>} : memref<64xi32, #tpu.memory_space<vmem>>, vector<16xi32>,
            %and3A_522 = arith.andi %get3A_517, %broadcast_in_dim3A_390 : vector<16xi32>
            %swap3A_523 = arith.constant 0 : index
            %swap3A_524 = tpu.vector_load %arg18[%swap3A_523] {strides = array<i32>} : memref<64xi32, #tpu.memory_space<vmem>>, vector<16xi32>,
            tpu.vector_store %arg18[%swap3A_523], %and3A_522 {strides = array<i32>} : memref<64xi32, #tpu.memory_space<vmem>>, vector<16xi32>,
            %add3A_525 = arith.constant 16 : i32
            %add3A_526 = arith.addi %mul3A_513, %add3A_525 : i32
            %get3A_527 = arith.index_cast %add3A_526 : i32 to index
            %get3A_528 = tpu.vector_load %arg8[%get3A_527] {strides = array<i32>} : memref<256xi32, #tpu.memory_space<vmem>>, vector<16xi32>,
            %shift_right_arithmetic3A_529 = arith.shrsi %get3A_528, %broadcast_in_dim3A_388 : vector<16xi32>
            %add3A_530 = arith.addi %shift_right_arithmetic3A_529, %broadcast_in_dim3A_386 : vector<16xi32>
            %swap3A_531 = arith.constant 16 : index
            %swap3A_532 = tpu.vector_load %arg17[%swap3A_531] {strides = array<i32>} : memref<64xi32, #tpu.memory_space<vmem>>, vector<16xi32>,
            tpu.vector_store %arg17[%swap3A_531], %add3A_530 {strides = array<i32>} : memref<64xi32, #tpu.memory_space<vmem>>, vector<16xi32>,
            %and3A_533 = arith.andi %get3A_528, %broadcast_in_dim3A_390 : vector<16xi32>
            %swap3A_534 = arith.constant 16 : index
            %swap3A_535 = tpu.vector_load %arg18[%swap3A_534] {strides = array<i32>} : memref<64xi32, #tpu.memory_space<vmem>>, vector<16xi32>,
            tpu.vector_store %arg18[%swap3A_534], %and3A_533 {strides = array<i32>} : memref<64xi32, #tpu.memory_space<vmem>>, vector<16xi32>,
            %add3A_536 = arith.constant 32 : i32
            %add3A_537 = arith.addi %mul3A_513, %add3A_536 : i32
            %get3A_538 = arith.index_cast %add3A_537 : i32 to index
            %get3A_539 = tpu.vector_load %arg8[%get3A_538] {strides = array<i32>} : memref<256xi32, #tpu.memory_space<vmem>>, vector<16xi32>,
            %shift_right_arithmetic3A_540 = arith.shrsi %get3A_539, %broadcast_in_dim3A_388 : vector<16xi32>
            %add3A_541 = arith.addi %shift_right_arithmetic3A_540, %broadcast_in_dim3A_386 : vector<16xi32>
            %swap3A_542 = arith.constant 32 : index
            %swap3A_543 = tpu.vector_load %arg17[%swap3A_542] {strides = array<i32>} : memref<64xi32, #tpu.memory_space<vmem>>, vector<16xi32>,
            tpu.vector_store %arg17[%swap3A_542], %add3A_541 {strides = array<i32>} : memref<64xi32, #tpu.memory_space<vmem>>, vector<16xi32>,
            %and3A_544 = arith.andi %get3A_539, %broadcast_in_dim3A_390 : vector<16xi32>
            %swap3A_545 = arith.constant 32 : index
            %swap3A_546 = tpu.vector_load %arg18[%swap3A_545] {strides = array<i32>} : memref<64xi32, #tpu.memory_space<vmem>>, vector<16xi32>,
            tpu.vector_store %arg18[%swap3A_545], %and3A_544 {strides = array<i32>} : memref<64xi32, #tpu.memory_space<vmem>>, vector<16xi32>,
            %add3A_547 = arith.constant 48 : i32
            %add3A_548 = arith.addi %mul3A_513, %add3A_547 : i32
            %get3A_549 = arith.index_cast %add3A_548 : i32 to index
            %get3A_550 = tpu.vector_load %arg8[%get3A_549] {strides = array<i32>} : memref<256xi32, #tpu.memory_space<vmem>>, vector<16xi32>,
            %shift_right_arithmetic3A_551 = arith.shrsi %get3A_550, %broadcast_in_dim3A_388 : vector<16xi32>
            %add3A_552 = arith.addi %shift_right_arithmetic3A_551, %broadcast_in_dim3A_386 : vector<16xi32>
            %swap3A_553 = arith.constant 48 : index
            %swap3A_554 = tpu.vector_load %arg17[%swap3A_553] {strides = array<i32>} : memref<64xi32, #tpu.memory_space<vmem>>, vector<16xi32>,
            tpu.vector_store %arg17[%swap3A_553], %add3A_552 {strides = array<i32>} : memref<64xi32, #tpu.memory_space<vmem>>, vector<16xi32>,
            %and3A_555 = arith.andi %get3A_550, %broadcast_in_dim3A_390 : vector<16xi32>
            %swap3A_556 = arith.constant 48 : index
            %swap3A_557 = tpu.vector_load %arg18[%swap3A_556] {strides = array<i32>} : memref<64xi32, #tpu.memory_space<vmem>>, vector<16xi32>,
            tpu.vector_store %arg18[%swap3A_556], %and3A_555 {strides = array<i32>} : memref<64xi32, #tpu.memory_space<vmem>>, vector<16xi32>,
            %dma_start3A_558 = arith.constant 0 : i32
            %dma_start3A_559 = arith.constant 0 : i32
            %dma_start3A_560 = tpu.memref_slice %arg2[%dma_start3A_558, %dma_start3A_559] : memref<540000x128xf32, #tpu.memory_space<hbm>> -> memref<540000x128xf32, #tpu.memory_space<hbm>>
            tpu.enqueue_indirect_dma source(%dma_start3A_560 : memref<540000x128xf32, #tpu.memory_space<hbm>>) target(%arg19 : memref<64x128xf32, #tpu.memory_space<vmem>>) offsets(%arg17 : memref<64xi32, #tpu.memory_space<vmem>>) semaphore(%arg25 : memref<!tpu.dma_semaphore, #tpu.memory_space<semaphore_mem>>)
          } else {
          }
        } else {
        }
        scf.yield %add3A_472 : i32
      }
      %scan3A_436 = arith.constant 4 : i32
      %shift_right_arithmetic3A = arith.constant 6 : i32
      %shift_right_arithmetic3A_437 = arith.shrsi %scan3A_435, %shift_right_arithmetic3A : i32
      %sub3A = arith.constant 1 : i32
      %sub3A_438 = arith.subi %shift_right_arithmetic3A_437, %sub3A : i32
      %rem3A = arith.constant 3 : i32
      %rem3A_439 = arith.remsi %sub3A_438, %rem3A : i32
      %eq3A = arith.constant 0 : i32
      %eq3A_440 = arith.cmpi eq, %rem3A_439, %eq3A : i32
      %convert_element_type3A = arith.extui %eq3A_440 : i1 to i32
      %cond3A = arith.constant 0 : i32
      %cond3A_441 = arith.cmpi ne, %convert_element_type3A, %cond3A : i32
      scf.if %cond3A_441 {
        %dma_wait3A = arith.constant 0 : i32
        %dma_wait3A_461 = arith.constant 0 : i32
        %dma_wait3A_462 = tpu.memref_slice %arg2[%dma_wait3A, %dma_wait3A_461] : memref<540000x128xf32, #tpu.memory_space<hbm>> -> memref<540000x128xf32, #tpu.memory_space<hbm>>
        tpu.wait_indirect_dma semaphore(%arg23 : memref<!tpu.dma_semaphore, #tpu.memory_space<semaphore_mem>>) src(%dma_wait3A_462 : memref<540000x128xf32, #tpu.memory_space<hbm>>) dst(%arg13 : memref<64x128xf32, #tpu.memory_space<vmem>>)
        %dma_start3A_463 = arith.constant 0 : i32
        %dma_start3A_464 = arith.constant 0 : i32
        %dma_start3A_465 = tpu.memref_slice %arg20[%dma_start3A_463, %dma_start3A_464] : memref<12560x128xf32, #tpu.memory_space<vmem_shared>> -> memref<12560x128xf32, #tpu.memory_space<vmem_shared>>
        tpu.enqueue_indirect_dma source(%arg13 : memref<64x128xf32, #tpu.memory_space<vmem>>) target(%dma_start3A_465 : memref<12560x128xf32, #tpu.memory_space<vmem_shared>>) offsets(%arg12 : memref<64xi32, #tpu.memory_space<vmem>>) semaphore(%arg26 : memref<!tpu.dma_semaphore, #tpu.memory_space<semaphore_mem>>) {add = true}
        %dma_wait3A_466 = arith.constant 0 : i32
        %dma_wait3A_467 = arith.constant 0 : i32
        %dma_wait3A_468 = tpu.memref_slice %arg20[%dma_wait3A_466, %dma_wait3A_467] : memref<12560x128xf32, #tpu.memory_space<vmem_shared>> -> memref<12560x128xf32, #tpu.memory_space<vmem_shared>>
        tpu.wait_indirect_dma semaphore(%arg26 : memref<!tpu.dma_semaphore, #tpu.memory_space<semaphore_mem>>) src(%arg13 : memref<64x128xf32, #tpu.memory_space<vmem>>) dst(%dma_wait3A_468 : memref<12560x128xf32, #tpu.memory_space<vmem_shared>>)
        %gt3A = arith.constant 0 : i32
        %gt3A_469 = arith.cmpi sgt, %sub3A_438, %gt3A : i32
        %convert_element_type3A_470 = arith.extui %gt3A_469 : i1 to i32
        %cond3A_471 = arith.constant 0 : i32
        %cond3A_472 = arith.cmpi ne, %convert_element_type3A_470, %cond3A_471 : i32
        scf.if %cond3A_472 {
          %dma_wait3A_478 = arith.constant 0 : i32
          %dma_wait3A_479 = arith.constant 0 : i32
          %dma_wait3A_480 = tpu.memref_slice %arg20[%dma_wait3A_478, %dma_wait3A_479] : memref<12560x128xf32, #tpu.memory_space<vmem_shared>> -> memref<12560x128xf32, #tpu.memory_space<vmem_shared>>
          tpu.wait_indirect_dma semaphore(%arg28 : memref<!tpu.dma_semaphore, #tpu.memory_space<semaphore_mem>>) src(%arg19 : memref<64x128xf32, #tpu.memory_space<vmem>>) dst(%dma_wait3A_480 : memref<12560x128xf32, #tpu.memory_space<vmem_shared>>)
        } else {
        }
        %gt3A_473 = arith.constant 1 : i32
        %gt3A_474 = arith.cmpi sgt, %sub3A_438, %gt3A_473 : i32
        %convert_element_type3A_475 = arith.extui %gt3A_474 : i1 to i32
        %cond3A_476 = arith.constant 0 : i32
        %cond3A_477 = arith.cmpi ne, %convert_element_type3A_475, %cond3A_476 : i32
        scf.if %cond3A_477 {
          %dma_wait3A_478 = arith.constant 0 : i32
          %dma_wait3A_479 = arith.constant 0 : i32
          %dma_wait3A_480 = tpu.memref_slice %arg20[%dma_wait3A_478, %dma_wait3A_479] : memref<12560x128xf32, #tpu.memory_space<vmem_shared>> -> memref<12560x128xf32, #tpu.memory_space<vmem_shared>>
          tpu.wait_indirect_dma semaphore(%arg27 : memref<!tpu.dma_semaphore, #tpu.memory_space<semaphore_mem>>) src(%arg16 : memref<64x128xf32, #tpu.memory_space<vmem>>) dst(%dma_wait3A_480 : memref<12560x128xf32, #tpu.memory_space<vmem_shared>>)
        } else {
        }
      } else {
      }
      %eq3A_442 = arith.constant 1 : i32
      %eq3A_443 = arith.cmpi eq, %rem3A_439, %eq3A_442 : i32
      %convert_element_type3A_444 = arith.extui %eq3A_443 : i1 to i32
      %cond3A_445 = arith.constant 0 : i32
      %cond3A_446 = arith.cmpi ne, %convert_element_type3A_444, %cond3A_445 : i32
      scf.if %cond3A_446 {
        %dma_wait3A = arith.constant 0 : i32
        %dma_wait3A_461 = arith.constant 0 : i32
        %dma_wait3A_462 = tpu.memref_slice %arg2[%dma_wait3A, %dma_wait3A_461] : memref<540000x128xf32, #tpu.memory_space<hbm>> -> memref<540000x128xf32, #tpu.memory_space<hbm>>
        tpu.wait_indirect_dma semaphore(%arg24 : memref<!tpu.dma_semaphore, #tpu.memory_space<semaphore_mem>>) src(%dma_wait3A_462 : memref<540000x128xf32, #tpu.memory_space<hbm>>) dst(%arg16 : memref<64x128xf32, #tpu.memory_space<vmem>>)
        %dma_start3A_463 = arith.constant 0 : i32
        %dma_start3A_464 = arith.constant 0 : i32
        %dma_start3A_465 = tpu.memref_slice %arg20[%dma_start3A_463, %dma_start3A_464] : memref<12560x128xf32, #tpu.memory_space<vmem_shared>> -> memref<12560x128xf32, #tpu.memory_space<vmem_shared>>
        tpu.enqueue_indirect_dma source(%arg16 : memref<64x128xf32, #tpu.memory_space<vmem>>) target(%dma_start3A_465 : memref<12560x128xf32, #tpu.memory_space<vmem_shared>>) offsets(%arg15 : memref<64xi32, #tpu.memory_space<vmem>>) semaphore(%arg27 : memref<!tpu.dma_semaphore, #tpu.memory_space<semaphore_mem>>) {add = true}
        %dma_wait3A_466 = arith.constant 0 : i32
        %dma_wait3A_467 = arith.constant 0 : i32
        %dma_wait3A_468 = tpu.memref_slice %arg20[%dma_wait3A_466, %dma_wait3A_467] : memref<12560x128xf32, #tpu.memory_space<vmem_shared>> -> memref<12560x128xf32, #tpu.memory_space<vmem_shared>>
        tpu.wait_indirect_dma semaphore(%arg27 : memref<!tpu.dma_semaphore, #tpu.memory_space<semaphore_mem>>) src(%arg16 : memref<64x128xf32, #tpu.memory_space<vmem>>) dst(%dma_wait3A_468 : memref<12560x128xf32, #tpu.memory_space<vmem_shared>>)
        %gt3A = arith.constant 0 : i32
        %gt3A_469 = arith.cmpi sgt, %sub3A_438, %gt3A : i32
        %convert_element_type3A_470 = arith.extui %gt3A_469 : i1 to i32
        %cond3A_471 = arith.constant 0 : i32
        %cond3A_472 = arith.cmpi ne, %convert_element_type3A_470, %cond3A_471 : i32
        scf.if %cond3A_472 {
          %dma_wait3A_478 = arith.constant 0 : i32
          %dma_wait3A_479 = arith.constant 0 : i32
          %dma_wait3A_480 = tpu.memref_slice %arg20[%dma_wait3A_478, %dma_wait3A_479] : memref<12560x128xf32, #tpu.memory_space<vmem_shared>> -> memref<12560x128xf32, #tpu.memory_space<vmem_shared>>
          tpu.wait_indirect_dma semaphore(%arg26 : memref<!tpu.dma_semaphore, #tpu.memory_space<semaphore_mem>>) src(%arg13 : memref<64x128xf32, #tpu.memory_space<vmem>>) dst(%dma_wait3A_480 : memref<12560x128xf32, #tpu.memory_space<vmem_shared>>)
        } else {
        }
        %gt3A_473 = arith.constant 1 : i32
        %gt3A_474 = arith.cmpi sgt, %sub3A_438, %gt3A_473 : i32
        %convert_element_type3A_475 = arith.extui %gt3A_474 : i1 to i32
        %cond3A_476 = arith.constant 0 : i32
        %cond3A_477 = arith.cmpi ne, %convert_element_type3A_475, %cond3A_476 : i32
        scf.if %cond3A_477 {
          %dma_wait3A_478 = arith.constant 0 : i32
          %dma_wait3A_479 = arith.constant 0 : i32
          %dma_wait3A_480 = tpu.memref_slice %arg20[%dma_wait3A_478, %dma_wait3A_479] : memref<12560x128xf32, #tpu.memory_space<vmem_shared>> -> memref<12560x128xf32, #tpu.memory_space<vmem_shared>>
          tpu.wait_indirect_dma semaphore(%arg28 : memref<!tpu.dma_semaphore, #tpu.memory_space<semaphore_mem>>) src(%arg19 : memref<64x128xf32, #tpu.memory_space<vmem>>) dst(%dma_wait3A_480 : memref<12560x128xf32, #tpu.memory_space<vmem_shared>>)
        } else {
        }
      } else {
      }
      %eq3A_447 = arith.constant 2 : i32
      %eq3A_448 = arith.cmpi eq, %rem3A_439, %eq3A_447 : i32
      %convert_element_type3A_449 = arith.extui %eq3A_448 : i1 to i32
      %cond3A_450 = arith.constant 0 : i32
      %cond3A_451 = arith.cmpi ne, %convert_element_type3A_449, %cond3A_450 : i32
      scf.if %cond3A_451 {
        %dma_wait3A = arith.constant 0 : i32
        %dma_wait3A_461 = arith.constant 0 : i32
        %dma_wait3A_462 = tpu.memref_slice %arg2[%dma_wait3A, %dma_wait3A_461] : memref<540000x128xf32, #tpu.memory_space<hbm>> -> memref<540000x128xf32, #tpu.memory_space<hbm>>
        tpu.wait_indirect_dma semaphore(%arg25 : memref<!tpu.dma_semaphore, #tpu.memory_space<semaphore_mem>>) src(%dma_wait3A_462 : memref<540000x128xf32, #tpu.memory_space<hbm>>) dst(%arg19 : memref<64x128xf32, #tpu.memory_space<vmem>>)
        %dma_start3A_463 = arith.constant 0 : i32
        %dma_start3A_464 = arith.constant 0 : i32
        %dma_start3A_465 = tpu.memref_slice %arg20[%dma_start3A_463, %dma_start3A_464] : memref<12560x128xf32, #tpu.memory_space<vmem_shared>> -> memref<12560x128xf32, #tpu.memory_space<vmem_shared>>
        tpu.enqueue_indirect_dma source(%arg19 : memref<64x128xf32, #tpu.memory_space<vmem>>) target(%dma_start3A_465 : memref<12560x128xf32, #tpu.memory_space<vmem_shared>>) offsets(%arg18 : memref<64xi32, #tpu.memory_space<vmem>>) semaphore(%arg28 : memref<!tpu.dma_semaphore, #tpu.memory_space<semaphore_mem>>) {add = true}
        %dma_wait3A_466 = arith.constant 0 : i32
        %dma_wait3A_467 = arith.constant 0 : i32
        %dma_wait3A_468 = tpu.memref_slice %arg20[%dma_wait3A_466, %dma_wait3A_467] : memref<12560x128xf32, #tpu.memory_space<vmem_shared>> -> memref<12560x128xf32, #tpu.memory_space<vmem_shared>>
        tpu.wait_indirect_dma semaphore(%arg28 : memref<!tpu.dma_semaphore, #tpu.memory_space<semaphore_mem>>) src(%arg19 : memref<64x128xf32, #tpu.memory_space<vmem>>) dst(%dma_wait3A_468 : memref<12560x128xf32, #tpu.memory_space<vmem_shared>>)
        %gt3A = arith.constant 0 : i32
        %gt3A_469 = arith.cmpi sgt, %sub3A_438, %gt3A : i32
        %convert_element_type3A_470 = arith.extui %gt3A_469 : i1 to i32
        %cond3A_471 = arith.constant 0 : i32
        %cond3A_472 = arith.cmpi ne, %convert_element_type3A_470, %cond3A_471 : i32
        scf.if %cond3A_472 {
          %dma_wait3A_478 = arith.constant 0 : i32
          %dma_wait3A_479 = arith.constant 0 : i32
          %dma_wait3A_480 = tpu.memref_slice %arg20[%dma_wait3A_478, %dma_wait3A_479] : memref<12560x128xf32, #tpu.memory_space<vmem_shared>> -> memref<12560x128xf32, #tpu.memory_space<vmem_shared>>
          tpu.wait_indirect_dma semaphore(%arg27 : memref<!tpu.dma_semaphore, #tpu.memory_space<semaphore_mem>>) src(%arg16 : memref<64x128xf32, #tpu.memory_space<vmem>>) dst(%dma_wait3A_480 : memref<12560x128xf32, #tpu.memory_space<vmem_shared>>)
        } else {
        }
        %gt3A_473 = arith.constant 1 : i32
        %gt3A_474 = arith.cmpi sgt, %sub3A_438, %gt3A_473 : i32
        %convert_element_type3A_475 = arith.extui %gt3A_474 : i1 to i32
        %cond3A_476 = arith.constant 0 : i32
        %cond3A_477 = arith.cmpi ne, %convert_element_type3A_475, %cond3A_476 : i32
        scf.if %cond3A_477 {
          %dma_wait3A_478 = arith.constant 0 : i32
          %dma_wait3A_479 = arith.constant 0 : i32
          %dma_wait3A_480 = tpu.memref_slice %arg20[%dma_wait3A_478, %dma_wait3A_479] : memref<12560x128xf32, #tpu.memory_space<vmem_shared>> -> memref<12560x128xf32, #tpu.memory_space<vmem_shared>>
          tpu.wait_indirect_dma semaphore(%arg26 : memref<!tpu.dma_semaphore, #tpu.memory_space<semaphore_mem>>) src(%arg13 : memref<64x128xf32, #tpu.memory_space<vmem>>) dst(%dma_wait3A_480 : memref<12560x128xf32, #tpu.memory_space<vmem_shared>>)
        } else {
        }
      } else {
      }
      %barrier3A_452 = arith.constant 0 : index
      tpu.barrier barrier_id(%barrier3A_452)
      %mul3A_453 = arith.constant 784 : i32
      %mul3A_454 = arith.muli %arg1, %mul3A_453 : i32
      %mul3A_455 = arith.constant 12544 : i32
      %mul3A_456 = arith.muli %add3A, %mul3A_455 : i32
      %mul3A_457 = arith.constant 784 : i32
      %mul3A_458 = arith.muli %arg1, %mul3A_457 : i32
      %add3A_459 = arith.addi %mul3A_456, %mul3A_458 : i32
      "tpu.region"() ({
        %run_scoped3A = tpu.sem_alloc : memref<!tpu.dma_semaphore, #tpu.memory_space<semaphore_mem>>
        %dma_start3A_461 = arith.constant 0 : i32
        %dma_start3A_462 = tpu.memref_slice %arg5[%add3A_459, %dma_start3A_461] : memref<100352x128xf32, #tpu.memory_space<hbm>> -> memref<784x128xf32, #tpu.memory_space<hbm>>
        %dma_start3A_463 = arith.constant 0 : i32
        %dma_start3A_464 = tpu.memref_slice %arg20[%mul3A_454, %dma_start3A_463] : memref<12560x128xf32, #tpu.memory_space<vmem_shared>> -> memref<784x128xf32, #tpu.memory_space<vmem_shared>>
        tpu.enqueue_dma source(%dma_start3A_464 : memref<784x128xf32, #tpu.memory_space<vmem_shared>>) target(%dma_start3A_462 : memref<784x128xf32, #tpu.memory_space<hbm>>) target_semaphore(%run_scoped3A : memref<!tpu.dma_semaphore, #tpu.memory_space<semaphore_mem>>)
        %dma_wait3A = arith.constant 0 : i32
        %dma_wait3A_465 = tpu.memref_slice %arg5[%add3A_459, %dma_wait3A] : memref<100352x128xf32, #tpu.memory_space<hbm>> -> memref<784x128xf32, #tpu.memory_space<hbm>>
        %dma_wait3A_466 = arith.constant 0 : i32
        %dma_wait3A_467 = tpu.memref_slice %arg20[%mul3A_454, %dma_wait3A_466] : memref<12560x128xf32, #tpu.memory_space<vmem_shared>> -> memref<784x128xf32, #tpu.memory_space<vmem_shared>>
        tpu.wait_dma2 semaphore(%run_scoped3A : memref<!tpu.dma_semaphore, #tpu.memory_space<semaphore_mem>>) src(%dma_wait3A_467 : memref<784x128xf32, #tpu.memory_space<vmem_shared>>) dst(%dma_wait3A_465 : memref<784x128xf32, #tpu.memory_space<hbm>>)
        tpu.yield
      }) : () -> ()
      %barrier3A_460 = arith.constant 0 : index
      tpu.barrier barrier_id(%barrier3A_460)
    }
    %scan3A_399 = arith.constant 4 : i32
    return
  }
}

#map = affine_map<(d0, d1) -> (0, 0)>
#map1 = affine_map<(d0, d1) -> (0)>
module attributes {stable_mosaic.version = 14 : i64} {
  func.func @_gather_body(%arg0: i32, %arg1: i32, %arg2: memref<100000x128xf32, #tpu.memory_space<hbm>>, %arg3: memref<540672xi32, #tpu.memory_space<hbm>>, %arg4: memref<540672x128xf32, #tpu.memory_space<hbm>>, %arg5: memref<16896xi32, #tpu.memory_space<vmem>>, %arg6: memref<128x128xf32, #tpu.memory_space<vmem>>, %arg7: memref<128x128xf32, #tpu.memory_space<vmem>>, %arg8: memref<128x128xf32, #tpu.memory_space<vmem>>, %arg9: memref<128x128xf32, #tpu.memory_space<vmem>>, %arg10: memref<128x128xf32, #tpu.memory_space<vmem>>, %arg11: memref<128x128xf32, #tpu.memory_space<vmem>>, %arg12: memref<!tpu.dma_semaphore, #tpu.memory_space<semaphore_mem>>, %arg13: memref<!tpu.dma_semaphore, #tpu.memory_space<semaphore_mem>>, %arg14: memref<!tpu.dma_semaphore, #tpu.memory_space<semaphore_mem>>, %arg15: memref<!tpu.dma_semaphore, #tpu.memory_space<semaphore_mem>>) attributes {dimension_semantics = [#tpu.dimension_semantics<core_parallel>, #tpu.dimension_semantics<subcore_parallel>], iteration_bounds = array<i64: 2, 16>, scalar_prefetch = 0 : i64, scratch_operands = 11 : i64, tpu.core_type = #tpu.core_type<sc_vector_subcore>, window_params = [{transform_indices = #map}, {transform_indices = #map1}, {transform_indices = #map}]} {
    %mul3A = arith.constant 2 : i32
    %mul3A_0 = arith.muli %arg1, %mul3A : i32
    %add3A = arith.addi %mul3A_0, %arg0 : i32
    %mul3A_1 = arith.constant 16896 : i32
    %mul3A_2 = arith.muli %add3A, %mul3A_1 : i32
    "tpu.region"() ({
      %run_scoped3A = tpu.sem_alloc : memref<!tpu.dma_semaphore, #tpu.memory_space<semaphore_mem>>
      %dma_start3A_63 = tpu.memref_slice %arg3[%mul3A_2] : memref<540672xi32, #tpu.memory_space<hbm>> -> memref<16896xi32, #tpu.memory_space<hbm>>
      %dma_start3A_64 = tpu.memref_slice %arg3[%mul3A_2] : memref<540672xi32, #tpu.memory_space<hbm>> -> memref<16896xi32, #tpu.memory_space<hbm>>
      tpu.enqueue_dma source(%dma_start3A_64 : memref<16896xi32, #tpu.memory_space<hbm>>) target(%arg5 : memref<16896xi32, #tpu.memory_space<vmem>>) target_semaphore(%run_scoped3A : memref<!tpu.dma_semaphore, #tpu.memory_space<semaphore_mem>>)
      %dma_wait3A_65 = tpu.memref_slice %arg3[%mul3A_2] : memref<540672xi32, #tpu.memory_space<hbm>> -> memref<16896xi32, #tpu.memory_space<hbm>>
      %dma_wait3A_66 = tpu.memref_slice %arg3[%mul3A_2] : memref<540672xi32, #tpu.memory_space<hbm>> -> memref<16896xi32, #tpu.memory_space<hbm>>
      tpu.wait_dma2 semaphore(%run_scoped3A : memref<!tpu.dma_semaphore, #tpu.memory_space<semaphore_mem>>) src(%dma_wait3A_66 : memref<16896xi32, #tpu.memory_space<hbm>>) dst(%arg5 : memref<16896xi32, #tpu.memory_space<vmem>>)
      tpu.yield
    }) : () -> ()
    %scan3A = arith.constant 0 : i32
    %scan3A_3 = arith.constant 0 : i32
    %scan3A_4 = arith.constant 22 : i32
    %scan3A_5 = arith.addi %scan3A_3, %scan3A_4 : i32
    %scan3A_6 = arith.constant 1 : i32
    scf.for %scan3A_63 = %scan3A_3 to %scan3A_5 step %scan3A_6  : i32 {
      %mul3A_64 = arith.constant 2 : i32
      %mul3A_65 = arith.muli %mul3A_64, %scan3A_63 : i32
      %add3A_66 = arith.constant 0 : i32
      %add3A_67 = arith.addi %mul3A_65, %add3A_66 : i32
      %ge3A = arith.constant 2 : i32
      %ge3A_68 = arith.cmpi sge, %add3A_67, %ge3A : i32
      %convert_element_type3A = arith.extui %ge3A_68 : i1 to i32
      %cond3A = arith.constant 0 : i32
      %cond3A_69 = arith.cmpi ne, %convert_element_type3A, %cond3A : i32
      scf.if %cond3A_69 {
        %dma_wait3A_149 = arith.constant 0 : i32
        %dma_wait3A_150 = tpu.memref_slice %arg4[%mul3A_2, %dma_wait3A_149] : memref<540672x128xf32, #tpu.memory_space<hbm>> -> memref<128x128xf32, #tpu.memory_space<hbm>>
        %dma_wait3A_151 = arith.constant 0 : i32
        %dma_wait3A_152 = tpu.memref_slice %arg4[%mul3A_2, %dma_wait3A_151] : memref<540672x128xf32, #tpu.memory_space<hbm>> -> memref<128x128xf32, #tpu.memory_space<hbm>>
        tpu.wait_dma2 semaphore(%arg14 : memref<!tpu.dma_semaphore, #tpu.memory_space<semaphore_mem>>) src(%arg6 : memref<128x128xf32, #tpu.memory_space<vmem>>) dst(%dma_wait3A_152 : memref<128x128xf32, #tpu.memory_space<hbm>>)
        %dma_wait3A_153 = arith.constant 0 : i32
        %dma_wait3A_154 = tpu.memref_slice %arg4[%mul3A_2, %dma_wait3A_153] : memref<540672x128xf32, #tpu.memory_space<hbm>> -> memref<128x128xf32, #tpu.memory_space<hbm>>
        %dma_wait3A_155 = arith.constant 0 : i32
        %dma_wait3A_156 = tpu.memref_slice %arg4[%mul3A_2, %dma_wait3A_155] : memref<540672x128xf32, #tpu.memory_space<hbm>> -> memref<128x128xf32, #tpu.memory_space<hbm>>
        tpu.wait_dma2 semaphore(%arg14 : memref<!tpu.dma_semaphore, #tpu.memory_space<semaphore_mem>>) src(%arg7 : memref<128x128xf32, #tpu.memory_space<vmem>>) dst(%dma_wait3A_156 : memref<128x128xf32, #tpu.memory_space<hbm>>)
        %dma_wait3A_157 = arith.constant 0 : i32
        %dma_wait3A_158 = tpu.memref_slice %arg4[%mul3A_2, %dma_wait3A_157] : memref<540672x128xf32, #tpu.memory_space<hbm>> -> memref<128x128xf32, #tpu.memory_space<hbm>>
        %dma_wait3A_159 = arith.constant 0 : i32
        %dma_wait3A_160 = tpu.memref_slice %arg4[%mul3A_2, %dma_wait3A_159] : memref<540672x128xf32, #tpu.memory_space<hbm>> -> memref<128x128xf32, #tpu.memory_space<hbm>>
        tpu.wait_dma2 semaphore(%arg14 : memref<!tpu.dma_semaphore, #tpu.memory_space<semaphore_mem>>) src(%arg8 : memref<128x128xf32, #tpu.memory_space<vmem>>) dst(%dma_wait3A_160 : memref<128x128xf32, #tpu.memory_space<hbm>>)
      } else {
      }
      %mul3A_70 = arith.constant 3 : i32
      %mul3A_71 = arith.muli %add3A_67, %mul3A_70 : i32
      %add3A_72 = arith.constant 0 : i32
      %add3A_73 = arith.addi %mul3A_71, %add3A_72 : i32
      %mul3A_74 = arith.constant 128 : i32
      %mul3A_75 = arith.muli %add3A_73, %mul3A_74 : i32
      %dma_start3A_76 = tpu.memref_slice %arg5[%mul3A_75] : memref<16896xi32, #tpu.memory_space<vmem>> -> memref<128xi32, #tpu.memory_space<vmem>>
      %dma_start3A_77 = arith.constant 0 : i32
      %dma_start3A_78 = arith.constant 0 : i32
      %dma_start3A_79 = tpu.memref_slice %arg2[%dma_start3A_77, %dma_start3A_78] : memref<100000x128xf32, #tpu.memory_space<hbm>> -> memref<100000x128xf32, #tpu.memory_space<hbm>>
      tpu.enqueue_indirect_dma source(%dma_start3A_79 : memref<100000x128xf32, #tpu.memory_space<hbm>>) target(%arg6 : memref<128x128xf32, #tpu.memory_space<vmem>>) offsets(%dma_start3A_76 : memref<128xi32, #tpu.memory_space<vmem>>) semaphore(%arg12 : memref<!tpu.dma_semaphore, #tpu.memory_space<semaphore_mem>>)
      %mul3A_80 = arith.constant 3 : i32
      %mul3A_81 = arith.muli %add3A_67, %mul3A_80 : i32
      %add3A_82 = arith.constant 1 : i32
      %add3A_83 = arith.addi %mul3A_81, %add3A_82 : i32
      %mul3A_84 = arith.constant 128 : i32
      %mul3A_85 = arith.muli %add3A_83, %mul3A_84 : i32
      %dma_start3A_86 = tpu.memref_slice %arg5[%mul3A_85] : memref<16896xi32, #tpu.memory_space<vmem>> -> memref<128xi32, #tpu.memory_space<vmem>>
      %dma_start3A_87 = arith.constant 0 : i32
      %dma_start3A_88 = arith.constant 0 : i32
      %dma_start3A_89 = tpu.memref_slice %arg2[%dma_start3A_87, %dma_start3A_88] : memref<100000x128xf32, #tpu.memory_space<hbm>> -> memref<100000x128xf32, #tpu.memory_space<hbm>>
      tpu.enqueue_indirect_dma source(%dma_start3A_89 : memref<100000x128xf32, #tpu.memory_space<hbm>>) target(%arg7 : memref<128x128xf32, #tpu.memory_space<vmem>>) offsets(%dma_start3A_86 : memref<128xi32, #tpu.memory_space<vmem>>) semaphore(%arg12 : memref<!tpu.dma_semaphore, #tpu.memory_space<semaphore_mem>>)
      %mul3A_90 = arith.constant 3 : i32
      %mul3A_91 = arith.muli %add3A_67, %mul3A_90 : i32
      %add3A_92 = arith.constant 2 : i32
      %add3A_93 = arith.addi %mul3A_91, %add3A_92 : i32
      %mul3A_94 = arith.constant 128 : i32
      %mul3A_95 = arith.muli %add3A_93, %mul3A_94 : i32
      %dma_start3A_96 = tpu.memref_slice %arg5[%mul3A_95] : memref<16896xi32, #tpu.memory_space<vmem>> -> memref<128xi32, #tpu.memory_space<vmem>>
      %dma_start3A_97 = arith.constant 0 : i32
      %dma_start3A_98 = arith.constant 0 : i32
      %dma_start3A_99 = tpu.memref_slice %arg2[%dma_start3A_97, %dma_start3A_98] : memref<100000x128xf32, #tpu.memory_space<hbm>> -> memref<100000x128xf32, #tpu.memory_space<hbm>>
      tpu.enqueue_indirect_dma source(%dma_start3A_99 : memref<100000x128xf32, #tpu.memory_space<hbm>>) target(%arg8 : memref<128x128xf32, #tpu.memory_space<vmem>>) offsets(%dma_start3A_96 : memref<128xi32, #tpu.memory_space<vmem>>) semaphore(%arg12 : memref<!tpu.dma_semaphore, #tpu.memory_space<semaphore_mem>>)
      %ge3A_100 = arith.constant 1 : i32
      %ge3A_101 = arith.cmpi sge, %add3A_67, %ge3A_100 : i32
      %convert_element_type3A_102 = arith.extui %ge3A_101 : i1 to i32
      %cond3A_103 = arith.constant 0 : i32
      %cond3A_104 = arith.cmpi ne, %convert_element_type3A_102, %cond3A_103 : i32
      scf.if %cond3A_104 {
        %dma_wait3A_149 = arith.constant 0 : i32
        %dma_wait3A_150 = tpu.memref_slice %arg5[%dma_wait3A_149] : memref<16896xi32, #tpu.memory_space<vmem>> -> memref<128xi32, #tpu.memory_space<vmem>>
        %dma_wait3A_151 = arith.constant 0 : i32
        %dma_wait3A_152 = arith.constant 0 : i32
        %dma_wait3A_153 = tpu.memref_slice %arg2[%dma_wait3A_151, %dma_wait3A_152] : memref<100000x128xf32, #tpu.memory_space<hbm>> -> memref<100000x128xf32, #tpu.memory_space<hbm>>
        tpu.wait_indirect_dma semaphore(%arg13 : memref<!tpu.dma_semaphore, #tpu.memory_space<semaphore_mem>>) src(%dma_wait3A_153 : memref<100000x128xf32, #tpu.memory_space<hbm>>) dst(%arg9 : memref<128x128xf32, #tpu.memory_space<vmem>>)
        %dma_wait3A_154 = arith.constant 0 : i32
        %dma_wait3A_155 = tpu.memref_slice %arg5[%dma_wait3A_154] : memref<16896xi32, #tpu.memory_space<vmem>> -> memref<128xi32, #tpu.memory_space<vmem>>
        %dma_wait3A_156 = arith.constant 0 : i32
        %dma_wait3A_157 = arith.constant 0 : i32
        %dma_wait3A_158 = tpu.memref_slice %arg2[%dma_wait3A_156, %dma_wait3A_157] : memref<100000x128xf32, #tpu.memory_space<hbm>> -> memref<100000x128xf32, #tpu.memory_space<hbm>>
        tpu.wait_indirect_dma semaphore(%arg13 : memref<!tpu.dma_semaphore, #tpu.memory_space<semaphore_mem>>) src(%dma_wait3A_158 : memref<100000x128xf32, #tpu.memory_space<hbm>>) dst(%arg10 : memref<128x128xf32, #tpu.memory_space<vmem>>)
        %dma_wait3A_159 = arith.constant 0 : i32
        %dma_wait3A_160 = tpu.memref_slice %arg5[%dma_wait3A_159] : memref<16896xi32, #tpu.memory_space<vmem>> -> memref<128xi32, #tpu.memory_space<vmem>>
        %dma_wait3A_161 = arith.constant 0 : i32
        %dma_wait3A_162 = arith.constant 0 : i32
        %dma_wait3A_163 = tpu.memref_slice %arg2[%dma_wait3A_161, %dma_wait3A_162] : memref<100000x128xf32, #tpu.memory_space<hbm>> -> memref<100000x128xf32, #tpu.memory_space<hbm>>
        tpu.wait_indirect_dma semaphore(%arg13 : memref<!tpu.dma_semaphore, #tpu.memory_space<semaphore_mem>>) src(%dma_wait3A_163 : memref<100000x128xf32, #tpu.memory_space<hbm>>) dst(%arg11 : memref<128x128xf32, #tpu.memory_space<vmem>>)
        %sub3A = arith.constant 1 : i32
        %sub3A_164 = arith.subi %add3A_67, %sub3A : i32
        %mul3A_165 = arith.constant 3 : i32
        %mul3A_166 = arith.muli %sub3A_164, %mul3A_165 : i32
        %add3A_167 = arith.constant 0 : i32
        %add3A_168 = arith.addi %mul3A_166, %add3A_167 : i32
        %mul3A_169 = arith.constant 128 : i32
        %mul3A_170 = arith.muli %add3A_168, %mul3A_169 : i32
        %add3A_171 = arith.addi %mul3A_2, %mul3A_170 : i32
        %dma_start3A_172 = arith.constant 0 : i32
        %dma_start3A_173 = tpu.memref_slice %arg4[%add3A_171, %dma_start3A_172] : memref<540672x128xf32, #tpu.memory_space<hbm>> -> memref<128x128xf32, #tpu.memory_space<hbm>>
        %dma_start3A_174 = arith.constant 0 : i32
        %dma_start3A_175 = tpu.memref_slice %arg4[%add3A_171, %dma_start3A_174] : memref<540672x128xf32, #tpu.memory_space<hbm>> -> memref<128x128xf32, #tpu.memory_space<hbm>>
        tpu.enqueue_dma source(%arg9 : memref<128x128xf32, #tpu.memory_space<vmem>>) target(%dma_start3A_175 : memref<128x128xf32, #tpu.memory_space<hbm>>) target_semaphore(%arg15 : memref<!tpu.dma_semaphore, #tpu.memory_space<semaphore_mem>>)
        %mul3A_176 = arith.constant 3 : i32
        %mul3A_177 = arith.muli %sub3A_164, %mul3A_176 : i32
        %add3A_178 = arith.constant 1 : i32
        %add3A_179 = arith.addi %mul3A_177, %add3A_178 : i32
        %mul3A_180 = arith.constant 128 : i32
        %mul3A_181 = arith.muli %add3A_179, %mul3A_180 : i32
        %add3A_182 = arith.addi %mul3A_2, %mul3A_181 : i32
        %dma_start3A_183 = arith.constant 0 : i32
        %dma_start3A_184 = tpu.memref_slice %arg4[%add3A_182, %dma_start3A_183] : memref<540672x128xf32, #tpu.memory_space<hbm>> -> memref<128x128xf32, #tpu.memory_space<hbm>>
        %dma_start3A_185 = arith.constant 0 : i32
        %dma_start3A_186 = tpu.memref_slice %arg4[%add3A_182, %dma_start3A_185] : memref<540672x128xf32, #tpu.memory_space<hbm>> -> memref<128x128xf32, #tpu.memory_space<hbm>>
        tpu.enqueue_dma source(%arg10 : memref<128x128xf32, #tpu.memory_space<vmem>>) target(%dma_start3A_186 : memref<128x128xf32, #tpu.memory_space<hbm>>) target_semaphore(%arg15 : memref<!tpu.dma_semaphore, #tpu.memory_space<semaphore_mem>>)
        %mul3A_187 = arith.constant 3 : i32
        %mul3A_188 = arith.muli %sub3A_164, %mul3A_187 : i32
        %add3A_189 = arith.constant 2 : i32
        %add3A_190 = arith.addi %mul3A_188, %add3A_189 : i32
        %mul3A_191 = arith.constant 128 : i32
        %mul3A_192 = arith.muli %add3A_190, %mul3A_191 : i32
        %add3A_193 = arith.addi %mul3A_2, %mul3A_192 : i32
        %dma_start3A_194 = arith.constant 0 : i32
        %dma_start3A_195 = tpu.memref_slice %arg4[%add3A_193, %dma_start3A_194] : memref<540672x128xf32, #tpu.memory_space<hbm>> -> memref<128x128xf32, #tpu.memory_space<hbm>>
        %dma_start3A_196 = arith.constant 0 : i32
        %dma_start3A_197 = tpu.memref_slice %arg4[%add3A_193, %dma_start3A_196] : memref<540672x128xf32, #tpu.memory_space<hbm>> -> memref<128x128xf32, #tpu.memory_space<hbm>>
        tpu.enqueue_dma source(%arg11 : memref<128x128xf32, #tpu.memory_space<vmem>>) target(%dma_start3A_197 : memref<128x128xf32, #tpu.memory_space<hbm>>) target_semaphore(%arg15 : memref<!tpu.dma_semaphore, #tpu.memory_space<semaphore_mem>>)
      } else {
      }
      %mul3A_105 = arith.constant 2 : i32
      %mul3A_106 = arith.muli %mul3A_105, %scan3A_63 : i32
      %add3A_107 = arith.constant 1 : i32
      %add3A_108 = arith.addi %mul3A_106, %add3A_107 : i32
      %ge3A_109 = arith.constant 2 : i32
      %ge3A_110 = arith.cmpi sge, %add3A_108, %ge3A_109 : i32
      %convert_element_type3A_111 = arith.extui %ge3A_110 : i1 to i32
      %cond3A_112 = arith.constant 0 : i32
      %cond3A_113 = arith.cmpi ne, %convert_element_type3A_111, %cond3A_112 : i32
      scf.if %cond3A_113 {
        %dma_wait3A_149 = arith.constant 0 : i32
        %dma_wait3A_150 = tpu.memref_slice %arg4[%mul3A_2, %dma_wait3A_149] : memref<540672x128xf32, #tpu.memory_space<hbm>> -> memref<128x128xf32, #tpu.memory_space<hbm>>
        %dma_wait3A_151 = arith.constant 0 : i32
        %dma_wait3A_152 = tpu.memref_slice %arg4[%mul3A_2, %dma_wait3A_151] : memref<540672x128xf32, #tpu.memory_space<hbm>> -> memref<128x128xf32, #tpu.memory_space<hbm>>
        tpu.wait_dma2 semaphore(%arg15 : memref<!tpu.dma_semaphore, #tpu.memory_space<semaphore_mem>>) src(%arg9 : memref<128x128xf32, #tpu.memory_space<vmem>>) dst(%dma_wait3A_152 : memref<128x128xf32, #tpu.memory_space<hbm>>)
        %dma_wait3A_153 = arith.constant 0 : i32
        %dma_wait3A_154 = tpu.memref_slice %arg4[%mul3A_2, %dma_wait3A_153] : memref<540672x128xf32, #tpu.memory_space<hbm>> -> memref<128x128xf32, #tpu.memory_space<hbm>>
        %dma_wait3A_155 = arith.constant 0 : i32
        %dma_wait3A_156 = tpu.memref_slice %arg4[%mul3A_2, %dma_wait3A_155] : memref<540672x128xf32, #tpu.memory_space<hbm>> -> memref<128x128xf32, #tpu.memory_space<hbm>>
        tpu.wait_dma2 semaphore(%arg15 : memref<!tpu.dma_semaphore, #tpu.memory_space<semaphore_mem>>) src(%arg10 : memref<128x128xf32, #tpu.memory_space<vmem>>) dst(%dma_wait3A_156 : memref<128x128xf32, #tpu.memory_space<hbm>>)
        %dma_wait3A_157 = arith.constant 0 : i32
        %dma_wait3A_158 = tpu.memref_slice %arg4[%mul3A_2, %dma_wait3A_157] : memref<540672x128xf32, #tpu.memory_space<hbm>> -> memref<128x128xf32, #tpu.memory_space<hbm>>
        %dma_wait3A_159 = arith.constant 0 : i32
        %dma_wait3A_160 = tpu.memref_slice %arg4[%mul3A_2, %dma_wait3A_159] : memref<540672x128xf32, #tpu.memory_space<hbm>> -> memref<128x128xf32, #tpu.memory_space<hbm>>
        tpu.wait_dma2 semaphore(%arg15 : memref<!tpu.dma_semaphore, #tpu.memory_space<semaphore_mem>>) src(%arg11 : memref<128x128xf32, #tpu.memory_space<vmem>>) dst(%dma_wait3A_160 : memref<128x128xf32, #tpu.memory_space<hbm>>)
      } else {
      }
      %mul3A_114 = arith.constant 3 : i32
      %mul3A_115 = arith.muli %add3A_108, %mul3A_114 : i32
      %add3A_116 = arith.constant 0 : i32
      %add3A_117 = arith.addi %mul3A_115, %add3A_116 : i32
      %mul3A_118 = arith.constant 128 : i32
      %mul3A_119 = arith.muli %add3A_117, %mul3A_118 : i32
      %dma_start3A_120 = tpu.memref_slice %arg5[%mul3A_119] : memref<16896xi32, #tpu.memory_space<vmem>> -> memref<128xi32, #tpu.memory_space<vmem>>
      %dma_start3A_121 = arith.constant 0 : i32
      %dma_start3A_122 = arith.constant 0 : i32
      %dma_start3A_123 = tpu.memref_slice %arg2[%dma_start3A_121, %dma_start3A_122] : memref<100000x128xf32, #tpu.memory_space<hbm>> -> memref<100000x128xf32, #tpu.memory_space<hbm>>
      tpu.enqueue_indirect_dma source(%dma_start3A_123 : memref<100000x128xf32, #tpu.memory_space<hbm>>) target(%arg9 : memref<128x128xf32, #tpu.memory_space<vmem>>) offsets(%dma_start3A_120 : memref<128xi32, #tpu.memory_space<vmem>>) semaphore(%arg13 : memref<!tpu.dma_semaphore, #tpu.memory_space<semaphore_mem>>)
      %mul3A_124 = arith.constant 3 : i32
      %mul3A_125 = arith.muli %add3A_108, %mul3A_124 : i32
      %add3A_126 = arith.constant 1 : i32
      %add3A_127 = arith.addi %mul3A_125, %add3A_126 : i32
      %mul3A_128 = arith.constant 128 : i32
      %mul3A_129 = arith.muli %add3A_127, %mul3A_128 : i32
      %dma_start3A_130 = tpu.memref_slice %arg5[%mul3A_129] : memref<16896xi32, #tpu.memory_space<vmem>> -> memref<128xi32, #tpu.memory_space<vmem>>
      %dma_start3A_131 = arith.constant 0 : i32
      %dma_start3A_132 = arith.constant 0 : i32
      %dma_start3A_133 = tpu.memref_slice %arg2[%dma_start3A_131, %dma_start3A_132] : memref<100000x128xf32, #tpu.memory_space<hbm>> -> memref<100000x128xf32, #tpu.memory_space<hbm>>
      tpu.enqueue_indirect_dma source(%dma_start3A_133 : memref<100000x128xf32, #tpu.memory_space<hbm>>) target(%arg10 : memref<128x128xf32, #tpu.memory_space<vmem>>) offsets(%dma_start3A_130 : memref<128xi32, #tpu.memory_space<vmem>>) semaphore(%arg13 : memref<!tpu.dma_semaphore, #tpu.memory_space<semaphore_mem>>)
      %mul3A_134 = arith.constant 3 : i32
      %mul3A_135 = arith.muli %add3A_108, %mul3A_134 : i32
      %add3A_136 = arith.constant 2 : i32
      %add3A_137 = arith.addi %mul3A_135, %add3A_136 : i32
      %mul3A_138 = arith.constant 128 : i32
      %mul3A_139 = arith.muli %add3A_137, %mul3A_138 : i32
      %dma_start3A_140 = tpu.memref_slice %arg5[%mul3A_139] : memref<16896xi32, #tpu.memory_space<vmem>> -> memref<128xi32, #tpu.memory_space<vmem>>
      %dma_start3A_141 = arith.constant 0 : i32
      %dma_start3A_142 = arith.constant 0 : i32
      %dma_start3A_143 = tpu.memref_slice %arg2[%dma_start3A_141, %dma_start3A_142] : memref<100000x128xf32, #tpu.memory_space<hbm>> -> memref<100000x128xf32, #tpu.memory_space<hbm>>
      tpu.enqueue_indirect_dma source(%dma_start3A_143 : memref<100000x128xf32, #tpu.memory_space<hbm>>) target(%arg11 : memref<128x128xf32, #tpu.memory_space<vmem>>) offsets(%dma_start3A_140 : memref<128xi32, #tpu.memory_space<vmem>>) semaphore(%arg13 : memref<!tpu.dma_semaphore, #tpu.memory_space<semaphore_mem>>)
      %ge3A_144 = arith.constant 1 : i32
      %ge3A_145 = arith.cmpi sge, %add3A_108, %ge3A_144 : i32
      %convert_element_type3A_146 = arith.extui %ge3A_145 : i1 to i32
      %cond3A_147 = arith.constant 0 : i32
      %cond3A_148 = arith.cmpi ne, %convert_element_type3A_146, %cond3A_147 : i32
      scf.if %cond3A_148 {
        %dma_wait3A_149 = arith.constant 0 : i32
        %dma_wait3A_150 = tpu.memref_slice %arg5[%dma_wait3A_149] : memref<16896xi32, #tpu.memory_space<vmem>> -> memref<128xi32, #tpu.memory_space<vmem>>
        %dma_wait3A_151 = arith.constant 0 : i32
        %dma_wait3A_152 = arith.constant 0 : i32
        %dma_wait3A_153 = tpu.memref_slice %arg2[%dma_wait3A_151, %dma_wait3A_152] : memref<100000x128xf32, #tpu.memory_space<hbm>> -> memref<100000x128xf32, #tpu.memory_space<hbm>>
        tpu.wait_indirect_dma semaphore(%arg12 : memref<!tpu.dma_semaphore, #tpu.memory_space<semaphore_mem>>) src(%dma_wait3A_153 : memref<100000x128xf32, #tpu.memory_space<hbm>>) dst(%arg6 : memref<128x128xf32, #tpu.memory_space<vmem>>)
        %dma_wait3A_154 = arith.constant 0 : i32
        %dma_wait3A_155 = tpu.memref_slice %arg5[%dma_wait3A_154] : memref<16896xi32, #tpu.memory_space<vmem>> -> memref<128xi32, #tpu.memory_space<vmem>>
        %dma_wait3A_156 = arith.constant 0 : i32
        %dma_wait3A_157 = arith.constant 0 : i32
        %dma_wait3A_158 = tpu.memref_slice %arg2[%dma_wait3A_156, %dma_wait3A_157] : memref<100000x128xf32, #tpu.memory_space<hbm>> -> memref<100000x128xf32, #tpu.memory_space<hbm>>
        tpu.wait_indirect_dma semaphore(%arg12 : memref<!tpu.dma_semaphore, #tpu.memory_space<semaphore_mem>>) src(%dma_wait3A_158 : memref<100000x128xf32, #tpu.memory_space<hbm>>) dst(%arg7 : memref<128x128xf32, #tpu.memory_space<vmem>>)
        %dma_wait3A_159 = arith.constant 0 : i32
        %dma_wait3A_160 = tpu.memref_slice %arg5[%dma_wait3A_159] : memref<16896xi32, #tpu.memory_space<vmem>> -> memref<128xi32, #tpu.memory_space<vmem>>
        %dma_wait3A_161 = arith.constant 0 : i32
        %dma_wait3A_162 = arith.constant 0 : i32
        %dma_wait3A_163 = tpu.memref_slice %arg2[%dma_wait3A_161, %dma_wait3A_162] : memref<100000x128xf32, #tpu.memory_space<hbm>> -> memref<100000x128xf32, #tpu.memory_space<hbm>>
        tpu.wait_indirect_dma semaphore(%arg12 : memref<!tpu.dma_semaphore, #tpu.memory_space<semaphore_mem>>) src(%dma_wait3A_163 : memref<100000x128xf32, #tpu.memory_space<hbm>>) dst(%arg8 : memref<128x128xf32, #tpu.memory_space<vmem>>)
        %sub3A = arith.constant 1 : i32
        %sub3A_164 = arith.subi %add3A_108, %sub3A : i32
        %mul3A_165 = arith.constant 3 : i32
        %mul3A_166 = arith.muli %sub3A_164, %mul3A_165 : i32
        %add3A_167 = arith.constant 0 : i32
        %add3A_168 = arith.addi %mul3A_166, %add3A_167 : i32
        %mul3A_169 = arith.constant 128 : i32
        %mul3A_170 = arith.muli %add3A_168, %mul3A_169 : i32
        %add3A_171 = arith.addi %mul3A_2, %mul3A_170 : i32
        %dma_start3A_172 = arith.constant 0 : i32
        %dma_start3A_173 = tpu.memref_slice %arg4[%add3A_171, %dma_start3A_172] : memref<540672x128xf32, #tpu.memory_space<hbm>> -> memref<128x128xf32, #tpu.memory_space<hbm>>
        %dma_start3A_174 = arith.constant 0 : i32
        %dma_start3A_175 = tpu.memref_slice %arg4[%add3A_171, %dma_start3A_174] : memref<540672x128xf32, #tpu.memory_space<hbm>> -> memref<128x128xf32, #tpu.memory_space<hbm>>
        tpu.enqueue_dma source(%arg6 : memref<128x128xf32, #tpu.memory_space<vmem>>) target(%dma_start3A_175 : memref<128x128xf32, #tpu.memory_space<hbm>>) target_semaphore(%arg14 : memref<!tpu.dma_semaphore, #tpu.memory_space<semaphore_mem>>)
        %mul3A_176 = arith.constant 3 : i32
        %mul3A_177 = arith.muli %sub3A_164, %mul3A_176 : i32
        %add3A_178 = arith.constant 1 : i32
        %add3A_179 = arith.addi %mul3A_177, %add3A_178 : i32
        %mul3A_180 = arith.constant 128 : i32
        %mul3A_181 = arith.muli %add3A_179, %mul3A_180 : i32
        %add3A_182 = arith.addi %mul3A_2, %mul3A_181 : i32
        %dma_start3A_183 = arith.constant 0 : i32
        %dma_start3A_184 = tpu.memref_slice %arg4[%add3A_182, %dma_start3A_183] : memref<540672x128xf32, #tpu.memory_space<hbm>> -> memref<128x128xf32, #tpu.memory_space<hbm>>
        %dma_start3A_185 = arith.constant 0 : i32
        %dma_start3A_186 = tpu.memref_slice %arg4[%add3A_182, %dma_start3A_185] : memref<540672x128xf32, #tpu.memory_space<hbm>> -> memref<128x128xf32, #tpu.memory_space<hbm>>
        tpu.enqueue_dma source(%arg7 : memref<128x128xf32, #tpu.memory_space<vmem>>) target(%dma_start3A_186 : memref<128x128xf32, #tpu.memory_space<hbm>>) target_semaphore(%arg14 : memref<!tpu.dma_semaphore, #tpu.memory_space<semaphore_mem>>)
        %mul3A_187 = arith.constant 3 : i32
        %mul3A_188 = arith.muli %sub3A_164, %mul3A_187 : i32
        %add3A_189 = arith.constant 2 : i32
        %add3A_190 = arith.addi %mul3A_188, %add3A_189 : i32
        %mul3A_191 = arith.constant 128 : i32
        %mul3A_192 = arith.muli %add3A_190, %mul3A_191 : i32
        %add3A_193 = arith.addi %mul3A_2, %mul3A_192 : i32
        %dma_start3A_194 = arith.constant 0 : i32
        %dma_start3A_195 = tpu.memref_slice %arg4[%add3A_193, %dma_start3A_194] : memref<540672x128xf32, #tpu.memory_space<hbm>> -> memref<128x128xf32, #tpu.memory_space<hbm>>
        %dma_start3A_196 = arith.constant 0 : i32
        %dma_start3A_197 = tpu.memref_slice %arg4[%add3A_193, %dma_start3A_196] : memref<540672x128xf32, #tpu.memory_space<hbm>> -> memref<128x128xf32, #tpu.memory_space<hbm>>
        tpu.enqueue_dma source(%arg8 : memref<128x128xf32, #tpu.memory_space<vmem>>) target(%dma_start3A_197 : memref<128x128xf32, #tpu.memory_space<hbm>>) target_semaphore(%arg14 : memref<!tpu.dma_semaphore, #tpu.memory_space<semaphore_mem>>)
      } else {
      }
    }
    %scan3A_7 = arith.constant 22 : i32
    %dma_wait3A = arith.constant 0 : i32
    %dma_wait3A_8 = tpu.memref_slice %arg5[%dma_wait3A] : memref<16896xi32, #tpu.memory_space<vmem>> -> memref<128xi32, #tpu.memory_space<vmem>>
    %dma_wait3A_9 = arith.constant 0 : i32
    %dma_wait3A_10 = arith.constant 0 : i32
    %dma_wait3A_11 = tpu.memref_slice %arg2[%dma_wait3A_9, %dma_wait3A_10] : memref<100000x128xf32, #tpu.memory_space<hbm>> -> memref<100000x128xf32, #tpu.memory_space<hbm>>
    tpu.wait_indirect_dma semaphore(%arg13 : memref<!tpu.dma_semaphore, #tpu.memory_space<semaphore_mem>>) src(%dma_wait3A_11 : memref<100000x128xf32, #tpu.memory_space<hbm>>) dst(%arg9 : memref<128x128xf32, #tpu.memory_space<vmem>>)
    %dma_wait3A_12 = arith.constant 0 : i32
    %dma_wait3A_13 = tpu.memref_slice %arg5[%dma_wait3A_12] : memref<16896xi32, #tpu.memory_space<vmem>> -> memref<128xi32, #tpu.memory_space<vmem>>
    %dma_wait3A_14 = arith.constant 0 : i32
    %dma_wait3A_15 = arith.constant 0 : i32
    %dma_wait3A_16 = tpu.memref_slice %arg2[%dma_wait3A_14, %dma_wait3A_15] : memref<100000x128xf32, #tpu.memory_space<hbm>> -> memref<100000x128xf32, #tpu.memory_space<hbm>>
    tpu.wait_indirect_dma semaphore(%arg13 : memref<!tpu.dma_semaphore, #tpu.memory_space<semaphore_mem>>) src(%dma_wait3A_16 : memref<100000x128xf32, #tpu.memory_space<hbm>>) dst(%arg10 : memref<128x128xf32, #tpu.memory_space<vmem>>)
    %dma_wait3A_17 = arith.constant 0 : i32
    %dma_wait3A_18 = tpu.memref_slice %arg5[%dma_wait3A_17] : memref<16896xi32, #tpu.memory_space<vmem>> -> memref<128xi32, #tpu.memory_space<vmem>>
    %dma_wait3A_19 = arith.constant 0 : i32
    %dma_wait3A_20 = arith.constant 0 : i32
    %dma_wait3A_21 = tpu.memref_slice %arg2[%dma_wait3A_19, %dma_wait3A_20] : memref<100000x128xf32, #tpu.memory_space<hbm>> -> memref<100000x128xf32, #tpu.memory_space<hbm>>
    tpu.wait_indirect_dma semaphore(%arg13 : memref<!tpu.dma_semaphore, #tpu.memory_space<semaphore_mem>>) src(%dma_wait3A_21 : memref<100000x128xf32, #tpu.memory_space<hbm>>) dst(%arg11 : memref<128x128xf32, #tpu.memory_space<vmem>>)
    %add3A_22 = arith.constant 16512 : i32
    %add3A_23 = arith.addi %mul3A_2, %add3A_22 : i32
    %dma_start3A = arith.constant 0 : i32
    %dma_start3A_24 = tpu.memref_slice %arg4[%add3A_23, %dma_start3A] : memref<540672x128xf32, #tpu.memory_space<hbm>> -> memref<128x128xf32, #tpu.memory_space<hbm>>
    %dma_start3A_25 = arith.constant 0 : i32
    %dma_start3A_26 = tpu.memref_slice %arg4[%add3A_23, %dma_start3A_25] : memref<540672x128xf32, #tpu.memory_space<hbm>> -> memref<128x128xf32, #tpu.memory_space<hbm>>
    tpu.enqueue_dma source(%arg9 : memref<128x128xf32, #tpu.memory_space<vmem>>) target(%dma_start3A_26 : memref<128x128xf32, #tpu.memory_space<hbm>>) target_semaphore(%arg15 : memref<!tpu.dma_semaphore, #tpu.memory_space<semaphore_mem>>)
    %add3A_27 = arith.constant 16640 : i32
    %add3A_28 = arith.addi %mul3A_2, %add3A_27 : i32
    %dma_start3A_29 = arith.constant 0 : i32
    %dma_start3A_30 = tpu.memref_slice %arg4[%add3A_28, %dma_start3A_29] : memref<540672x128xf32, #tpu.memory_space<hbm>> -> memref<128x128xf32, #tpu.memory_space<hbm>>
    %dma_start3A_31 = arith.constant 0 : i32
    %dma_start3A_32 = tpu.memref_slice %arg4[%add3A_28, %dma_start3A_31] : memref<540672x128xf32, #tpu.memory_space<hbm>> -> memref<128x128xf32, #tpu.memory_space<hbm>>
    tpu.enqueue_dma source(%arg10 : memref<128x128xf32, #tpu.memory_space<vmem>>) target(%dma_start3A_32 : memref<128x128xf32, #tpu.memory_space<hbm>>) target_semaphore(%arg15 : memref<!tpu.dma_semaphore, #tpu.memory_space<semaphore_mem>>)
    %add3A_33 = arith.constant 16768 : i32
    %add3A_34 = arith.addi %mul3A_2, %add3A_33 : i32
    %dma_start3A_35 = arith.constant 0 : i32
    %dma_start3A_36 = tpu.memref_slice %arg4[%add3A_34, %dma_start3A_35] : memref<540672x128xf32, #tpu.memory_space<hbm>> -> memref<128x128xf32, #tpu.memory_space<hbm>>
    %dma_start3A_37 = arith.constant 0 : i32
    %dma_start3A_38 = tpu.memref_slice %arg4[%add3A_34, %dma_start3A_37] : memref<540672x128xf32, #tpu.memory_space<hbm>> -> memref<128x128xf32, #tpu.memory_space<hbm>>
    tpu.enqueue_dma source(%arg11 : memref<128x128xf32, #tpu.memory_space<vmem>>) target(%dma_start3A_38 : memref<128x128xf32, #tpu.memory_space<hbm>>) target_semaphore(%arg15 : memref<!tpu.dma_semaphore, #tpu.memory_space<semaphore_mem>>)
    %dma_wait3A_39 = arith.constant 0 : i32
    %dma_wait3A_40 = tpu.memref_slice %arg4[%mul3A_2, %dma_wait3A_39] : memref<540672x128xf32, #tpu.memory_space<hbm>> -> memref<128x128xf32, #tpu.memory_space<hbm>>
    %dma_wait3A_41 = arith.constant 0 : i32
    %dma_wait3A_42 = tpu.memref_slice %arg4[%mul3A_2, %dma_wait3A_41] : memref<540672x128xf32, #tpu.memory_space<hbm>> -> memref<128x128xf32, #tpu.memory_space<hbm>>
    tpu.wait_dma2 semaphore(%arg14 : memref<!tpu.dma_semaphore, #tpu.memory_space<semaphore_mem>>) src(%arg6 : memref<128x128xf32, #tpu.memory_space<vmem>>) dst(%dma_wait3A_42 : memref<128x128xf32, #tpu.memory_space<hbm>>)
    %dma_wait3A_43 = arith.constant 0 : i32
    %dma_wait3A_44 = tpu.memref_slice %arg4[%mul3A_2, %dma_wait3A_43] : memref<540672x128xf32, #tpu.memory_space<hbm>> -> memref<128x128xf32, #tpu.memory_space<hbm>>
    %dma_wait3A_45 = arith.constant 0 : i32
    %dma_wait3A_46 = tpu.memref_slice %arg4[%mul3A_2, %dma_wait3A_45] : memref<540672x128xf32, #tpu.memory_space<hbm>> -> memref<128x128xf32, #tpu.memory_space<hbm>>
    tpu.wait_dma2 semaphore(%arg14 : memref<!tpu.dma_semaphore, #tpu.memory_space<semaphore_mem>>) src(%arg7 : memref<128x128xf32, #tpu.memory_space<vmem>>) dst(%dma_wait3A_46 : memref<128x128xf32, #tpu.memory_space<hbm>>)
    %dma_wait3A_47 = arith.constant 0 : i32
    %dma_wait3A_48 = tpu.memref_slice %arg4[%mul3A_2, %dma_wait3A_47] : memref<540672x128xf32, #tpu.memory_space<hbm>> -> memref<128x128xf32, #tpu.memory_space<hbm>>
    %dma_wait3A_49 = arith.constant 0 : i32
    %dma_wait3A_50 = tpu.memref_slice %arg4[%mul3A_2, %dma_wait3A_49] : memref<540672x128xf32, #tpu.memory_space<hbm>> -> memref<128x128xf32, #tpu.memory_space<hbm>>
    tpu.wait_dma2 semaphore(%arg14 : memref<!tpu.dma_semaphore, #tpu.memory_space<semaphore_mem>>) src(%arg8 : memref<128x128xf32, #tpu.memory_space<vmem>>) dst(%dma_wait3A_50 : memref<128x128xf32, #tpu.memory_space<hbm>>)
    %dma_wait3A_51 = arith.constant 0 : i32
    %dma_wait3A_52 = tpu.memref_slice %arg4[%mul3A_2, %dma_wait3A_51] : memref<540672x128xf32, #tpu.memory_space<hbm>> -> memref<128x128xf32, #tpu.memory_space<hbm>>
    %dma_wait3A_53 = arith.constant 0 : i32
    %dma_wait3A_54 = tpu.memref_slice %arg4[%mul3A_2, %dma_wait3A_53] : memref<540672x128xf32, #tpu.memory_space<hbm>> -> memref<128x128xf32, #tpu.memory_space<hbm>>
    tpu.wait_dma2 semaphore(%arg15 : memref<!tpu.dma_semaphore, #tpu.memory_space<semaphore_mem>>) src(%arg9 : memref<128x128xf32, #tpu.memory_space<vmem>>) dst(%dma_wait3A_54 : memref<128x128xf32, #tpu.memory_space<hbm>>)
    %dma_wait3A_55 = arith.constant 0 : i32
    %dma_wait3A_56 = tpu.memref_slice %arg4[%mul3A_2, %dma_wait3A_55] : memref<540672x128xf32, #tpu.memory_space<hbm>> -> memref<128x128xf32, #tpu.memory_space<hbm>>
    %dma_wait3A_57 = arith.constant 0 : i32
    %dma_wait3A_58 = tpu.memref_slice %arg4[%mul3A_2, %dma_wait3A_57] : memref<540672x128xf32, #tpu.memory_space<hbm>> -> memref<128x128xf32, #tpu.memory_space<hbm>>
    tpu.wait_dma2 semaphore(%arg15 : memref<!tpu.dma_semaphore, #tpu.memory_space<semaphore_mem>>) src(%arg10 : memref<128x128xf32, #tpu.memory_space<vmem>>) dst(%dma_wait3A_58 : memref<128x128xf32, #tpu.memory_space<hbm>>)
    %dma_wait3A_59 = arith.constant 0 : i32
    %dma_wait3A_60 = tpu.memref_slice %arg4[%mul3A_2, %dma_wait3A_59] : memref<540672x128xf32, #tpu.memory_space<hbm>> -> memref<128x128xf32, #tpu.memory_space<hbm>>
    %dma_wait3A_61 = arith.constant 0 : i32
    %dma_wait3A_62 = tpu.memref_slice %arg4[%mul3A_2, %dma_wait3A_61] : memref<540672x128xf32, #tpu.memory_space<hbm>> -> memref<128x128xf32, #tpu.memory_space<hbm>>
    tpu.wait_dma2 semaphore(%arg15 : memref<!tpu.dma_semaphore, #tpu.memory_space<semaphore_mem>>) src(%arg11 : memref<128x128xf32, #tpu.memory_space<vmem>>) dst(%dma_wait3A_62 : memref<128x128xf32, #tpu.memory_space<hbm>>)
    return
  }
}

module attributes {stable_mosaic.version = 14 : i64} {
  func.func @_gemm_block(%arg0: i32, %arg1: i32, %arg2: memref<10000x128xf32, #tpu.memory_space<vmem>>, %arg3: memref<1x128x128xf32, #tpu.memory_space<vmem>>, %arg4: memref<10000x128xf32, #tpu.memory_space<vmem>>) attributes {dimension_semantics = [#tpu.dimension_semantics<arbitrary>, #tpu.dimension_semantics<arbitrary>], iteration_bounds = array<i64: 27, 2>, scalar_prefetch = 0 : i64, scratch_operands = 0 : i64, tpu.core_type = #tpu.core_type<tc>, window_params = [{transform_indices = @transform_0, window_bounds = array<i64: 10000, 128>}, {transform_indices = @transform_1, window_bounds = array<i64: 1, 128, 128>}, {transform_indices = @transform_2, window_bounds = array<i64: 10000, 128>}]} {
    %get3A = arith.constant 0 : index
    %get3A_0 = arith.constant 0 : index
    %get3A_1 = vector.load %arg2[%get3A, %get3A_0] : memref<10000x128xf32, #tpu.memory_space<vmem>>, vector<10000x128xf32>
    %get3A_2 = arith.constant 0 : index
    %get3A_3 = arith.constant 0 : index
    %get3A_4 = arith.constant 0 : index
    %get3A_5 = vector.load %arg3[%get3A_2, %get3A_3, %get3A_4] : memref<1x128x128xf32, #tpu.memory_space<vmem>>, vector<1x128x128xf32>
    %get3A_6 = vector.shape_cast %get3A_5 : vector<1x128x128xf32> to vector<128x128xf32>
    %dot_general3A = arith.constant dense<0.000000e+00> : vector<10000x128xf32>
    %dot_general3A_7 = tpu.matmul %get3A_1, %get3A_6, %dot_general3A {dimension_numbers = #tpu.dot_dimension_numbers<[1], [0], [0], [1], [0, 0, 1, 1], [], []>, transpose_lhs_hint = false} : vector<10000x128xf32>, vector<128x128xf32>, vector<10000x128xf32> -> vector<10000x128xf32>
    %swap3A = arith.constant 0 : index
    %swap3A_8 = arith.constant 0 : index
    %swap3A_9 = vector.load %arg4[%swap3A, %swap3A_8] : memref<10000x128xf32, #tpu.memory_space<vmem>>, vector<10000x128xf32>
    tpu.vector_store %arg4[%swap3A, %swap3A_8], %dot_general3A_7 {strides = array<i32>} : memref<10000x128xf32, #tpu.memory_space<vmem>>, vector<10000x128xf32>,
    return
  }
  func.func @transform_0(%arg0: i32, %arg1: i32) -> (i32, i32) {
    %mul3A = arith.constant 2 : i32
    %mul3A_0 = arith.muli %arg0, %mul3A : i32
    %add3A = arith.addi %mul3A_0, %arg1 : i32
    %c0_i32 = arith.constant 0 : i32
    %c0_i32_1 = arith.constant 0 : i32
    return %add3A, %c0_i32 : i32, i32
  }
  func.func @transform_1(%arg0: i32, %arg1: i32) -> (i32, i32, i32) {
    %c0_i32 = arith.constant 0 : i32
    %c0_i32_0 = arith.constant 0 : i32
    %c0_i32_1 = arith.constant 0 : i32
    return %arg0, %c0_i32, %c0_i32_0 : i32, i32, i32
  }
  func.func @transform_2(%arg0: i32, %arg1: i32) -> (i32, i32) {
    %mul3A = arith.constant 2 : i32
    %mul3A_0 = arith.muli %arg0, %mul3A : i32
    %add3A = arith.addi %mul3A_0, %arg1 : i32
    %c0_i32 = arith.constant 0 : i32
    %c0_i32_1 = arith.constant 0 : i32
    return %add3A, %c0_i32 : i32, i32
  }
}

</mosaic_0001>

<sc_bundles>
// kernel: kernel.5.cloned.1.call-start
scs
__scs_entry_jumppad:
0x0: {  	(pc) =	sbr.rel $0x88, $3  }
0x1: {  	(tag) =	ssettag $0x0;
	lr =	simm.s32 $0x1  }
0x2: {  	[smem:$0x3F9C] =	sst lr;
	_ =	strace $0xD0000000  }
0x3: {  	_ = 	snop  }
0x4: {  	_ = 	snop  }
0x5: {  	_ = 	snop  }
0x6: {  	_ = 	snop  }
0x7: {  	_ = 	snop  }
__scs_overlays_trampoline_lowered:
0x8: {  	[smem:$0x3FAB] =	sst s0  }
0x9: {  	[smem:$0x3FAC] =	sst s1  }
0xa: {  	[smem:$0x3FAD] =	sst s2  }
0xb: {  	[smem:$0x3FAE] =	sst s3  }
0xc: {  	[smem:$0x3FAF] =	sst s4  }
0xd: {  	[smem:$0x3FB0] =	sst s5  }
0xe: {  	[smem:$0x3FB1] =	sst s6  }
0xf: {  	[smem:$0x3FB2] =	sst s7  }
0x10: {  	[smem:$0x3FB3] =	sst s8  }
0x11: {  	[smem:$0x3FB4] =	sst s9;
	s0 =	simm.s32 @!p0 $0x0  }
0x12: {  	s1 =	sld [smem:$0x3F9A];
	s0 =	simm.s32 @p0 $0x1  }
0x13: {  	[smem:$0x3FB5] =	sst s0;
	s0 =	simm.s32 @!p1 $0x0  }
0x14: {  	s2 =	sld [smem:$0x3F99];
	s0 =	simm.s32 @p1 $0x1  }
0x15: {  	[smem:$0x3FB6] =	sst s0;
	s0 =	simm.s32 @!p2 $0x0  }
0x16: {  	s3 =	sld [smem:$0x3FDB];
	s0 =	simm.s32 @p2 $0x1  }
0x17: {  	s4 =	simm.s32 $0x1BF5;
	[smem:$0x3FB8] =	sst s0  }
0x18: {  	s0 =	sld [smem:$0x3F9B];
	_ =	swait.ge [sflag:s4], $0x0  }
0x19: {  	s7 =	sld [smem:$0x3F9C]  }
0x1a: {  	s8 =	sadd.s32 $0xFFFFE003, lr  }
0x1b: {  	s9 =	sadd.s32 $0xFFFFFEF7, lr;
	s5 =	simm.s32 $0xFFFFFFFF;
	p2 =	slt.u32 s8, $0xFFFFF086  }
0x1c: {  	p1 =	slt.u32 s9, $0xF7A;
	s5 =	simm.s32 @!p2 $0x0  }
0x1d: {  	s5 =	simm.s32 @p1 $0x1;
	p0 =	seq.s32 s7, s2  }
0x1e: {  	s7 =	smul.u32 @!p0 $0xF7A, s2;
	p2 =	seq.s32 @!p0 s5, $0x0  }
0x1f: {  	s9 =	smul.u32 $0xF7A, s1;
	s8 =	simm.s32 @!p0 $0x1BF5;
	p2 =	por !p2, p0  }
0x20: {  	[sflag:s8] =	ssyncset.s32 @!p0 $0xFFFFF086;
	s6 =	sadd.s32 @!p0 s3, s7;
	s7 =	simm.s32 @!p0 $0x108  }
0x21: {  	s3 =	sadd.s32 s3, s9;
	s6 =	sadd.s32 @!p0 $0x88, s6;
	s7 =	simm.s32 @p2 $0x1082  }
0x22: {  	[simem:s7], [sflag:s8] =	dma.local @!p0 [hbm:s6], $0xF7A  }
0x23: {  	s9 =	sor.u32 $0xD0000000, s2;
	s6 =	simm.s32 $0x108;
	_ =	swait.ge @!p0 [sflag:s8], $0x0  }
0x24: {  	s3 =	sadd.s32 $0x88, s3;
	s6 =	simm.s32 @!p1 $0x1082;
	[sflag:s4] =	ssyncset.s32 $0xFFFFF086  }
0x25: {  	[simem:s6], [sflag:s4] =	dma.local [hbm:s3], $0xF7A  }
0x26: {  	[smem:$0x3F9C] =	sst s1;
	(tag) =	ssettag s2;
	_ =	strace s9  }
0x27: {  	s1 =	sld [smem:$0x3FAC]  }
0x28: {  	s2 =	sld [smem:$0x3FAD]  }
0x29: {  	s4 =	sld [smem:$0x3FAF]  }
0x2a: {  	p0 =	seq.s32 s5, $0x0;
	s5 =	sld [smem:$0x3FB0]  }
0x2b: {  	s6 =	sld [smem:$0x3FB1]  }
0x2c: {  	s7 =	sld [smem:$0x3FB2]  }
0x2d: {  	s3 =	simm.s32 $0x108;
	s8 =	sld [smem:$0x3FB3]  }
0x2e: {  	s3 =	simm.s32 @!p0 $0x1082;
	s9 =	sld [smem:$0x3FB4]  }
0x2f: {  	lr =	sadd.s32 s0, s3;
	s0 =	sld [smem:$0x3FAB]  }
0x30: {  	s3 =	sld [smem:$0x3FAE]  }
0x31: {  	[smem:$0x3FB7] =	sst s10  }
0x32: {  	s10 =	sld [smem:$0x3FB5];
	_ =	sdelay $0x3  }
0x33: {  	p0 =	seq.s32 s10, $0x1;
	s10 =	sld [smem:$0x3FB7];
	_ =	sdelay $0x3  }
0x34: {  	[smem:$0x3FB7] =	sst s10  }
0x35: {  	s10 =	sld [smem:$0x3FB6];
	_ =	sdelay $0x3  }
0x36: {  	p1 =	seq.s32 s10, $0x1;
	s10 =	sld [smem:$0x3FB7];
	_ =	sdelay $0x3  }
0x37: {  	[smem:$0x3FB7] =	sst s10  }
0x38: {  	s10 =	sld [smem:$0x3FB8]  }
0x39: {  	_ = 	snop;
	(pc) =	sbr.ind lr, $3  }
0x3a: {  	_ = 	snop  }
0x3b: {  	_ = 	snop  }
0x3c: {  	p2 =	seq.s32 s10, $0x1;
	s10 =	sld [smem:$0x3FB7]  }
0x3d: {  	_ =	shalt  }
0x3e: {  	_ =	shalt  }
0x3f: {  	_ =	shalt  }
0x40: {  	_ =	shalt  }
0x41: {  	_ =	shalt  }
0x42: {  	_ =	shalt  }
0x43: {  	_ =	shalt  }
0x44: {  	_ =	shalt  }
0x45: {  	_ =	shalt  }
0x46: {  	_ =	shalt  }
0x47: {  	_ =	shalt  }
0x48: {  	_ =	shalt  }
0x49: {  	_ =	shalt  }
0x4a: {  	_ =	shalt  }
0x4b: {  	_ =	shalt  }
0x4c: {  	_ =	shalt  }
0x4d: {  	_ =	shalt  }
0x4e: {  	_ =	shalt  }
0x4f: {  	_ =	shalt  }
0x50: {  	_ =	shalt  }
0x51: {  	_ =	shalt  }
0x52: {  	_ =	shalt  }
0x53: {  	_ =	shalt  }
0x54: {  	_ =	shalt  }
0x55: {  	_ =	shalt  }
0x56: {  	_ =	shalt  }
0x57: {  	_ =	shalt  }
0x58: {  	_ =	shalt  }
0x59: {  	_ =	shalt  }
0x5a: {  	_ =	shalt  }
0x5b: {  	_ =	shalt  }
0x5c: {  	_ =	shalt  }
0x5d: {  	_ =	shalt  }
0x5e: {  	_ =	shalt  }
0x5f: {  	_ =	shalt  }
0x60: {  	_ =	shalt  }
0x61: {  	_ =	shalt  }
0x62: {  	_ =	shalt  }
0x63: {  	_ =	shalt  }
0x64: {  	_ =	shalt  }
0x65: {  	_ =	shalt  }
0x66: {  	_ =	shalt  }
0x67: {  	_ =	shalt  }
0x68: {  	_ =	shalt  }
0x69: {  	_ =	shalt  }
0x6a: {  	_ =	shalt  }
0x6b: {  	_ =	shalt  }
0x6c: {  	_ =	shalt  }
0x6d: {  	_ =	shalt  }
0x6e: {  	_ =	shalt  }
0x6f: {  	_ =	shalt  }
0x70: {  	_ =	shalt  }
0x71: {  	_ =	shalt  }
0x72: {  	_ =	shalt  }
0x73: {  	_ =	shalt  }
0x74: {  	_ =	shalt  }
0x75: {  	_ =	shalt  }
0x76: {  	_ =	shalt  }
0x77: {  	_ =	shalt  }
0x78: {  	_ =	shalt  }
0x79: {  	_ =	shalt  }
0x7a: {  	_ =	shalt  }
0x7b: {  	_ =	shalt  }
0x7c: {  	_ =	shalt  }
0x7d: {  	_ =	shalt  }
0x7e: {  	_ =	shalt  }
0x7f: {  	_ =	shalt  }
0x80: {  	_ =	shalt  }
0x81: {  	_ =	shalt  }
0x82: {  	_ =	shalt  }
0x83: {  	_ =	shalt  }
0x84: {  	_ =	shalt  }
0x85: {  	_ =	shalt  }
0x86: {  	_ =	shalt  }
0x87: {  	_ =	shalt  }
.Lfunc_end0:
.L_simem_size_0:
called_computation_lowered:
.L_overlay_start_0:
0x88: {  	s2 =	sld [smem:$0x3FD9]  }
0x89: {  	s3 =	sld [smem:$0x3FFE];
	_ =	sdelay $0x1  }
0x8a: {  	s1 =	srdreg.scid  }
0x8b: {  	s0 =	sand.u32 $0x1, s1  }
0x8c: {  	s17 =	sshll.u32 s0, $0xA;
	s2 =	sadd.s32 s3, s2  }
0x8d: {  	s2 =	sadd.s32 s2, s17  }
0x8e: {  	[smem:$0x3FC3] =	sst s2  }
0x8f: {  	_ = 	snop  }
0x90: {  	s2 =	sld [smem:$0x3FC9]  }
0x91: {  	s18 =	sld [smem:$0x3FD0];
	(tm) =	ssettm $0x1  }
0x92: {  	s4 =	sld [smem:$0x3FFB];
	_ =	sdelay $0x3  }
0x93: {  	_ =	strace s4  }
0x94: {  	s4 =	sld [smem:$0x3FFC];
	_ =	sdelay $0x3  }
0x95: {  	_ =	strace s4  }
0x96: {  	s4 =	sld [smem:$0x3FFD];
	_ =	sdelay $0x3  }
0x97: {  	_ =	strace s4  }
0x98: {  	_ =	strace $0x8FFFFFFF  }
0x99: {  	s19 =	sld [smem:$0x3FDB];
	_ =	sdelay $0x1  }
0x9a: {  	s5 =	simm.s32 $_scs_section_size  }
0x9b: {  	s6 =	simm.s32 $_size__tile_overlayer_lowered;
	s7 =	simm.s32 $_tile_overlayer_lowered  }
0x9c: {  	s22 =	simm.s32 $0x1BFF;
	s21 =	sshll.u32 s7, $0x1;
	s4 =	sadd.s32 s5, s19  }
0x9d: {  	s8 =	simm.s32 $0x0;
	s20 =	sshll.u32 s6, $0x1;
	s6 =	sadd.s32 s21, s4  }
0x9e: {  	[timem:s8], [sflag:s22] =	dma.local [hbm:s6], s20  }
0x9f: {  	_ =	swait.ge [sflag:s22], s20  }
0xa0: {  	s5 =	ssub.s32 $0x0, s20;
	[sflag:s22] =	ssyncset.done $0x0  }
0xa1: {  	[sflag:s22] =	ssyncadd.s32 s5;
	_ =	sdelay $0x1  }
0xa2: {  	s23 =	simm.s32 $0x1B8B  }
0xa3: {  	_ =	swait.ge [sflag:s23], $0x1  }
0xa4: {  	[sflag:s23] =	ssyncset.done $0x0  }
0xa5: {  	s25 =	simm.s32 $0x1B8E;
	s24 =	sld [smem:$0x3FFE];
	[sflag:s23] =	ssyncadd.s32 $0xFFFFFFFF  }
0xa6: {  	s26 =	simm.s32 $execute0_lowered;
	[smem:$0x3FD2] =	sst s25  }
0xa7: {  	s6 =	sshll.u32 s26, $0x1;
	_ =	strace $0x80000046;
	[dreg:$0x1] =	wrdreg $0xFFFFFFFF  }
0xa8: {  	s28 =	simm.s32 $_size_execute0_lowered;
	s4 =	sadd.s32 s4, s6;
	[dreg:$0x0] =	wrdreg $0x0  }
0xa9: {  	s6 =	sshll.u32 s28, $0x1;
	[dreg:$0x2] =	wrdreg s4  }
0xaa: {  	[dreg:$0x3] =	wrdreg s6  }
0xab: {  	[dreg:$0x4] =	wrdreg $0xC0  }
0xac: {  	_ =	task [dreg:s8], $0x5FFFF  }
0xad: {  	[dreg:$0x1] =	wrdreg $0xFFFFFFFF  }
0xae: {  	[dreg:$0x0] =	wrdreg $0x60  }
0xaf: {  	[dreg:$0x2] =	wrdreg s2  }
0xb0: {  	[dreg:$0x3] =	wrdreg s18  }
0xb1: {  	[dreg:$0x4] =	wrdreg s24  }
0xb2: {  	[dreg:$0x5] =	wrdreg $0x9  }
0xb3: {  	_ =	task.clear_ibuf [dreg:s8], $0x6FFFF;
	_ =	strace $0x90000046  }
0xb4: {  	s29 =	simm.s32 $0x9;
	_ =	strace $0x80000048  }
0xb5: {  	_ =	swait.ge [sflag:s29], $0x1  }
0xb6: {  	[sflag:s29] =	ssyncadd.s32 $0xFFFFFFFF  }
0xb7: {  	_ =	strace $0x90000048  }
0xb8: {  	_ =	sfence  }
0xb9: {  	s30 =	sld [smem:$0x0];
	_ =	sdelay $0x2  }
0xba: {  	s31 =	sshll.u32 s1, $0xD;
	s1 =	sshrl.u32 s1, $0x2  }
0xbb: {  	s3 =	sand.u32 $0x4000, s31;
	s1 =	sadd.s32 s1, s30  }
0xbc: {  	s0 =	sor.u32 s3, s0;
	s1 =	sshll.u32 s1, $0x11  }
0xbd: {  	s0 =	sor.u32 s1, s0  }
0xbe: {  	s0 =	sadd.s32 $0x8F2B, s0  }
0xbf: {  	[sflag:s0] =	ssyncadd.remote.s32 $0x1  }
0xc0: {  	_ =	sfence.sel $0xFFFF  }
0xc1: {  	[dreg:$0x0] =	wrdreg $0xFFFFFFFF;
	(pc) =	sbr.abs _section_cstart, $3  }
0xc2: {  	[dreg:$0x1] =	wrdreg $0xFFFFFFFF  }
0xc3: {  	_ =	task.clear_ibuf [dreg:s8], $0x2FFFF;
	_ =	strace $0x9FFFFFFF  }
0xc4: {  	(tm) =	ssettm $0x7FFFFFFF  }
0xc5: {  	_ =	shalt  }
tec
execute0_lowered:
.L_overlay_start_1:
0x0: {  	(tag) =	ssettag $0x1  }
0x1: {  	s1 =	rddreg [dreg:$0x0]  }
0x2: {  	s4 =	rddreg [dreg:$0x1];
	s2 =	srdreg.scid  }
0x3: {  	s0 =	stileid.u32;
	s5 =	rddreg [dreg:$0x2];
	s3 =	simm.s32 $0x0  }
0x4: {  	s13 =	simm.s32 $0x8200;
	s14 =	simm.s32 $0xC200;
	s15 =	simm.s32 $0x10200  }
0x5: {  	s16 =	simm.s32 $0x14200;
	s17 =	simm.s32 $0x18200;
	s18 =	simm.s32 $0x1  }
0x6: {  	s19 =	simm.s32 $0x2;
	s20 =	simm.s32 $0x3;
	s21 =	simm.s32 $0x4  }
0x7: {  	s22 =	simm.s32 $0x0;
	s6 =	sand.u32 $0x1, s2;
	s7 =	sshll.u32 s0, $0x1  }
0x8: {  	[smem:$0x7FF] =	sst s3;
	s30 =	smul.u32 $0x84000, s0;
	s7 =	sor.u32 s6, s7  }
0x9: {  	s11 =	sadd.s32 $0xC00, s5;
	s8 =	ssub.s32 $0x2, s6;
	s9 =	smul.u32 $0x210000, s7  }
0xa: {  	_ =	strace $0x80000047;
	s10 =	sshrl.u32 s8, $0x1;
	s7 =	smul.u32 $0x4200, s7  }
0xb: {  	s12 =	smul.u32 $0x42000, s6;
	s31 =	sadd.s32 s30, s11;
	s8 =	ssub.s32 s8, s10  }
0xc: {  	s10 =	simm.s32 $0x5;
	s29 =	sshrl.u32 s9, $0x3;
	s7 =	sshrl.u32 s7, $0x3  }
0xd: {  	s8 =	smax.u32 s8, $0x1;
	s9 =	sadd.s32 s11, s29;
	s4 =	sadd.s32 s4, s7  }
0xe: {  	s11 =	simm.s32 $0x80;
	s5 =	sadd.s32 $0x40800, s9;
	s6 =	sadd.s32 $0x41000, s9  }
0xf: {  	s7 =	sadd.s32 $0x41800, s9;
	s9 =	sadd.s32 s12, s31;
	s12 =	simm.s32 $0x4200  }
.LBB2_1:
0x10: {  	[tilespmem:s3], [sflag:$0x5] =	stream.linear.gather [hbm4b:s4+s3], $0x4200, $0x38;
	[tilespmem:$0x1C200] =	vst v63  }
0x11: {  	_ =	swait.ge [sflag:s10], $0x4200  }
0x12: {  	p0 =	por $0x1, $0x1;
	[sflag:s10] =	ssyncset.done $0x0  }
0x13: {  	s23 =	simm.s32 @!p0 $0x3;
	[sflag:s10] =	ssyncadd.s32 $0xFFFFBE00  }
0x14: {  	_ =	swait.ge @!p0 [sflag:s23], $0x4000  }
0x15: {  	[sflag:s23] =	ssyncset.done @!p0 $0x0  }
0x16: {  	[sflag:s23] =	ssyncadd.s32 @!p0 $0xFFFFC000  }
0x17: {  	_ =	swait.ge @!p0 [sflag:s23], $0x4000  }
0x18: {  	[sflag:s23] =	ssyncset.done @!p0 $0x0  }
0x19: {  	[sflag:s23] =	ssyncadd.s32 @!p0 $0xFFFFC000  }
0x1a: {  	_ =	swait.ge @!p0 [sflag:s23], $0x4000  }
0x1b: {  	[sflag:s23] =	ssyncset.done @!p0 $0x0  }
0x1c: {  	s24 =	simm.s32 $0x0;
	[sflag:s23] =	ssyncadd.s32 @!p0 $0xFFFFC000  }
0x1d: {  	[tilespmem:s12], [sflag:$0x1] =	stream.indirect.gather [hbm4b:s1+s11], $0x80, s24, s11, $0xb8;
	[tilespmem:$0x1C200] =	vst v63  }
0x1e: {  	s25 =	simm.s32 $0x80  }
0x1f: {  	[tilespmem:s13], [sflag:$0x1] =	stream.indirect.gather [hbm4b:s1+s11], $0x80, s25, s11, $0xb8;
	[tilespmem:$0x1C200] =	vst v63  }
0x20: {  	s26 =	simm.s32 $0x100;
	s24 =	simm.s32 @!p0 $0x2  }
0x21: {  	[tilespmem:s14], [sflag:$0x1] =	stream.indirect.gather [hbm4b:s1+s11], $0x80, s26, s11, $0xb8;
	[tilespmem:$0x1C200] =	vst v63  }
0x22: {  	_ =	swait.ge @!p0 [sflag:s24], $0x4000  }
0x23: {  	[sflag:s24] =	ssyncset.done @!p0 $0x0  }
0x24: {  	[sflag:s24] =	ssyncadd.s32 @!p0 $0xFFFFC000  }
0x25: {  	_ =	swait.ge @!p0 [sflag:s24], $0x4000  }
0x26: {  	[sflag:s24] =	ssyncset.done @!p0 $0x0  }
0x27: {  	[sflag:s24] =	ssyncadd.s32 @!p0 $0xFFFFC000  }
0x28: {  	s23 =	sadd.s32 @!p0 $0x0, s9;
	_ =	swait.ge @!p0 [sflag:s24], $0x4000  }
0x29: {  	s25 =	sadd.s32 @!p0 $0xFFFFE800, s23;
	[sflag:s24] =	ssyncset.done @!p0 $0x0  }
0x2a: {  	s26 =	simm.s32 @!p0 $0x10200;
	[sflag:s24] =	ssyncadd.s32 @!p0 $0xFFFFC000;
	s24 =	simm.s32 @!p0 $0x0  }
0x2b: {  	[hbm4b:s25+s24] =	stream.linear.scatter @!p0 [tilespmem:s26], [sflag:$0x4], $0x4000, $0x38;
	[tilespmem:$0x1C200] =	vst v63  }
0x2c: {  	s25 =	sadd.s32 @!p0 $0xFFFFF000, s23;
	s26 =	simm.s32 @!p0 $0x14200  }
0x2d: {  	[hbm4b:s25+s24] =	stream.linear.scatter @!p0 [tilespmem:s26], [sflag:$0x4], $0x4000, $0x38;
	[tilespmem:$0x1C200] =	vst v63  }
0x2e: {  	s23 =	sadd.s32 @!p0 $0xFFFFF800, s23;
	s25 =	simm.s32 @!p0 $0x18200;
	s26 =	simm.s32 @!p0 $0x4  }
0x2f: {  	[hbm4b:s23+s24] =	stream.linear.scatter @!p0 [tilespmem:s25], [sflag:$0x4], $0x4000, $0x38;
	[tilespmem:$0x1C200] =	vst v63  }
0x30: {  	_ =	swait.ge @!p0 [sflag:s26], $0x4000  }
0x31: {  	[sflag:s26] =	ssyncset.done @!p0 $0x0  }
0x32: {  	[sflag:s26] =	ssyncadd.s32 @!p0 $0xFFFFC000  }
0x33: {  	_ =	swait.ge @!p0 [sflag:s26], $0x4000  }
0x34: {  	[sflag:s26] =	ssyncset.done @!p0 $0x0  }
0x35: {  	[sflag:s26] =	ssyncadd.s32 @!p0 $0xFFFFC000  }
0x36: {  	s23 =	simm.s32 $0x600;
	_ =	swait.ge @!p0 [sflag:s26], $0x4000  }
0x37: {  	s23 =	simm.s32 @p0 $0x600;
	[sflag:s26] =	ssyncset.done @!p0 $0x0  }
0x38: {  	s23 =	sshra.s32 s23, $0x2;
	[sflag:s26] =	ssyncadd.s32 @!p0 $0xFFFFC000  }
0x39: {  	[tilespmem:s15], [sflag:$0x2] =	stream.indirect.gather [hbm4b:s1+s11], $0x80, s23, s11, $0xb8;
	[tilespmem:$0x1C200] =	vst v63  }
0x3a: {  	s28 =	sadd.s32 $0x80, s23  }
0x3b: {  	[tilespmem:s16], [sflag:$0x2] =	stream.indirect.gather [hbm4b:s1+s11], $0x80, s28, s11, $0xb8;
	[tilespmem:$0x1C200] =	vst v63  }
0x3c: {  	s23 =	sadd.s32 $0x100, s23  }
0x3d: {  	[tilespmem:s17], [sflag:$0x2] =	stream.indirect.gather [hbm4b:s1+s11], $0x80, s23, s11, $0xb8;
	[tilespmem:$0x1C200] =	vst v63  }
0x3e: {  	_ =	swait.ge [sflag:s18], $0x4000  }
0x3f: {  	[sflag:s18] =	ssyncset.done $0x0  }
0x40: {  	[sflag:s18] =	ssyncadd.s32 $0xFFFFC000  }
0x41: {  	_ =	swait.ge [sflag:s18], $0x4000  }
0x42: {  	[sflag:s18] =	ssyncset.done $0x0  }
0x43: {  	[sflag:s18] =	ssyncadd.s32 $0xFFFFC000  }
0x44: {  	s30 =	sadd.s32 $0x0, s9;
	_ =	swait.ge [sflag:s18], $0x4000  }
0x45: {  	s31 =	sadd.s32 $0x800, s30;
	[sflag:s18] =	ssyncset.done $0x0  }
0x46: {  	s29 =	sadd.s32 $0x1000, s30;
	s25 =	simm.s32 $0x6000;
	[sflag:s18] =	ssyncadd.s32 $0xFFFFC000  }
0x47: {  	[hbm4b:s30+s3] =	stream.linear.scatter [tilespmem:s12], [sflag:$0x3], $0x4000, $0x38;
	[tilespmem:$0x1C200] =	vst v63  }
0x48: {  	s24 =	simm.s32 $0x1200;
	p0 =	por $0x0, $0x0;
	s23 =	simm.s32 $0x3000  }
0x49: {  	[hbm4b:s31+s3] =	stream.linear.scatter [tilespmem:s13], [sflag:$0x3], $0x4000, $0x38;
	[tilespmem:$0x1C200] =	vst v63  }
.LBB2_2:
0x4a: {  	s30 =	simm.s32 @!p0 $0x3;
	s31 =	sadd.s32 @!p0 s23, s9;
	s28 =	smov.u32 s24  }
0x4b: {  	s26 =	smov.u32 s23;
	s23 =	smov.u32 s25;
	s28 =	simm.s32 @p0 $0x600  }
0x4c: {  	[hbm4b:s29+s3] =	stream.linear.scatter [tilespmem:s14], [sflag:$0x3], $0x4000, $0x38;
	[tilespmem:$0x1C200] =	vst v63  }
0x4d: {  	s2 =	sadd.s32 @!p0 $0xFFFFF000, s31;
	s29 =	sadd.s32 @!p0 $0xFFFFE800, s31;
	_ =	swait.ge @!p0 [sflag:s30], $0x4000  }
0x4e: {  	s25 =	sadd.s32 $0x3000, s25;
	s31 =	sadd.s32 @!p0 $0xFFFFF800, s31;
	[sflag:s30] =	ssyncset.done @!p0 $0x0  }
0x4f: {  	p1 =	sne.s32 s25, $0x42000;
	[sflag:s30] =	ssyncadd.s32 @!p0 $0xFFFFC000  }
0x50: {  	_ =	swait.ge @!p0 [sflag:s30], $0x4000  }
0x51: {  	[sflag:s30] =	ssyncset.done @!p0 $0x0  }
0x52: {  	[sflag:s30] =	ssyncadd.s32 @!p0 $0xFFFFC000  }
0x53: {  	_ =	swait.ge @!p0 [sflag:s30], $0x4000  }
0x54: {  	s0 =	sshra.s32 s24, $0x2;
	[sflag:s30] =	ssyncset.done @!p0 $0x0  }
0x55: {  	[sflag:s30] =	ssyncadd.s32 @!p0 $0xFFFFC000;
	s30 =	sadd.s32 $0xFFFFFE80, s0  }
0x56: {  	[tilespmem:s12], [sflag:$0x1] =	stream.indirect.gather [hbm4b:s1+s11], $0x80, s30, s11, $0xb8;
	[tilespmem:$0x1C200] =	vst v63  }
0x57: {  	s30 =	sadd.s32 $0xFFFFFF00, s0  }
0x58: {  	[tilespmem:s13], [sflag:$0x1] =	stream.indirect.gather [hbm4b:s1+s11], $0x80, s30, s11, $0xb8;
	[tilespmem:$0x1C200] =	vst v63  }
0x59: {  	s0 =	sadd.s32 $0xFFFFFF80, s0;
	s30 =	simm.s32 @!p0 $0x2  }
0x5a: {  	[tilespmem:s14], [sflag:$0x1] =	stream.indirect.gather [hbm4b:s1+s11], $0x80, s0, s11, $0xb8;
	[tilespmem:$0x1C200] =	vst v63  }
0x5b: {  	_ =	swait.ge @!p0 [sflag:s30], $0x4000  }
0x5c: {  	[sflag:s30] =	ssyncset.done @!p0 $0x0  }
0x5d: {  	[sflag:s30] =	ssyncadd.s32 @!p0 $0xFFFFC000  }
0x5e: {  	_ =	swait.ge @!p0 [sflag:s30], $0x4000  }
0x5f: {  	[sflag:s30] =	ssyncset.done @!p0 $0x0  }
0x60: {  	[sflag:s30] =	ssyncadd.s32 @!p0 $0xFFFFC000  }
0x61: {  	_ =	swait.ge @!p0 [sflag:s30], $0x4000  }
0x62: {  	[sflag:s30] =	ssyncset.done @!p0 $0x0  }
0x63: {  	s0 =	simm.s32 @!p0 $0x0;
	[sflag:s30] =	ssyncadd.s32 @!p0 $0xFFFFC000;
	s30 =	simm.s32 @!p0 $0x10200  }
0x64: {  	[hbm4b:s29+s0] =	stream.linear.scatter @!p0 [tilespmem:s30], [sflag:$0x4], $0x4000, $0x38;
	[tilespmem:$0x1C200] =	vst v63  }
0x65: {  	s29 =	simm.s32 @!p0 $0x14200  }
0x66: {  	[hbm4b:s2+s0] =	stream.linear.scatter @!p0 [tilespmem:s29], [sflag:$0x4], $0x4000, $0x38;
	[tilespmem:$0x1C200] =	vst v63  }
0x67: {  	s2 =	simm.s32 @!p0 $0x18200;
	s29 =	simm.s32 @!p0 $0x4  }
0x68: {  	[hbm4b:s31+s0] =	stream.linear.scatter @!p0 [tilespmem:s2], [sflag:$0x4], $0x4000, $0x38;
	[tilespmem:$0x1C200] =	vst v63  }
0x69: {  	_ =	swait.ge @!p0 [sflag:s29], $0x4000  }
0x6a: {  	[sflag:s29] =	ssyncset.done @!p0 $0x0  }
0x6b: {  	[sflag:s29] =	ssyncadd.s32 @!p0 $0xFFFFC000  }
0x6c: {  	_ =	swait.ge @!p0 [sflag:s29], $0x4000  }
0x6d: {  	[sflag:s29] =	ssyncset.done @!p0 $0x0  }
0x6e: {  	[sflag:s29] =	ssyncadd.s32 @!p0 $0xFFFFC000  }
0x6f: {  	_ =	swait.ge @!p0 [sflag:s29], $0x4000  }
0x70: {  	[sflag:s29] =	ssyncset.done @!p0 $0x0  }
0x71: {  	s0 =	sshra.s32 s28, $0x2;
	[sflag:s29] =	ssyncadd.s32 @!p0 $0xFFFFC000  }
0x72: {  	[tilespmem:s15], [sflag:$0x2] =	stream.indirect.gather [hbm4b:s1+s11], $0x80, s0, s11, $0xb8;
	[tilespmem:$0x1C200] =	vst v63  }
0x73: {  	s2 =	sadd.s32 $0x80, s0  }
0x74: {  	[tilespmem:s16], [sflag:$0x2] =	stream.indirect.gather [hbm4b:s1+s11], $0x80, s2, s11, $0xb8;
	[tilespmem:$0x1C200] =	vst v63  }
0x75: {  	s0 =	sadd.s32 $0x100, s0  }
0x76: {  	[tilespmem:s17], [sflag:$0x2] =	stream.indirect.gather [hbm4b:s1+s11], $0x80, s0, s11, $0xb8;
	[tilespmem:$0x1C200] =	vst v63  }
0x77: {  	_ =	swait.ge [sflag:s18], $0x4000  }
0x78: {  	[sflag:s18] =	ssyncset.done $0x0  }
0x79: {  	[sflag:s18] =	ssyncadd.s32 $0xFFFFC000  }
0x7a: {  	_ =	swait.ge [sflag:s18], $0x4000  }
0x7b: {  	[sflag:s18] =	ssyncset.done $0x0  }
0x7c: {  	[sflag:s18] =	ssyncadd.s32 $0xFFFFC000  }
0x7d: {  	_ =	swait.ge [sflag:s18], $0x4000  }
.Ltmp0:
0x7e: {  	[sflag:s18] =	ssyncset.done $0x0;
	(pc) =	sbr.rel @p1 .LBB2_2-.Ltmp0, $4  }
0x7f: {  	s24 =	sadd.s32 $0xC00, s24;
	s0 =	sadd.s32 s26, s9;
	[sflag:s18] =	ssyncadd.s32 $0xFFFFC000  }
0x80: {  	[hbm4b:s0+s3] =	stream.linear.scatter [tilespmem:s12], [sflag:$0x3], $0x4000, $0x38;
	[tilespmem:$0x1C200] =	vst v63  }
0x81: {  	p0 =	seq.s32 s23, $0x0;
	s2 =	sadd.s32 $0x800, s0;
	s29 =	sadd.s32 $0x1000, s0  }
0x82: {  	[hbm4b:s2+s3] =	stream.linear.scatter [tilespmem:s13], [sflag:$0x3], $0x4000, $0x38;
	[tilespmem:$0x1C200] =	vst v63  }
0x83: {  	s0 =	simm.s32 @!p0 $0x3  }
0x84: {  	[hbm4b:s29+s3] =	stream.linear.scatter [tilespmem:s14], [sflag:$0x3], $0x4000, $0x38;
	[tilespmem:$0x1C200] =	vst v63  }
0x85: {  	_ =	swait.ge @!p0 [sflag:s0], $0x4000  }
0x86: {  	[sflag:s0] =	ssyncset.done @!p0 $0x0  }
0x87: {  	[sflag:s0] =	ssyncadd.s32 @!p0 $0xFFFFC000  }
0x88: {  	_ =	swait.ge @!p0 [sflag:s0], $0x4000  }
0x89: {  	[sflag:s0] =	ssyncset.done @!p0 $0x0  }
0x8a: {  	[sflag:s0] =	ssyncadd.s32 @!p0 $0xFFFFC000  }
0x8b: {  	_ =	swait.ge @!p0 [sflag:s0], $0x4000  }
0x8c: {  	s2 =	sshra.s32 s24, $0x2;
	[sflag:s0] =	ssyncset.done @!p0 $0x0  }
0x8d: {  	s31 =	sadd.s32 $0xFFFFFE80, s2;
	[sflag:s0] =	ssyncadd.s32 @!p0 $0xFFFFC000  }
0x8e: {  	[tilespmem:s12], [sflag:$0x1] =	stream.indirect.gather [hbm4b:s1+s11], $0x80, s31, s11, $0xb8;
	[tilespmem:$0x1C200] =	vst v63  }
0x8f: {  	s25 =	sadd.s32 $0xFFFFFF00, s2  }
0x90: {  	[tilespmem:s13], [sflag:$0x1] =	stream.indirect.gather [hbm4b:s1+s11], $0x80, s25, s11, $0xb8;
	[tilespmem:$0x1C200] =	vst v63  }
0x91: {  	s26 =	sadd.s32 $0xFFFFFF80, s2;
	s2 =	simm.s32 @!p0 $0x2  }
0x92: {  	[tilespmem:s14], [sflag:$0x1] =	stream.indirect.gather [hbm4b:s1+s11], $0x80, s26, s11, $0xb8;
	[tilespmem:$0x1C200] =	vst v63  }
0x93: {  	_ =	swait.ge @!p0 [sflag:s2], $0x4000  }
0x94: {  	[sflag:s2] =	ssyncset.done @!p0 $0x0  }
0x95: {  	[sflag:s2] =	ssyncadd.s32 @!p0 $0xFFFFC000  }
0x96: {  	_ =	swait.ge @!p0 [sflag:s2], $0x4000  }
0x97: {  	[sflag:s2] =	ssyncset.done @!p0 $0x0  }
0x98: {  	[sflag:s2] =	ssyncadd.s32 @!p0 $0xFFFFC000  }
0x99: {  	s0 =	sadd.s32 @!p0 s23, s9;
	_ =	swait.ge @!p0 [sflag:s2], $0x4000  }
0x9a: {  	s25 =	sadd.s32 @!p0 $0xFFFFE800, s0;
	[sflag:s2] =	ssyncset.done @!p0 $0x0  }
0x9b: {  	s26 =	simm.s32 @!p0 $0x10200;
	[sflag:s2] =	ssyncadd.s32 @!p0 $0xFFFFC000;
	s2 =	simm.s32 @!p0 $0x0  }
0x9c: {  	[hbm4b:s25+s2] =	stream.linear.scatter @!p0 [tilespmem:s26], [sflag:$0x4], $0x4000, $0x38;
	[tilespmem:$0x1C200] =	vst v63  }
0x9d: {  	s25 =	sadd.s32 @!p0 $0xFFFFF000, s0;
	s26 =	simm.s32 @!p0 $0x14200  }
0x9e: {  	[hbm4b:s25+s2] =	stream.linear.scatter @!p0 [tilespmem:s26], [sflag:$0x4], $0x4000, $0x38;
	[tilespmem:$0x1C200] =	vst v63  }
0x9f: {  	s0 =	sadd.s32 @!p0 $0xFFFFF800, s0;
	s25 =	simm.s32 @!p0 $0x18200;
	s26 =	simm.s32 @!p0 $0x4  }
0xa0: {  	[hbm4b:s0+s2] =	stream.linear.scatter @!p0 [tilespmem:s25], [sflag:$0x4], $0x4000, $0x38;
	[tilespmem:$0x1C200] =	vst v63  }
0xa1: {  	_ =	swait.ge @!p0 [sflag:s26], $0x4000  }
0xa2: {  	[sflag:s26] =	ssyncset.done @!p0 $0x0  }
0xa3: {  	[sflag:s26] =	ssyncadd.s32 @!p0 $0xFFFFC000  }
0xa4: {  	_ =	swait.ge @!p0 [sflag:s26], $0x4000  }
0xa5: {  	[sflag:s26] =	ssyncset.done @!p0 $0x0  }
0xa6: {  	[sflag:s26] =	ssyncadd.s32 @!p0 $0xFFFFC000  }
0xa7: {  	_ =	swait.ge @!p0 [sflag:s26], $0x4000  }
0xa8: {  	s24 =	simm.s32 @p0 $0x600;
	[sflag:s26] =	ssyncset.done @!p0 $0x0  }
0xa9: {  	s28 =	sshra.s32 s24, $0x2;
	[sflag:s26] =	ssyncadd.s32 @!p0 $0xFFFFC000  }
0xaa: {  	[tilespmem:s15], [sflag:$0x2] =	stream.indirect.gather [hbm4b:s1+s11], $0x80, s28, s11, $0xb8;
	[tilespmem:$0x1C200] =	vst v63  }
0xab: {  	s29 =	sadd.s32 $0x80, s28  }
0xac: {  	[tilespmem:s16], [sflag:$0x2] =	stream.indirect.gather [hbm4b:s1+s11], $0x80, s29, s11, $0xb8;
	[tilespmem:$0x1C200] =	vst v63  }
0xad: {  	s0 =	sadd.s32 $0x100, s28  }
0xae: {  	[tilespmem:s17], [sflag:$0x2] =	stream.indirect.gather [hbm4b:s1+s11], $0x80, s0, s11, $0xb8;
	[tilespmem:$0x1C200] =	vst v63  }
0xaf: {  	_ =	swait.ge [sflag:s18], $0x4000  }
0xb0: {  	[sflag:s18] =	ssyncset.done $0x0  }
0xb1: {  	[sflag:s18] =	ssyncadd.s32 $0xFFFFC000  }
0xb2: {  	_ =	swait.ge [sflag:s18], $0x4000  }
0xb3: {  	[sflag:s18] =	ssyncset.done $0x0  }
0xb4: {  	[sflag:s18] =	ssyncadd.s32 $0xFFFFC000  }
0xb5: {  	_ =	swait.ge [sflag:s18], $0x4000  }
0xb6: {  	[sflag:s18] =	ssyncset.done $0x0  }
0xb7: {  	s30 =	sadd.s32 s23, s9;
	[sflag:s18] =	ssyncadd.s32 $0xFFFFC000  }
0xb8: {  	[hbm4b:s30+s3] =	stream.linear.scatter [tilespmem:s12], [sflag:$0x3], $0x4000, $0x38;
	[tilespmem:$0x1C200] =	vst v63  }
0xb9: {  	s31 =	sadd.s32 $0x800, s30  }
0xba: {  	[hbm4b:s31+s3] =	stream.linear.scatter [tilespmem:s13], [sflag:$0x3], $0x4000, $0x38;
	[tilespmem:$0x1C200] =	vst v63  }
0xbb: {  	s0 =	sadd.s32 $0x1000, s30  }
0xbc: {  	[hbm4b:s0+s3] =	stream.linear.scatter [tilespmem:s14], [sflag:$0x3], $0x4000, $0x38;
	[tilespmem:$0x1C200] =	vst v63  }
0xbd: {  	_ =	swait.ge [sflag:s19], $0x4000  }
0xbe: {  	[sflag:s19] =	ssyncset.done $0x0  }
0xbf: {  	[sflag:s19] =	ssyncadd.s32 $0xFFFFC000  }
0xc0: {  	_ =	swait.ge [sflag:s19], $0x4000  }
0xc1: {  	[sflag:s19] =	ssyncset.done $0x0  }
0xc2: {  	[sflag:s19] =	ssyncadd.s32 $0xFFFFC000  }
0xc3: {  	_ =	swait.ge [sflag:s19], $0x4000  }
0xc4: {  	[sflag:s19] =	ssyncset.done $0x0  }
0xc5: {  	[sflag:s19] =	ssyncadd.s32 $0xFFFFC000  }
0xc6: {  	[hbm4b:s5+s3] =	stream.linear.scatter [tilespmem:s15], [sflag:$0x4], $0x4000, $0x38;
	[tilespmem:$0x1C200] =	vst v63  }
0xc7: {  	_ = 	snop  }
0xc8: {  	[hbm4b:s6+s3] =	stream.linear.scatter [tilespmem:s16], [sflag:$0x4], $0x4000, $0x38;
	[tilespmem:$0x1C200] =	vst v63  }
0xc9: {  	_ = 	snop  }
0xca: {  	[hbm4b:s7+s3] =	stream.linear.scatter [tilespmem:s17], [sflag:$0x4], $0x4000, $0x38;
	[tilespmem:$0x1C200] =	vst v63  }
0xcb: {  	_ =	swait.ge [sflag:s20], $0x4000  }
0xcc: {  	[sflag:s20] =	ssyncset.done $0x0  }
0xcd: {  	[sflag:s20] =	ssyncadd.s32 $0xFFFFC000  }
0xce: {  	_ =	swait.ge [sflag:s20], $0x4000  }
0xcf: {  	[sflag:s20] =	ssyncset.done $0x0  }
0xd0: {  	[sflag:s20] =	ssyncadd.s32 $0xFFFFC000  }
0xd1: {  	_ =	swait.ge [sflag:s20], $0x4000  }
0xd2: {  	[sflag:s20] =	ssyncset.done $0x0  }
0xd3: {  	[sflag:s20] =	ssyncadd.s32 $0xFFFFC000  }
0xd4: {  	_ =	swait.ge [sflag:s21], $0x4000  }
0xd5: {  	[sflag:s21] =	ssyncset.done $0x0  }
0xd6: {  	s22 =	sadd.s32 $0x1, s22;
	[sflag:s21] =	ssyncadd.s32 $0xFFFFC000  }
0xd7: {  	p0 =	sne.s32 s22, s8;
	_ =	swait.ge [sflag:s21], $0x4000  }
.Ltmp1:
0xd8: {  	[sflag:s21] =	ssyncset.done $0x0;
	(pc) =	sbr.rel @p0 .LBB2_1-.Ltmp1, $4  }
0xd9: {  	[sflag:s21] =	ssyncadd.s32 $0xFFFFC000  }
0xda: {  	_ =	swait.ge [sflag:s21], $0x4000  }
0xdb: {  	[sflag:s21] =	ssyncset.done $0x0  }
0xdc: {  	[sflag:s21] =	ssyncadd.s32 $0xFFFFC000  }
0xdd: {  	_ =	sfence.sel $0x180000  }
0xde: {  	[bflag:$0x0] =	sbarrier.arrive $0xFFFF  }
0xdf: {  	_ =	strace $0x90000047  }
0xe0: {  	s0 =	stileid.u32;
	[bflag:$0x2] =	sbarrier.arrive $0xFFFF  }
0xe1: {  	p0 =	sne.s32 s0, $0x0;
	s0 =	rddreg [dreg:$0x3]  }
0xe2: {  	s0 =	sadd.s32 @!p0 $0x100000, s0  }
0xe3: {  	[sflag:s0] =	ssyncadd.tile.s32 @!p0 $0x1;
	_ =	shalt  }
.Lfunc_end2:
_tile_overlayer_lowered:
.L_overlay_start_2:
0xe4: {  	(tag) =	ssettag $0x2  }
0xe5: {  	s0 =	rddreg [dreg:$0x0];
	s2 =	stileid.u32  }
0xe6: {  	s1 =	rddreg [dreg:$0x1];
	p0 =	sne.s32 s2, $0x0  }
0xe7: {  	s3 =	rddreg [dreg:$0x2];
	[bflag:$0x3] =	sbarrier.arrive $0xFFFF;
	s2 =	simm.s32 @!p0 $0x1C05  }
0xe8: {  	[timem:s3], [sflag:s2] =	dma.local @!p0 [hbm:s0], s1  }
0xe9: {  	s0 =	simm.s32 @!p0 $0x5  }
0xea: {  	_ =	swait.ge @!p0 [sflag:s0], s1  }
0xeb: {  	s1 =	ssub.s32 @!p0 $0x0, s1;
	[sflag:s0] =	ssyncset.done @!p0 $0x0  }
0xec: {  	[sflag:s0] =	ssyncadd.s32 @!p0 s1  }
0xed: {  	[bflag:$0x3] =	sbarrier.arrive $0xFFFF  }
0xee: {  	_ =	shalt  }

// kernel: kernel.8.cloned.1.call-start
scs
__scs_entry_jumppad:
0x0: {  	(pc) =	sbr.rel $0x88, $3  }
0x1: {  	(tag) =	ssettag $0x0;
	lr =	simm.s32 $0x1  }
0x2: {  	[smem:$0x3F9C] =	sst lr;
	_ =	strace $0xD0000000  }
0x3: {  	_ = 	snop  }
0x4: {  	_ = 	snop  }
0x5: {  	_ = 	snop  }
0x6: {  	_ = 	snop  }
0x7: {  	_ = 	snop  }
__scs_overlays_trampoline_lowered:
0x8: {  	[smem:$0x3FAB] =	sst s0  }
0x9: {  	[smem:$0x3FAC] =	sst s1  }
0xa: {  	[smem:$0x3FAD] =	sst s2  }
0xb: {  	[smem:$0x3FAE] =	sst s3  }
0xc: {  	[smem:$0x3FAF] =	sst s4  }
0xd: {  	[smem:$0x3FB0] =	sst s5  }
0xe: {  	[smem:$0x3FB1] =	sst s6  }
0xf: {  	[smem:$0x3FB2] =	sst s7  }
0x10: {  	[smem:$0x3FB3] =	sst s8  }
0x11: {  	[smem:$0x3FB4] =	sst s9;
	s0 =	simm.s32 @!p0 $0x0  }
0x12: {  	s1 =	sld [smem:$0x3F9A];
	s0 =	simm.s32 @p0 $0x1  }
0x13: {  	[smem:$0x3FB5] =	sst s0;
	s0 =	simm.s32 @!p1 $0x0  }
0x14: {  	s2 =	sld [smem:$0x3F99];
	s0 =	simm.s32 @p1 $0x1  }
0x15: {  	[smem:$0x3FB6] =	sst s0;
	s0 =	simm.s32 @!p2 $0x0  }
0x16: {  	s3 =	sld [smem:$0x3FDB];
	s0 =	simm.s32 @p2 $0x1  }
0x17: {  	s4 =	simm.s32 $0x1BF5;
	[smem:$0x3FB8] =	sst s0  }
0x18: {  	s0 =	sld [smem:$0x3F9B];
	_ =	swait.ge [sflag:s4], $0x0  }
0x19: {  	s7 =	sld [smem:$0x3F9C]  }
0x1a: {  	s8 =	sadd.s32 $0xFFFFE003, lr  }
0x1b: {  	s9 =	sadd.s32 $0xFFFFFEF7, lr;
	s5 =	simm.s32 $0xFFFFFFFF;
	p2 =	slt.u32 s8, $0xFFFFF086  }
0x1c: {  	p1 =	slt.u32 s9, $0xF7A;
	s5 =	simm.s32 @!p2 $0x0  }
0x1d: {  	s5 =	simm.s32 @p1 $0x1;
	p0 =	seq.s32 s7, s2  }
0x1e: {  	s7 =	smul.u32 @!p0 $0xF7A, s2;
	p2 =	seq.s32 @!p0 s5, $0x0  }
0x1f: {  	s9 =	smul.u32 $0xF7A, s1;
	s8 =	simm.s32 @!p0 $0x1BF5;
	p2 =	por !p2, p0  }
0x20: {  	[sflag:s8] =	ssyncset.s32 @!p0 $0xFFFFF086;
	s6 =	sadd.s32 @!p0 s3, s7;
	s7 =	simm.s32 @!p0 $0x108  }
0x21: {  	s3 =	sadd.s32 s3, s9;
	s6 =	sadd.s32 @!p0 $0x88, s6;
	s7 =	simm.s32 @p2 $0x1082  }
0x22: {  	[simem:s7], [sflag:s8] =	dma.local @!p0 [hbm:s6], $0xF7A  }
0x23: {  	s9 =	sor.u32 $0xD0000000, s2;
	s6 =	simm.s32 $0x108;
	_ =	swait.ge @!p0 [sflag:s8], $0x0  }
0x24: {  	s3 =	sadd.s32 $0x88, s3;
	s6 =	simm.s32 @!p1 $0x1082;
	[sflag:s4] =	ssyncset.s32 $0xFFFFF086  }
0x25: {  	[simem:s6], [sflag:s4] =	dma.local [hbm:s3], $0xF7A  }
0x26: {  	[smem:$0x3F9C] =	sst s1;
	(tag) =	ssettag s2;
	_ =	strace s9  }
0x27: {  	s1 =	sld [smem:$0x3FAC]  }
0x28: {  	s2 =	sld [smem:$0x3FAD]  }
0x29: {  	s4 =	sld [smem:$0x3FAF]  }
0x2a: {  	p0 =	seq.s32 s5, $0x0;
	s5 =	sld [smem:$0x3FB0]  }
0x2b: {  	s6 =	sld [smem:$0x3FB1]  }
0x2c: {  	s7 =	sld [smem:$0x3FB2]  }
0x2d: {  	s3 =	simm.s32 $0x108;
	s8 =	sld [smem:$0x3FB3]  }
0x2e: {  	s3 =	simm.s32 @!p0 $0x1082;
	s9 =	sld [smem:$0x3FB4]  }
0x2f: {  	lr =	sadd.s32 s0, s3;
	s0 =	sld [smem:$0x3FAB]  }
0x30: {  	s3 =	sld [smem:$0x3FAE]  }
0x31: {  	[smem:$0x3FB7] =	sst s10  }
0x32: {  	s10 =	sld [smem:$0x3FB5];
	_ =	sdelay $0x3  }
0x33: {  	p0 =	seq.s32 s10, $0x1;
	s10 =	sld [smem:$0x3FB7];
	_ =	sdelay $0x3  }
0x34: {  	[smem:$0x3FB7] =	sst s10  }
0x35: {  	s10 =	sld [smem:$0x3FB6];
	_ =	sdelay $0x3  }
0x36: {  	p1 =	seq.s32 s10, $0x1;
	s10 =	sld [smem:$0x3FB7];
	_ =	sdelay $0x3  }
0x37: {  	[smem:$0x3FB7] =	sst s10  }
0x38: {  	s10 =	sld [smem:$0x3FB8]  }
0x39: {  	_ = 	snop;
	(pc) =	sbr.ind lr, $3  }
0x3a: {  	_ = 	snop  }
0x3b: {  	_ = 	snop  }
0x3c: {  	p2 =	seq.s32 s10, $0x1;
	s10 =	sld [smem:$0x3FB7]  }
0x3d: {  	_ =	shalt  }
0x3e: {  	_ =	shalt  }
0x3f: {  	_ =	shalt  }
0x40: {  	_ =	shalt  }
0x41: {  	_ =	shalt  }
0x42: {  	_ =	shalt  }
0x43: {  	_ =	shalt  }
0x44: {  	_ =	shalt  }
0x45: {  	_ =	shalt  }
0x46: {  	_ =	shalt  }
0x47: {  	_ =	shalt  }
0x48: {  	_ =	shalt  }
0x49: {  	_ =	shalt  }
0x4a: {  	_ =	shalt  }
0x4b: {  	_ =	shalt  }
0x4c: {  	_ =	shalt  }
0x4d: {  	_ =	shalt  }
0x4e: {  	_ =	shalt  }
0x4f: {  	_ =	shalt  }
0x50: {  	_ =	shalt  }
0x51: {  	_ =	shalt  }
0x52: {  	_ =	shalt  }
0x53: {  	_ =	shalt  }
0x54: {  	_ =	shalt  }
0x55: {  	_ =	shalt  }
0x56: {  	_ =	shalt  }
0x57: {  	_ =	shalt  }
0x58: {  	_ =	shalt  }
0x59: {  	_ =	shalt  }
0x5a: {  	_ =	shalt  }
0x5b: {  	_ =	shalt  }
0x5c: {  	_ =	shalt  }
0x5d: {  	_ =	shalt  }
0x5e: {  	_ =	shalt  }
0x5f: {  	_ =	shalt  }
0x60: {  	_ =	shalt  }
0x61: {  	_ =	shalt  }
0x62: {  	_ =	shalt  }
0x63: {  	_ =	shalt  }
0x64: {  	_ =	shalt  }
0x65: {  	_ =	shalt  }
0x66: {  	_ =	shalt  }
0x67: {  	_ =	shalt  }
0x68: {  	_ =	shalt  }
0x69: {  	_ =	shalt  }
0x6a: {  	_ =	shalt  }
0x6b: {  	_ =	shalt  }
0x6c: {  	_ =	shalt  }
0x6d: {  	_ =	shalt  }
0x6e: {  	_ =	shalt  }
0x6f: {  	_ =	shalt  }
0x70: {  	_ =	shalt  }
0x71: {  	_ =	shalt  }
0x72: {  	_ =	shalt  }
0x73: {  	_ =	shalt  }
0x74: {  	_ =	shalt  }
0x75: {  	_ =	shalt  }
0x76: {  	_ =	shalt  }
0x77: {  	_ =	shalt  }
0x78: {  	_ =	shalt  }
0x79: {  	_ =	shalt  }
0x7a: {  	_ =	shalt  }
0x7b: {  	_ =	shalt  }
0x7c: {  	_ =	shalt  }
0x7d: {  	_ =	shalt  }
0x7e: {  	_ =	shalt  }
0x7f: {  	_ =	shalt  }
0x80: {  	_ =	shalt  }
0x81: {  	_ =	shalt  }
0x82: {  	_ =	shalt  }
0x83: {  	_ =	shalt  }
0x84: {  	_ =	shalt  }
0x85: {  	_ =	shalt  }
0x86: {  	_ =	shalt  }
0x87: {  	_ =	shalt  }
.Lfunc_end0:
.L_simem_size_0:
called_computation.1_lowered:
.L_overlay_start_0:
0x88: {  	s2 =	sld [smem:$0x3FD9]  }
0x89: {  	s3 =	sld [smem:$0x3FFE];
	_ =	sdelay $0x1  }
0x8a: {  	s1 =	srdreg.scid  }
0x8b: {  	s0 =	sand.u32 $0x1, s1  }
0x8c: {  	s17 =	sshll.u32 s0, $0xA;
	s2 =	sadd.s32 s3, s2  }
0x8d: {  	s2 =	sadd.s32 s2, s17  }
0x8e: {  	[smem:$0x3FC3] =	sst s2  }
0x8f: {  	_ = 	snop  }
0x90: {  	s2 =	sld [smem:$0x3FC5];
	(tm) =	ssettm $0x1  }
0x91: {  	s18 =	sld [smem:$0x3FFB];
	_ =	sdelay $0x3  }
0x92: {  	_ =	strace s18  }
0x93: {  	s3 =	sld [smem:$0x3FFC];
	_ =	sdelay $0x3  }
0x94: {  	_ =	strace s3  }
0x95: {  	s3 =	sld [smem:$0x3FFD];
	_ =	sdelay $0x3  }
0x96: {  	_ =	strace s3  }
0x97: {  	_ =	strace $0x8FFFFFFF  }
0x98: {  	s19 =	sld [smem:$0x3FDB];
	_ =	sdelay $0x1  }
0x99: {  	s4 =	simm.s32 $_scs_section_size  }
0x9a: {  	s5 =	simm.s32 $_size__tile_overlayer_lowered;
	s6 =	simm.s32 $_tile_overlayer_lowered  }
0x9b: {  	s22 =	simm.s32 $0x1BFF;
	s21 =	sshll.u32 s6, $0x1;
	s3 =	sadd.s32 s4, s19  }
0x9c: {  	s7 =	simm.s32 $0x0;
	s20 =	sshll.u32 s5, $0x1;
	s5 =	sadd.s32 s21, s3  }
0x9d: {  	[timem:s7], [sflag:s22] =	dma.local [hbm:s5], s20  }
0x9e: {  	_ =	swait.ge [sflag:s22], s20  }
0x9f: {  	s4 =	ssub.s32 $0x0, s20;
	[sflag:s22] =	ssyncset.done $0x0  }
0xa0: {  	[sflag:s22] =	ssyncadd.s32 s4;
	_ =	sdelay $0x1  }
0xa1: {  	s23 =	simm.s32 $0x1B8B  }
0xa2: {  	_ =	swait.ge [sflag:s23], $0x1  }
0xa3: {  	[sflag:s23] =	ssyncset.done $0x0  }
0xa4: {  	s25 =	simm.s32 $0x1B8E;
	s24 =	sld [smem:$0x3FFE];
	[sflag:s23] =	ssyncadd.s32 $0xFFFFFFFF  }
0xa5: {  	s26 =	simm.s32 $execute0_lowered;
	[smem:$0x3FD2] =	sst s25  }
0xa6: {  	s5 =	sshll.u32 s26, $0x1;
	_ =	strace $0x80000049;
	[dreg:$0x1] =	wrdreg $0xFFFFFFFF  }
0xa7: {  	s28 =	simm.s32 $_size_execute0_lowered;
	s3 =	sadd.s32 s3, s5;
	[dreg:$0x0] =	wrdreg $0x0  }
0xa8: {  	s5 =	sshll.u32 s28, $0x1;
	[dreg:$0x2] =	wrdreg s3  }
0xa9: {  	[dreg:$0x3] =	wrdreg s5  }
0xaa: {  	[dreg:$0x4] =	wrdreg $0xC0  }
0xab: {  	_ =	task [dreg:s7], $0x5FFFF  }
0xac: {  	[dreg:$0x1] =	wrdreg $0xFFFFFFFF  }
0xad: {  	[dreg:$0x0] =	wrdreg $0x60  }
0xae: {  	[dreg:$0x2] =	wrdreg s24  }
0xaf: {  	[dreg:$0x3] =	wrdreg s2  }
0xb0: {  	[dreg:$0x4] =	wrdreg $0x74800  }
0xb1: {  	[dreg:$0x5] =	wrdreg $0x9  }
0xb2: {  	_ =	task.clear_ibuf [dreg:s7], $0x6FFFF;
	_ =	strace $0x90000049  }
0xb3: {  	s29 =	simm.s32 $0x9;
	_ =	strace $0x8000004B  }
0xb4: {  	_ =	swait.ge [sflag:s29], $0x1  }
0xb5: {  	[sflag:s29] =	ssyncadd.s32 $0xFFFFFFFF  }
0xb6: {  	_ =	strace $0x9000004B  }
0xb7: {  	_ =	sfence  }
0xb8: {  	s30 =	sld [smem:$0x0];
	_ =	sdelay $0x2  }
0xb9: {  	s31 =	sshll.u32 s1, $0xD;
	s1 =	sshrl.u32 s1, $0x2  }
0xba: {  	s3 =	sand.u32 $0x4000, s31;
	s1 =	sadd.s32 s1, s30  }
0xbb: {  	s0 =	sor.u32 s3, s0;
	s1 =	sshll.u32 s1, $0x11  }
0xbc: {  	s0 =	sor.u32 s1, s0  }
0xbd: {  	s0 =	sadd.s32 $0x8F2B, s0  }
0xbe: {  	[sflag:s0] =	ssyncadd.remote.s32 $0x1  }
0xbf: {  	_ =	sfence.sel $0xFFFF  }
0xc0: {  	[dreg:$0x0] =	wrdreg $0xFFFFFFFF;
	(pc) =	sbr.abs _section_cstart, $3  }
0xc1: {  	[dreg:$0x1] =	wrdreg $0xFFFFFFFF  }
0xc2: {  	_ =	task.clear_ibuf [dreg:s7], $0x2FFFF;
	_ =	strace $0x9FFFFFFF  }
0xc3: {  	(tm) =	ssettm $0x7FFFFFFF  }
tec
execute0_lowered:
.L_overlay_start_1:
0x0: {  	(tag) =	ssettag $0x1  }
0x1: {  	s0 =	rddreg [dreg:$0x0];
	s1 =	simm.s32 $0x0  }
0x2: {  	[smem:$0x7FF] =	sst s1  }
0x3: {  	s2 =	rddreg [dreg:$0x2];
	v0 =	vimm.s32 $0x1;
	_ =	strace $0x8000004A  }
0x4: {  	(xrf0) =	vadd.scan.msk.s32 $0xffff, v0;
	_ =	sdelay $0x5  }
0x5: {  	v0, _, _ =	vpop (xrf0)  }
0x6: {  	(v2sf) =	vpush v0, $0xF;
	_ =	sdelay $0x3  }
0x7: {  	s25 =	srdreg.scid;
	s9 =	stileid.u32;
	s17 =	simm.s32 $0x9  }
0x8: {  	s18 =	simm.s32 $0xD80;
	s19 =	simm.s32 $0x1;
	s20 =	simm.s32 $0x2  }
0x9: {  	s21 =	simm.s32 $0x600;
	s22 =	simm.s32 $0xC00;
	s23 =	simm.s32 $0x40  }
0xa: {  	s24 =	simm.s32 $0x5380;
	s5 =	smul.u32 $0x8400, s9;
	s6 =	sadd.s32 $0x851400, s0  }
0xb: {  	s1 =	sand.u32 $0x1, s25;
	s8 =	smul.u32 $0x62000, s9;
	s7 =	sadd.s32 $0x840C00, s0  }
0xc: {  	s0 =	sadd.s32 $0xC00, s0;
	s31 =	smul.u32 $0x310, s9;
	s25 =	simm.s32 $0x5480  }
0xd: {  	s3 =	ssub.s32 $0x2, s1;
	[dreg:$0x4] =	wrdreg s0;
	s1 =	sshll.u32 s1, $0x2  }
.Ltmp0:
0xe: {  	s4 =	sshrl.u32 s3, $0x1;
	[dreg:$0x5] =	wrdreg s1;
	(pc) =	sbr.rel .LBB2_1-.Ltmp0, $4  }
0xf: {  	s28 =	sshrl.u32 s8, $0x2;
	s29 =	sshrl.u32 s5, $0x3;
	s12 =	sadd.s32 $0xC00, s5  }
0x10: {  	[dreg:$0x7] =	wrdreg s31;
	s26 =	ssub.s32 s3, s4;
	s30 =	sadd.s32 s7, s29  }
0x11: {  	v2 =	vlaneseq.u32;
	v3 =	vimm.s32 $0x0;
	s1 =	simm.s32 $0x0;
	[dreg:$0x6] =	wrdreg s30;
	s0 =	smax.u32 s26, $0x1  }
0x12: {  	v4 =	vimm.s32 $0x3100;
	v2 =	vmul.u32 $0x4000, v2;
	v1 =	vmov s5;
	s10 =	sadd.s32 s28, s2;
	[dreg:$0x8] =	wrdreg s0;
	s13 =	spop (v2sf)  }
.LBB2_33:
0x13: {  	s1 =	rddreg [dreg:$0x9]  }
0x14: {  	s0 =	rddreg [dreg:$0x8];
	s1 =	sadd.s32 $0x1, s1  }
0x15: {  	p0 =	sne.s32 s1, s0  }
.Ltmp1:
0x16: {  	_ = 	snop;
	(pc) =	sbr.rel @!p0 .LBB2_34-.Ltmp1, $1  }
0x17: {  	_ =	sdelay $0x3  }
.LBB2_1:
0x18: {  	[dreg:$0x9] =	wrdreg s1  }
0x19: {  	s0 =	rddreg [dreg:$0x1];
	s31 =	simm.s32 $0x0;
	s3 =	simm.s32 $0xD00  }
0x1a: {  	[tilespmem:s3], [sflag:$0x9] =	stream.linear.gather [hbm4b:s0+s31], $0x80, $0x38;
	[tilespmem:$0x1FD00] =	vst v63  }
0x1b: {  	_ =	swait.ge [sflag:s17], $0x80  }
0x1c: {  	[sflag:s17] =	ssyncset.done $0x0  }
0x1d: {  	[sflag:s17] =	ssyncadd.s32 $0xFFFFFF80  }
0x1e: {  	v5 =	vld [tilespmem:$0xD00]  }
0x1f: {  	v6 =	vld [tilespmem:$0xD10]  }
0x20: {  	v7 =	vld [tilespmem:$0xD20]  }
0x21: {  	v8 =	vld [tilespmem:$0xD30]  }
0x22: {  	v9 =	vld [tilespmem:$0xD40]  }
0x23: {  	v41 =	vld [tilespmem:$0xD00];
	[tilespmem:$0xD80] =	vst v5  }
0x24: {  	v5 =	vld [tilespmem:$0xD50];
	[tilespmem:$0xD90] =	vst v6  }
0x25: {  	v6 =	vld [tilespmem:$0xD60];
	[tilespmem:$0xDA0] =	vst v7  }
0x26: {  	v7 =	vld [tilespmem:$0xD70];
	[tilespmem:$0xDB0] =	vst v8  }
0x27: {  	v42 =	vld [tilespmem:$0xD10];
	[tilespmem:$0xDC0] =	vst v9  }
0x28: {  	v43 =	vld [tilespmem:$0xD50];
	[tilespmem:$0xE00] =	vst v41  }
0x29: {  	[tilespmem:$0xDD0] =	vst v5;
	v5 =	vld [tilespmem:$0xD20]  }
0x2a: {  	[tilespmem:$0xDE0] =	vst v6;
	v6 =	vld [tilespmem:$0xD30]  }
0x2b: {  	[tilespmem:$0xDF0] =	vst v7;
	v7 =	vld [tilespmem:$0xD40]  }
0x2c: {  	v44 =	vld [tilespmem:$0xD60];
	[tilespmem:$0xE10] =	vst v42  }
0x2d: {  	v45 =	vld [tilespmem:$0xD20];
	[tilespmem:$0xE50] =	vst v43  }
0x2e: {  	[tilespmem:$0xE20] =	vst v5;
	v5 =	vld [tilespmem:$0xD70]  }
0x2f: {  	[tilespmem:$0xE30] =	vst v6;
	v6 =	vld [tilespmem:$0xD00]  }
0x30: {  	[tilespmem:$0xE40] =	vst v7;
	v7 =	vld [tilespmem:$0xD10]  }
0x31: {  	v46 =	vld [tilespmem:$0xD30];
	[tilespmem:$0xE60] =	vst v44  }
0x32: {  	v47 =	vld [tilespmem:$0xD70];
	[tilespmem:$0xEA0] =	vst v45  }
0x33: {  	[tilespmem:$0xE70] =	vst v5;
	v5 =	vld [tilespmem:$0xD40]  }
0x34: {  	[tilespmem:$0xE80] =	vst v6;
	v6 =	vld [tilespmem:$0xD50]  }
0x35: {  	[tilespmem:$0xE90] =	vst v7;
	v7 =	vld [tilespmem:$0xD60]  }
0x36: {  	v48 =	vld [tilespmem:$0xD00];
	[tilespmem:$0xEB0] =	vst v46  }
0x37: {  	v49 =	vld [tilespmem:$0xD40];
	[tilespmem:$0xEF0] =	vst v47  }
0x38: {  	[tilespmem:$0xEC0] =	vst v5;
	v5 =	vld [tilespmem:$0xD10]  }
0x39: {  	[tilespmem:$0xED0] =	vst v6;
	v6 =	vld [tilespmem:$0xD20]  }
0x3a: {  	[tilespmem:$0xEE0] =	vst v7;
	v7 =	vld [tilespmem:$0xD30]  }
0x3b: {  	v50 =	vld [tilespmem:$0xD50];
	[tilespmem:$0xF00] =	vst v48  }
0x3c: {  	v51 =	vld [tilespmem:$0xD10];
	[tilespmem:$0xF40] =	vst v49  }
0x3d: {  	[tilespmem:$0xF10] =	vst v5;
	v5 =	vld [tilespmem:$0xD60]  }
0x3e: {  	[tilespmem:$0xF20] =	vst v6;
	v6 =	vld [tilespmem:$0xD70]  }
0x3f: {  	[tilespmem:$0xF30] =	vst v7;
	v7 =	vld [tilespmem:$0xD00]  }
0x40: {  	v52 =	vld [tilespmem:$0xD20];
	[tilespmem:$0xF50] =	vst v50  }
0x41: {  	v53 =	vld [tilespmem:$0xD60];
	[tilespmem:$0xF90] =	vst v51  }
0x42: {  	[tilespmem:$0xF60] =	vst v5;
	v5 =	vld [tilespmem:$0xD30]  }
0x43: {  	[tilespmem:$0xF70] =	vst v6;
	v6 =	vld [tilespmem:$0xD40]  }
0x44: {  	[tilespmem:$0xF80] =	vst v7;
	v7 =	vld [tilespmem:$0xD50]  }
0x45: {  	v54 =	vld [tilespmem:$0xD70];
	[tilespmem:$0xFA0] =	vst v52  }
0x46: {  	v55 =	vld [tilespmem:$0xD30];
	[tilespmem:$0xFE0] =	vst v53  }
0x47: {  	[tilespmem:$0xFB0] =	vst v5;
	v5 =	vld [tilespmem:$0xD00]  }
0x48: {  	[tilespmem:$0xFC0] =	vst v6;
	v6 =	vld [tilespmem:$0xD10]  }
0x49: {  	[tilespmem:$0xFD0] =	vst v7;
	v7 =	vld [tilespmem:$0xD20]  }
0x4a: {  	v56 =	vld [tilespmem:$0xD40];
	[tilespmem:$0xFF0] =	vst v54  }
0x4b: {  	v57 =	vld [tilespmem:$0xD00];
	[tilespmem:$0x1030] =	vst v55  }
0x4c: {  	[tilespmem:$0x1000] =	vst v5;
	v5 =	vld [tilespmem:$0xD50]  }
0x4d: {  	[tilespmem:$0x1010] =	vst v6;
	v6 =	vld [tilespmem:$0xD60]  }
0x4e: {  	[tilespmem:$0x1020] =	vst v7;
	v7 =	vld [tilespmem:$0xD70]  }
0x4f: {  	v58 =	vld [tilespmem:$0xD10];
	[tilespmem:$0x1040] =	vst v56  }
0x50: {  	v59 =	vld [tilespmem:$0xD50];
	[tilespmem:$0x1080] =	vst v57  }
0x51: {  	[tilespmem:$0x1050] =	vst v5;
	v5 =	vld [tilespmem:$0xD20]  }
0x52: {  	[tilespmem:$0x1060] =	vst v6;
	v6 =	vld [tilespmem:$0xD30]  }
0x53: {  	[tilespmem:$0x1070] =	vst v7;
	v7 =	vld [tilespmem:$0xD40]  }
0x54: {  	v60 =	vld [tilespmem:$0xD60];
	[tilespmem:$0x1090] =	vst v58  }
0x55: {  	v61 =	vld [tilespmem:$0xD20];
	[tilespmem:$0x10D0] =	vst v59  }
0x56: {  	[tilespmem:$0x10A0] =	vst v5;
	v5 =	vld [tilespmem:$0xD70]  }
0x57: {  	[tilespmem:$0x10B0] =	vst v6;
	v6 =	vld [tilespmem:$0xD00]  }
0x58: {  	[tilespmem:$0x10C0] =	vst v7;
	v7 =	vld [tilespmem:$0xD10]  }
0x59: {  	v62 =	vld [tilespmem:$0xD30];
	[tilespmem:$0x10E0] =	vst v60  }
0x5a: {  	v63 =	vld [tilespmem:$0xD70];
	[tilespmem:$0x1120] =	vst v61  }
0x5b: {  	[tilespmem:$0x10F0] =	vst v5;
	v5 =	vld [tilespmem:$0xD40]  }
0x5c: {  	[tilespmem:$0x1100] =	vst v6;
	v6 =	vld [tilespmem:$0xD50]  }
0x5d: {  	[tilespmem:$0x1110] =	vst v7;
	v7 =	vld [tilespmem:$0xD60]  }
.Ltmp2:
0x5e: {  	[tilespmem:$0x1130] =	vst v62;
	(pc) =	sbr.rel .LBB2_2-.Ltmp2, $4  }
0x5f: {  	[tilespmem:$0x1170] =	vst v63  }
0x60: {  	[tilespmem:$0x1140] =	vst v5  }
0x61: {  	[tilespmem:$0x1150] =	vst v6  }
0x62: {  	s15 =	simm.s32 $0x0;
	[tilespmem:$0x1160] =	vst v7  }
.LBB2_31:
0x63: {  	_ =	swait.ge [sflag:s0], $0x2000  }
0x64: {  	[sflag:s0] =	ssyncset.done $0x0  }
0x65: {  	[sflag:s0] =	ssyncadd.s32 $0xFFFFE000  }
.LBB2_32:
0x66: {  	s0 =	rddreg [dreg:$0x7];
	[bflag:$0x0] =	sbarrier.arrive $0xFFFF;
	s1 =	stileid.u32  }
0x67: {  	s31 =	sshrl.u32 s10, $0x3;
	s15 =	sadd.s32 $0x1, s15;
	s0 =	sadd.s32 s0, s28  }
0x68: {  	s1 =	sshll.u32 s1, $0x6;
	s3 =	rddreg [dreg:$0x4];
	s0 =	sshll.u32 s0, $0x4  }
0x69: {  	p0 =	sne.s32 s15, $0x4;
	s1 =	sor.u32 $0x1C09, s1;
	s0 =	sadd.s32 s3, s0  }
0x6a: {  	[hbm:s0], [sflag:s1] =	dma.local [spmem:s31], $0x3100  }
.Ltmp3:
0x6b: {  	_ =	swait.ge [sflag:s17], $0x3100;
	(pc) =	sbr.rel @!p0 .LBB2_33-.Ltmp3, $3  }
0x6c: {  	[sflag:s17] =	ssyncset.done $0x0  }
0x6d: {  	[sflag:s17] =	ssyncadd.s32 $0xFFFFCF00  }
0x6e: {  	[bflag:$0x0] =	sbarrier.arrive $0xFFFF;
	_ =	sdelay $0x1  }
.LBB2_2:
0x6f: {  	s0 =	simm.s32 $0x1000;
	s1 =	sadd.s32 $0x0, s10  }
.LBB2_3:
0x70: {  	[spmem:s1] =	stream.linear.scatter [tilespmem:s18], [sflag:$0x1], $0x400, $0x38;
	[tilespmem:$0x1FD00] =	vst v63  }
0x71: {  	s1 =	smov.u32 s0;
	p0 =	sne.s32 s0, $0x61000  }
.Ltmp4:
0x72: {  	s0 =	sadd.s32 $0x1000, s0;
	(pc) =	sbr.rel @p0 .LBB2_3-.Ltmp4, $3  }
0x73: {  	_ =	sdelay $0x1  }
0x74: {  	s1 =	sshra.s32 s1, $0x2  }
0x75: {  	s1 =	sadd.s32 s1, s10  }
0x76: {  	[spmem:s1] =	stream.linear.scatter [tilespmem:s18], [sflag:$0x1], $0x400, $0x38;
	[tilespmem:$0x1FD00] =	vst v63  }
0x77: {  	s0 =	simm.s32 $0x0;
	s31 =	rddreg [dreg:$0x6]  }
0x78: {  	[tilespmem:s0], [sflag:$0x2] =	stream.linear.gather [hbm4b:s31+s0], $0x600, $0x38;
	[tilespmem:$0x1FD00] =	vst v63  }
0x79: {  	_ =	swait.ge [sflag:s19], $0x400  }
0x7a: {  	s0 =	simm.s32 $0x61;
	[sflag:s19] =	ssyncset.done $0x0  }
.LBB2_5:
0x7b: {  	p0 =	sne.s32 s0, $0x1;
	s0 =	sadd.s32 $0xFFFFFFFF, s0;
	[sflag:s19] =	ssyncadd.s32 $0xFFFFFC00  }
.Ltmp5:
0x7c: {  	(pc) =	sbr.rel @p0 .LBB2_5-.Ltmp5, $3  }
0x7d: {  	_ =	sdelay $0x1  }
0x7e: {  	_ =	swait.ge [sflag:s19], $0x400  }
0x7f: {  	[sflag:s19] =	ssyncset.done $0x0  }
0x80: {  	s0 =	rddreg [dreg:$0x5]  }
.Ltmp6:
0x81: {  	s0 =	sadd.s32 s0, s15;
	(pc) =	sbr.rel .LBB2_7-.Ltmp6, $4  }
0x82: {  	s28 =	smul.u32 $0x3100, s0  }
0x83: {  	[sflag:s19] =	ssyncadd.s32 $0xFFFFFC00  }
0x84: {  	[bflag:$0x0] =	sbarrier.arrive $0xFFFF;
	s0 =	sadd.s32 $0x3100, s28  }
0x85: {  	s4 =	simm.s32 $0x0;
	s16 =	simm.s32 $0x0;
	v5 =	vmov s28;
	v6 =	vmov s0;
	s0 =	simm.s32 $0x0  }
.LBB2_19:
0x86: {  	s16 =	sadd.s32 $0x1, s16  }
0x87: {  	p0 =	sne.s32 s16, $0xB  }
.Ltmp7:
0x88: {  	_ = 	snop;
	(pc) =	sbr.rel @!p0 .LBB2_20-.Ltmp7, $1  }
0x89: {  	_ =	sdelay $0x3  }
.LBB2_7:
0x8a: {  	s29 =	smul.u32 $0xC00, s16;
	_ =	sdelay $0x1  }
0x8b: {  	s26 =	sadd.s32 $0x600, s29  }
.Ltmp8:
0x8c: {  	_ =	swait.ge [sflag:s20], $0x600;
	s1 =	sadd.s32 s5, s26;
	(pc) =	sbr.rel .LBB2_8-.Ltmp8, $4  }
0x8d: {  	[sflag:s20] =	ssyncset.done $0x0;
	s1 =	sshrl.u32 s1, $0x3  }
0x8e: {  	[sflag:s20] =	ssyncadd.s32 $0xFFFFFA00;
	s1 =	sadd.s32 s7, s1  }
0x8f: {  	[tilespmem:s21], [sflag:$0x2] =	stream.linear.gather [hbm4b:s1+s0], $0x600, $0x38;
	[tilespmem:$0x1FD00] =	vst v63  }
0x90: {  	s30 =	simm.s32 $0x0;
	s1 =	simm.s32 $0x0  }
.LBB2_11:
0x91: {  	p0 =	slt.s32 s3, $0x1  }
0x92: {  	s8 =	simm.s32 @!p0 $0x4  }
0x93: {  	_ =	swait.ge @!p0 [sflag:s8], $0x2000  }
0x94: {  	s9 =	simm.s32 @!p0 $0x3300;
	s11 =	simm.s32 @!p0 $0x3380;
	[sflag:s8] =	ssyncset.done @!p0 $0x0  }
0x95: {  	p1 =	slt.u32 @!p0 s3, $0x3;
	[sflag:s8] =	ssyncadd.s32 @!p0 $0xFFFFE000;
	s8 =	simm.s32 @!p0 $0x40  }
0x96: {  	[spmem:s2] =	stream.indirect.scatter.add.f32 @!p0 [tilespmem:s11], [sflag:$0x7], $0x80, s9, s8, $0xb8;
	[tilespmem:$0x1FD00] =	vst v63  }
0x97: {  	p0 =	por p1, p0  }
0x98: {  	s3 =	simm.s32 @!p0 $0x8  }
0x99: {  	_ =	swait.ge @!p0 [sflag:s3], $0x2000  }
0x9a: {  	[sflag:s3] =	ssyncset.done @!p0 $0x0  }
0x9b: {  	s31 =	sand.u32 $0xC0, s31;
	[sflag:s3] =	ssyncadd.s32 @!p0 $0xFFFFE000  }
0x9c: {  	v7 =	vld [tilespmem:s31+$0xC00];
	_ =	sdelay $0x4  }
0x9d: {  	v8 =	vshra.s32 v7, $0xE;
	v7 =	vand.u32 $0x3FFF, v7  }
0x9e: {  	v8 =	vadd.s32 v1, v8;
	[tilespmem:$0x5400] =	vst v7  }
0x9f: {  	[tilespmem:$0x5380] =	vst v8  }
0xa0: {  	v7 =	vld [tilespmem:s31+$0xC10];
	_ =	sdelay $0x4  }
0xa1: {  	v8 =	vshra.s32 v7, $0xE;
	v7 =	vand.u32 $0x3FFF, v7  }
0xa2: {  	v8 =	vadd.s32 v1, v8;
	[tilespmem:$0x5410] =	vst v7  }
0xa3: {  	[tilespmem:$0x5390] =	vst v8  }
0xa4: {  	v7 =	vld [tilespmem:s31+$0xC20];
	_ =	sdelay $0x4  }
0xa5: {  	v8 =	vshra.s32 v7, $0xE;
	v7 =	vand.u32 $0x3FFF, v7  }
0xa6: {  	v8 =	vadd.s32 v1, v8;
	[tilespmem:$0x5420] =	vst v7  }
0xa7: {  	[tilespmem:$0x53A0] =	vst v8  }
0xa8: {  	v7 =	vld [tilespmem:s31+$0xC30];
	_ =	sdelay $0x4  }
0xa9: {  	v8 =	vshra.s32 v7, $0xE;
	v7 =	vand.u32 $0x3FFF, v7  }
0xaa: {  	v8 =	vadd.s32 v1, v8;
	[tilespmem:$0x5430] =	vst v7  }
0xab: {  	[tilespmem:$0x53B0] =	vst v8  }
0xac: {  	[tilespmem:s25], [sflag:$0x5] =	stream.indirect.gather [hbm4b:s6+s23], $0x80, s24, s23, $0xb8;
	[tilespmem:$0x1FD00] =	vst v63  }
.LBB2_12:
0xad: {  	s1 =	sadd.s32 $0x10, s1  }
0xae: {  	p0 =	sne.s32 s1, $0x600  }
.Ltmp9:
0xaf: {  	_ = 	snop;
	(pc) =	sbr.rel @!p0 .LBB2_13-.Ltmp9, $2  }
0xb0: {  	_ =	sdelay $0x2  }
0xb1: {  	s30 =	sadd.s32 $0x10, s30  }
.LBB2_8:
0xb2: {  	v7 =	vld [tilespmem:s30+$0x0];
	_ =	sdelay $0x4  }
0xb3: {  	vm0 =	vge.s32 v7, v5;
	vm1 =	vlt.s32 v7, v6  }
0xb4: {  	vm0 =	vmand vm0, vm1  }
0xb5: {  	v8 =	vsel vm0, $0x1, v3  }
0xb6: {  	(xrf0) =	vadd.scan.msk.s32 $0xffff, v8;
	_ =	sdelay $0x5  }
0xb7: {  	v8, _, _ =	vpop (xrf0)  }
0xb8: {  	(v2sf) =	vpush v8, $0xF;
	_ =	sdelay $0xe  }
0xb9: {  	s3 =	sadd.s32 s29, s1;
	s14 =	spop (v2sf)  }
0xba: {  	s31 =	smov.u32 s4;
	s11 =	sadd.s32 $0xFFFFFFFF, s4;
	v9 =	vmov s3;
	s4 =	sadd.s32 s4, s14  }
0xbb: {  	s3 =	sshra.s32 s31, $0x6;
	v9 =	vshll.u32 v9, $0xE;
	v8 =	vadd.s32 s11, v8;
	s8 =	sshra.s32 s4, $0x6  }
0xbc: {  	v9 =	vsub.s32 v9, v5;
	v8 =	vand.u32 $0xFF, v8;
	p0 =	sle.s32 s8, s3  }
.Ltmp10:
0xbd: {  	v9 =	vbroadcast v9, $0x0;
	(pc) =	sbr.rel @p0 .LBB2_12-.Ltmp10, $4  }
0xbe: {  	_ = 	snop  }
0xbf: {  	v7 =	vadd.s32 v7, v9  }
0xc0: {  	v7 =	vadd.s32 v2, v7  }
0xc1: {  	[tilespmem:v8+s22+$0x0] =	vst.idx.msk vm0, v7  }
0xc2: {  	s8 =	smulhi.u32 $0x55555556, s3;
	s9 =	sshra.s32 s3, $0x1F  }
0xc3: {  	s9 =	smul.u32 $0x55555556, s9;
	_ =	sdelay $0x1  }
0xc4: {  	s8 =	sadd.s32 s9, s8  }
0xc5: {  	s9 =	sshrl.u32 s8, $0x1F  }
0xc6: {  	s8 =	sadd.s32 s9, s8  }
0xc7: {  	s8 =	smul.u32 $0x3, s8;
	_ =	sdelay $0x1  }
0xc8: {  	s8 =	ssub.s32 s3, s8  }
0xc9: {  	p0 =	seq.s32 s8, $0x2  }
.Ltmp11:
0xca: {  	_ = 	snop;
	(pc) =	sbr.rel @p0 .LBB2_11-.Ltmp11, $1  }
0xcb: {  	_ =	sdelay $0x3  }
0xcc: {  	p0 =	seq.s32 s8, $0x1  }
0xcd: {  	p1 =	slt.s32 @p0 s3, $0x1  }
0xce: {  	p2 =	por p1, !p0  }
0xcf: {  	s9 =	simm.s32 @!p2 $0x3  }
0xd0: {  	_ =	swait.ge @!p2 [sflag:s9], $0x2000  }
0xd1: {  	s11 =	simm.s32 @!p2 $0x1200;
	[sflag:s9] =	ssyncset.done @!p2 $0x0  }
0xd2: {  	s14 =	simm.s32 @!p2 $0x1280;
	[sflag:s9] =	ssyncadd.s32 @!p2 $0xFFFFE000;
	s9 =	simm.s32 @!p2 $0x40  }
0xd3: {  	[spmem:s2] =	stream.indirect.scatter.add.f32 @!p2 [tilespmem:s14], [sflag:$0x6], $0x80, s11, s9, $0xb8;
	[tilespmem:$0x1FD00] =	vst v63  }
0xd4: {  	p2 =	slt.u32 @!p2 s3, $0x3  }
0xd5: {  	p1 =	por @p0 p2, p1  }
0xd6: {  	p1 =	por p1, !p0  }
0xd7: {  	s9 =	simm.s32 @!p1 $0x7  }
0xd8: {  	_ =	swait.ge @!p1 [sflag:s9], $0x2000  }
0xd9: {  	[sflag:s9] =	ssyncset.done @!p1 $0x0  }
0xda: {  	[sflag:s9] =	ssyncadd.s32 @!p1 $0xFFFFE000;
	s9 =	sand.u32 @p0 $0xC0, s31  }
0xdb: {  	v7 =	vld @p0 [tilespmem:s9+$0xC00];
	_ =	sdelay $0x4  }
0xdc: {  	v8 =	vshra.s32 @p0 v7, $0xE;
	v7 =	vand.u32 @p0 $0x3FFF, v7  }
0xdd: {  	v8 =	vadd.s32 @p0 v1, v8;
	[tilespmem:$0x3300] =	vst @p0 v7  }
0xde: {  	[tilespmem:$0x3280] =	vst @p0 v8  }
0xdf: {  	v7 =	vld @p0 [tilespmem:s9+$0xC10];
	_ =	sdelay $0x4  }
0xe0: {  	v8 =	vshra.s32 @p0 v7, $0xE;
	v7 =	vand.u32 @p0 $0x3FFF, v7  }
0xe1: {  	v8 =	vadd.s32 @p0 v1, v8;
	[tilespmem:$0x3310] =	vst @p0 v7  }
0xe2: {  	[tilespmem:$0x3290] =	vst @p0 v8  }
0xe3: {  	v7 =	vld @p0 [tilespmem:s9+$0xC20];
	_ =	sdelay $0x4  }
0xe4: {  	v8 =	vshra.s32 @p0 v7, $0xE;
	v7 =	vand.u32 @p0 $0x3FFF, v7  }
0xe5: {  	v8 =	vadd.s32 @p0 v1, v8;
	[tilespmem:$0x3320] =	vst @p0 v7  }
0xe6: {  	[tilespmem:$0x32A0] =	vst @p0 v8  }
0xe7: {  	v7 =	vld @p0 [tilespmem:s9+$0xC30];
	_ =	sdelay $0x1  }
0xe8: {  	p2 =	sne.s32 @!p0 s8, $0x0  }
0xe9: {  	p1 =	por p2, p0  }
0xea: {  	p3 =	slt.s32 @!p1 s3, $0x1  }
0xeb: {  	p4 =	por @!p0 p3, p2;
	v8 =	vshra.s32 @p0 v7, $0xE;
	v7 =	vand.u32 @p0 $0x3FFF, v7  }
0xec: {  	s11 =	simm.s32 @p0 $0x3280;
	p4 =	por p4, p0;
	v8 =	vadd.s32 @p0 v1, v8;
	[tilespmem:$0x3330] =	vst @p0 v7  }
0xed: {  	s14 =	simm.s32 @p0 $0x3380;
	s8 =	simm.s32 @!p4 $0x5;
	s9 =	simm.s32 @p0 $0x40;
	[tilespmem:$0x32B0] =	vst @p0 v8  }
0xee: {  	[tilespmem:s14], [sflag:$0x4] =	stream.indirect.gather @p0 [hbm4b:s6+s9], $0x80, s11, s9, $0xb8;
	[tilespmem:$0x1FD00] =	vst v63  }
0xef: {  	_ =	swait.ge @!p4 [sflag:s8], $0x2000  }
0xf0: {  	s9 =	simm.s32 @!p4 $0x5400;
	[sflag:s8] =	ssyncset.done @!p4 $0x0  }
0xf1: {  	s11 =	simm.s32 @!p4 $0x5480;
	[sflag:s8] =	ssyncadd.s32 @!p4 $0xFFFFE000;
	s8 =	simm.s32 @!p4 $0x40  }
0xf2: {  	[spmem:s2] =	stream.indirect.scatter.add.f32 @!p4 [tilespmem:s11], [sflag:$0x8], $0x80, s9, s8, $0xb8;
	[tilespmem:$0x1FD00] =	vst v63  }
0xf3: {  	p4 =	slt.u32 @!p4 s3, $0x3  }
0xf4: {  	p3 =	por @!p1 p4, p3  }
0xf5: {  	p2 =	por @!p0 p3, p2  }
0xf6: {  	p0 =	por p2, p0  }
0xf7: {  	s3 =	simm.s32 @!p0 $0x6  }
0xf8: {  	_ =	swait.ge @!p0 [sflag:s3], $0x2000  }
0xf9: {  	[sflag:s3] =	ssyncset.done @!p0 $0x0  }
0xfa: {  	[sflag:s3] =	ssyncadd.s32 @!p0 $0xFFFFE000;
	s3 =	sand.u32 @!p1 $0xC0, s31  }
0xfb: {  	v7 =	vld @!p1 [tilespmem:s3+$0xC00];
	_ =	sdelay $0x4  }
0xfc: {  	v8 =	vshra.s32 @!p1 v7, $0xE;
	v7 =	vand.u32 @!p1 $0x3FFF, v7  }
0xfd: {  	v8 =	vadd.s32 @!p1 v1, v8;
	[tilespmem:$0x1200] =	vst @!p1 v7  }
0xfe: {  	[tilespmem:$0x1180] =	vst @!p1 v8  }
0xff: {  	v7 =	vld @!p1 [tilespmem:s3+$0xC10];
	_ =	sdelay $0x4  }
0x100: {  	v8 =	vshra.s32 @!p1 v7, $0xE;
	v7 =	vand.u32 @!p1 $0x3FFF, v7  }
0x101: {  	v8 =	vadd.s32 @!p1 v1, v8;
	[tilespmem:$0x1210] =	vst @!p1 v7  }
0x102: {  	[tilespmem:$0x1190] =	vst @!p1 v8  }
0x103: {  	v7 =	vld @!p1 [tilespmem:s3+$0xC20];
	_ =	sdelay $0x4  }
0x104: {  	v8 =	vshra.s32 @!p1 v7, $0xE;
	v7 =	vand.u32 @!p1 $0x3FFF, v7  }
0x105: {  	v8 =	vadd.s32 @!p1 v1, v8;
	[tilespmem:$0x1220] =	vst @!p1 v7  }
0x106: {  	[tilespmem:$0x11A0] =	vst @!p1 v8  }
0x107: {  	v7 =	vld @!p1 [tilespmem:s3+$0xC30];
	_ =	sdelay $0x3  }
.Ltmp12:
0x108: {  	_ = 	snop;
	(pc) =	sbr.rel .LBB2_12-.Ltmp12, $4  }
0x109: {  	v8 =	vshra.s32 @!p1 v7, $0xE;
	v7 =	vand.u32 @!p1 $0x3FFF, v7  }
0x10a: {  	v8 =	vadd.s32 @!p1 v1, v8;
	[tilespmem:$0x1230] =	vst @!p1 v7  }
0x10b: {  	s8 =	simm.s32 @!p1 $0x1180;
	s9 =	simm.s32 @!p1 $0x1280;
	s3 =	simm.s32 @!p1 $0x40;
	[tilespmem:$0x11B0] =	vst @!p1 v8  }
0x10c: {  	[tilespmem:s9], [sflag:$0x3] =	stream.indirect.gather @!p1 [hbm4b:s6+s3], $0x80, s8, s3, $0xb8;
	[tilespmem:$0x1FD00] =	vst v63  }
.LBB2_13:
0x10d: {  	p0 =	seq.s32 s16, $0xA  }
.Ltmp13:
0x10e: {  	_ =	swait.ge [sflag:s20], $0x600;
	s1 =	sadd.s32 @!p0 s29, s12;
	(pc) =	sbr.rel .LBB2_14-.Ltmp13, $4  }
0x10f: {  	[sflag:s20] =	ssyncset.done $0x0;
	s1 =	sshrl.u32 @!p0 s1, $0x3  }
0x110: {  	s3 =	simm.s32 @!p0 $0x0;
	[sflag:s20] =	ssyncadd.s32 $0xFFFFFA00;
	s1 =	sadd.s32 @!p0 s7, s1  }
0x111: {  	[tilespmem:s3], [sflag:$0x2] =	stream.linear.gather @!p0 [hbm4b:s1+s3], $0x600, $0x38;
	[tilespmem:$0x1FD00] =	vst v63  }
0x112: {  	s29 =	simm.s32 $0x0;
	s1 =	simm.s32 $0x600  }
.LBB2_17:
0x113: {  	p0 =	slt.s32 s3, $0x1  }
0x114: {  	s8 =	simm.s32 @!p0 $0x4  }
0x115: {  	_ =	swait.ge @!p0 [sflag:s8], $0x2000  }
0x116: {  	s9 =	simm.s32 @!p0 $0x3300;
	s11 =	simm.s32 @!p0 $0x3380;
	[sflag:s8] =	ssyncset.done @!p0 $0x0  }
0x117: {  	p1 =	slt.u32 @!p0 s3, $0x3;
	[sflag:s8] =	ssyncadd.s32 @!p0 $0xFFFFE000;
	s8 =	simm.s32 @!p0 $0x40  }
0x118: {  	[spmem:s2] =	stream.indirect.scatter.add.f32 @!p0 [tilespmem:s11], [sflag:$0x7], $0x80, s9, s8, $0xb8;
	[tilespmem:$0x1FD00] =	vst v63  }
0x119: {  	p0 =	por p1, p0  }
0x11a: {  	s3 =	simm.s32 @!p0 $0x8  }
0x11b: {  	_ =	swait.ge @!p0 [sflag:s3], $0x2000  }
0x11c: {  	[sflag:s3] =	ssyncset.done @!p0 $0x0  }
0x11d: {  	s31 =	sand.u32 $0xC0, s30;
	[sflag:s3] =	ssyncadd.s32 @!p0 $0xFFFFE000  }
0x11e: {  	v7 =	vld [tilespmem:s31+$0xC00];
	_ =	sdelay $0x4  }
0x11f: {  	v8 =	vshra.s32 v7, $0xE;
	v7 =	vand.u32 $0x3FFF, v7  }
0x120: {  	v8 =	vadd.s32 v1, v8;
	[tilespmem:$0x5400] =	vst v7  }
0x121: {  	[tilespmem:$0x5380] =	vst v8  }
0x122: {  	v7 =	vld [tilespmem:s31+$0xC10];
	_ =	sdelay $0x4  }
0x123: {  	v8 =	vshra.s32 v7, $0xE;
	v7 =	vand.u32 $0x3FFF, v7  }
0x124: {  	v8 =	vadd.s32 v1, v8;
	[tilespmem:$0x5410] =	vst v7  }
0x125: {  	[tilespmem:$0x5390] =	vst v8  }
0x126: {  	v7 =	vld [tilespmem:s31+$0xC20];
	_ =	sdelay $0x4  }
0x127: {  	v8 =	vshra.s32 v7, $0xE;
	v7 =	vand.u32 $0x3FFF, v7  }
0x128: {  	v8 =	vadd.s32 v1, v8;
	[tilespmem:$0x5420] =	vst v7  }
0x129: {  	[tilespmem:$0x53A0] =	vst v8  }
0x12a: {  	v7 =	vld [tilespmem:s31+$0xC30];
	_ =	sdelay $0x4  }
0x12b: {  	v8 =	vshra.s32 v7, $0xE;
	v7 =	vand.u32 $0x3FFF, v7  }
0x12c: {  	v8 =	vadd.s32 v1, v8;
	[tilespmem:$0x5430] =	vst v7  }
0x12d: {  	[tilespmem:$0x53B0] =	vst v8  }
0x12e: {  	[tilespmem:s25], [sflag:$0x5] =	stream.indirect.gather [hbm4b:s6+s23], $0x80, s24, s23, $0xb8;
	[tilespmem:$0x1FD00] =	vst v63  }
.LBB2_18:
0x12f: {  	s29 =	sadd.s32 $0x10, s29  }
0x130: {  	p0 =	sne.s32 s29, $0x600  }
.Ltmp14:
0x131: {  	_ = 	snop;
	(pc) =	sbr.rel @!p0 .LBB2_19-.Ltmp14, $2  }
0x132: {  	_ =	sdelay $0x2  }
0x133: {  	s1 =	sadd.s32 $0x10, s1  }
.LBB2_14:
0x134: {  	v7 =	vld [tilespmem:s1+$0x0];
	_ =	sdelay $0x4  }
0x135: {  	vm0 =	vge.s32 v7, v5;
	vm1 =	vlt.s32 v7, v6  }
0x136: {  	vm0 =	vmand vm0, vm1  }
0x137: {  	v8 =	vsel vm0, $0x1, v3  }
0x138: {  	(xrf0) =	vadd.scan.msk.s32 $0xffff, v8;
	_ =	sdelay $0x5  }
0x139: {  	v8, _, _ =	vpop (xrf0)  }
0x13a: {  	(v2sf) =	vpush v8, $0xF;
	_ =	sdelay $0xe  }
0x13b: {  	s3 =	sadd.s32 s26, s29;
	s31 =	spop (v2sf)  }
0x13c: {  	s30 =	smov.u32 s4;
	s14 =	sadd.s32 $0xFFFFFFFF, s4;
	v9 =	vmov s3;
	s4 =	sadd.s32 s4, s31  }
0x13d: {  	s3 =	sshra.s32 s30, $0x6;
	v9 =	vshll.u32 v9, $0xE;
	v8 =	vadd.s32 s14, v8;
	s8 =	sshra.s32 s4, $0x6  }
0x13e: {  	v9 =	vsub.s32 v9, v5;
	v8 =	vand.u32 $0xFF, v8;
	p0 =	sle.s32 s8, s3  }
.Ltmp15:
0x13f: {  	v9 =	vbroadcast v9, $0x0;
	(pc) =	sbr.rel @p0 .LBB2_18-.Ltmp15, $4  }
0x140: {  	_ = 	snop  }
0x141: {  	v7 =	vadd.s32 v7, v9  }
0x142: {  	v7 =	vadd.s32 v2, v7  }
0x143: {  	[tilespmem:v8+s22+$0x0] =	vst.idx.msk vm0, v7  }
0x144: {  	s8 =	smulhi.u32 $0x55555556, s3;
	s9 =	sshra.s32 s3, $0x1F  }
0x145: {  	s9 =	smul.u32 $0x55555556, s9;
	_ =	sdelay $0x1  }
0x146: {  	s8 =	sadd.s32 s9, s8  }
0x147: {  	s9 =	sshrl.u32 s8, $0x1F  }
0x148: {  	s8 =	sadd.s32 s9, s8  }
0x149: {  	s8 =	smul.u32 $0x3, s8;
	_ =	sdelay $0x1  }
0x14a: {  	s8 =	ssub.s32 s3, s8  }
0x14b: {  	p0 =	seq.s32 s8, $0x2  }
.Ltmp16:
0x14c: {  	_ = 	snop;
	(pc) =	sbr.rel @p0 .LBB2_17-.Ltmp16, $1  }
0x14d: {  	_ =	sdelay $0x3  }
0x14e: {  	p0 =	seq.s32 s8, $0x1  }
0x14f: {  	p1 =	slt.s32 @p0 s3, $0x1  }
0x150: {  	p2 =	por p1, !p0  }
0x151: {  	s9 =	simm.s32 @!p2 $0x3  }
0x152: {  	_ =	swait.ge @!p2 [sflag:s9], $0x2000  }
0x153: {  	s11 =	simm.s32 @!p2 $0x1200;
	[sflag:s9] =	ssyncset.done @!p2 $0x0  }
0x154: {  	s14 =	simm.s32 @!p2 $0x1280;
	[sflag:s9] =	ssyncadd.s32 @!p2 $0xFFFFE000;
	s9 =	simm.s32 @!p2 $0x40  }
0x155: {  	[spmem:s2] =	stream.indirect.scatter.add.f32 @!p2 [tilespmem:s14], [sflag:$0x6], $0x80, s11, s9, $0xb8;
	[tilespmem:$0x1FD00] =	vst v63  }
0x156: {  	p2 =	slt.u32 @!p2 s3, $0x3  }
0x157: {  	p1 =	por @p0 p2, p1  }
0x158: {  	p1 =	por p1, !p0  }
0x159: {  	s9 =	simm.s32 @!p1 $0x7  }
0x15a: {  	_ =	swait.ge @!p1 [sflag:s9], $0x2000  }
0x15b: {  	[sflag:s9] =	ssyncset.done @!p1 $0x0  }
0x15c: {  	[sflag:s9] =	ssyncadd.s32 @!p1 $0xFFFFE000;
	s9 =	sand.u32 @p0 $0xC0, s30  }
0x15d: {  	v7 =	vld @p0 [tilespmem:s9+$0xC00];
	_ =	sdelay $0x4  }
0x15e: {  	v8 =	vshra.s32 @p0 v7, $0xE;
	v7 =	vand.u32 @p0 $0x3FFF, v7  }
0x15f: {  	v8 =	vadd.s32 @p0 v1, v8;
	[tilespmem:$0x3300] =	vst @p0 v7  }
0x160: {  	[tilespmem:$0x3280] =	vst @p0 v8  }
0x161: {  	v7 =	vld @p0 [tilespmem:s9+$0xC10];
	_ =	sdelay $0x4  }
0x162: {  	v8 =	vshra.s32 @p0 v7, $0xE;
	v7 =	vand.u32 @p0 $0x3FFF, v7  }
0x163: {  	v8 =	vadd.s32 @p0 v1, v8;
	[tilespmem:$0x3310] =	vst @p0 v7  }
0x164: {  	[tilespmem:$0x3290] =	vst @p0 v8  }
0x165: {  	v7 =	vld @p0 [tilespmem:s9+$0xC20];
	_ =	sdelay $0x4  }
0x166: {  	v8 =	vshra.s32 @p0 v7, $0xE;
	v7 =	vand.u32 @p0 $0x3FFF, v7  }
0x167: {  	v8 =	vadd.s32 @p0 v1, v8;
	[tilespmem:$0x3320] =	vst @p0 v7  }
0x168: {  	[tilespmem:$0x32A0] =	vst @p0 v8  }
0x169: {  	v7 =	vld @p0 [tilespmem:s9+$0xC30];
	_ =	sdelay $0x1  }
0x16a: {  	p2 =	sne.s32 @!p0 s8, $0x0  }
0x16b: {  	p1 =	por p2, p0  }
0x16c: {  	p3 =	slt.s32 @!p1 s3, $0x1  }
0x16d: {  	p4 =	por @!p0 p3, p2;
	v8 =	vshra.s32 @p0 v7, $0xE;
	v7 =	vand.u32 @p0 $0x3FFF, v7  }
0x16e: {  	s11 =	simm.s32 @p0 $0x3280;
	p4 =	por p4, p0;
	v8 =	vadd.s32 @p0 v1, v8;
	[tilespmem:$0x3330] =	vst @p0 v7  }
0x16f: {  	s14 =	simm.s32 @p0 $0x3380;
	s8 =	simm.s32 @!p4 $0x5;
	s9 =	simm.s32 @p0 $0x40;
	[tilespmem:$0x32B0] =	vst @p0 v8  }
0x170: {  	[tilespmem:s14], [sflag:$0x4] =	stream.indirect.gather @p0 [hbm4b:s6+s9], $0x80, s11, s9, $0xb8;
	[tilespmem:$0x1FD00] =	vst v63  }
0x171: {  	_ =	swait.ge @!p4 [sflag:s8], $0x2000  }
0x172: {  	s9 =	simm.s32 @!p4 $0x5400;
	[sflag:s8] =	ssyncset.done @!p4 $0x0  }
0x173: {  	s11 =	simm.s32 @!p4 $0x5480;
	[sflag:s8] =	ssyncadd.s32 @!p4 $0xFFFFE000;
	s8 =	simm.s32 @!p4 $0x40  }
0x174: {  	[spmem:s2] =	stream.indirect.scatter.add.f32 @!p4 [tilespmem:s11], [sflag:$0x8], $0x80, s9, s8, $0xb8;
	[tilespmem:$0x1FD00] =	vst v63  }
0x175: {  	p4 =	slt.u32 @!p4 s3, $0x3  }
0x176: {  	p3 =	por @!p1 p4, p3  }
0x177: {  	p2 =	por @!p0 p3, p2  }
0x178: {  	p0 =	por p2, p0  }
0x179: {  	s3 =	simm.s32 @!p0 $0x6  }
0x17a: {  	_ =	swait.ge @!p0 [sflag:s3], $0x2000  }
0x17b: {  	[sflag:s3] =	ssyncset.done @!p0 $0x0  }
0x17c: {  	[sflag:s3] =	ssyncadd.s32 @!p0 $0xFFFFE000;
	s3 =	sand.u32 @!p1 $0xC0, s30  }
0x17d: {  	v7 =	vld @!p1 [tilespmem:s3+$0xC00];
	_ =	sdelay $0x4  }
0x17e: {  	v8 =	vshra.s32 @!p1 v7, $0xE;
	v7 =	vand.u32 @!p1 $0x3FFF, v7  }
0x17f: {  	v8 =	vadd.s32 @!p1 v1, v8;
	[tilespmem:$0x1200] =	vst @!p1 v7  }
0x180: {  	[tilespmem:$0x1180] =	vst @!p1 v8  }
0x181: {  	v7 =	vld @!p1 [tilespmem:s3+$0xC10];
	_ =	sdelay $0x4  }
0x182: {  	v8 =	vshra.s32 @!p1 v7, $0xE;
	v7 =	vand.u32 @!p1 $0x3FFF, v7  }
0x183: {  	v8 =	vadd.s32 @!p1 v1, v8;
	[tilespmem:$0x1210] =	vst @!p1 v7  }
0x184: {  	[tilespmem:$0x1190] =	vst @!p1 v8  }
0x185: {  	v7 =	vld @!p1 [tilespmem:s3+$0xC20];
	_ =	sdelay $0x4  }
0x186: {  	v8 =	vshra.s32 @!p1 v7, $0xE;
	v7 =	vand.u32 @!p1 $0x3FFF, v7  }
0x187: {  	v8 =	vadd.s32 @!p1 v1, v8;
	[tilespmem:$0x1220] =	vst @!p1 v7  }
0x188: {  	[tilespmem:$0x11A0] =	vst @!p1 v8  }
0x189: {  	v7 =	vld @!p1 [tilespmem:s3+$0xC30];
	_ =	sdelay $0x3  }
.Ltmp17:
0x18a: {  	_ = 	snop;
	(pc) =	sbr.rel .LBB2_18-.Ltmp17, $4  }
0x18b: {  	v8 =	vshra.s32 @!p1 v7, $0xE;
	v7 =	vand.u32 @!p1 $0x3FFF, v7  }
0x18c: {  	v8 =	vadd.s32 @!p1 v1, v8;
	[tilespmem:$0x1230] =	vst @!p1 v7  }
0x18d: {  	s8 =	simm.s32 @!p1 $0x1180;
	s9 =	simm.s32 @!p1 $0x1280;
	s3 =	simm.s32 @!p1 $0x40;
	[tilespmem:$0x11B0] =	vst @!p1 v8  }
0x18e: {  	[tilespmem:s9], [sflag:$0x3] =	stream.indirect.gather @!p1 [hbm4b:s6+s3], $0x80, s8, s3, $0xb8;
	[tilespmem:$0x1FD00] =	vst v63  }
.LBB2_20:
.Ltmp18:
0x18f: {  	(pc) =	sbr.rel .LBB2_21-.Ltmp18, $2  }
0x190: {  	_ =	sdelay $0x2  }
0x191: {  	s1 =	simm.s32 $0x4  }
.LBB2_24:
0x192: {  	p0 =	slt.s32 s3, $0x1  }
0x193: {  	s8 =	simm.s32 @!p0 $0x4  }
0x194: {  	_ =	swait.ge @!p0 [sflag:s8], $0x2000  }
0x195: {  	s9 =	simm.s32 @!p0 $0x3300;
	s11 =	simm.s32 @!p0 $0x3380;
	[sflag:s8] =	ssyncset.done @!p0 $0x0  }
0x196: {  	p1 =	slt.u32 @!p0 s3, $0x3;
	[sflag:s8] =	ssyncadd.s32 @!p0 $0xFFFFE000;
	s8 =	simm.s32 @!p0 $0x40  }
0x197: {  	[spmem:s2] =	stream.indirect.scatter.add.f32 @!p0 [tilespmem:s11], [sflag:$0x7], $0x80, s9, s8, $0xb8;
	[tilespmem:$0x1FD00] =	vst v63  }
0x198: {  	p0 =	por p1, p0  }
0x199: {  	s3 =	simm.s32 @!p0 $0x8  }
0x19a: {  	_ =	swait.ge @!p0 [sflag:s3], $0x2000  }
0x19b: {  	[sflag:s3] =	ssyncset.done @!p0 $0x0  }
0x19c: {  	s31 =	sand.u32 $0xC0, s16;
	[sflag:s3] =	ssyncadd.s32 @!p0 $0xFFFFE000  }
0x19d: {  	v5 =	vld [tilespmem:s31+$0xC00];
	_ =	sdelay $0x4  }
0x19e: {  	v6 =	vshra.s32 v5, $0xE;
	v5 =	vand.u32 $0x3FFF, v5  }
0x19f: {  	v6 =	vadd.s32 v1, v6;
	[tilespmem:$0x5400] =	vst v5  }
0x1a0: {  	[tilespmem:$0x5380] =	vst v6  }
0x1a1: {  	v5 =	vld [tilespmem:s31+$0xC10];
	_ =	sdelay $0x4  }
0x1a2: {  	v6 =	vshra.s32 v5, $0xE;
	v5 =	vand.u32 $0x3FFF, v5  }
0x1a3: {  	v6 =	vadd.s32 v1, v6;
	[tilespmem:$0x5410] =	vst v5  }
0x1a4: {  	[tilespmem:$0x5390] =	vst v6  }
0x1a5: {  	v5 =	vld [tilespmem:s31+$0xC20];
	_ =	sdelay $0x4  }
0x1a6: {  	v6 =	vshra.s32 v5, $0xE;
	v5 =	vand.u32 $0x3FFF, v5  }
0x1a7: {  	v6 =	vadd.s32 v1, v6;
	[tilespmem:$0x5420] =	vst v5  }
0x1a8: {  	[tilespmem:$0x53A0] =	vst v6  }
0x1a9: {  	v5 =	vld [tilespmem:s31+$0xC30];
	_ =	sdelay $0x4  }
0x1aa: {  	v6 =	vshra.s32 v5, $0xE;
	v5 =	vand.u32 $0x3FFF, v5  }
0x1ab: {  	v6 =	vadd.s32 v1, v6;
	[tilespmem:$0x5430] =	vst v5  }
0x1ac: {  	[tilespmem:$0x53B0] =	vst v6  }
0x1ad: {  	[tilespmem:s25], [sflag:$0x5] =	stream.indirect.gather [hbm4b:s6+s23], $0x80, s24, s23, $0xb8;
	[tilespmem:$0x1FD00] =	vst v63  }
.LBB2_25:
0x1ae: {  	s1 =	sadd.s32 $0xFFFFFFFF, s1  }
0x1af: {  	p0 =	sne.s32 s1, $0x0  }
.Ltmp19:
0x1b0: {  	_ = 	snop;
	(pc) =	sbr.rel @!p0 .LBB2_26-.Ltmp19, $1  }
0x1b1: {  	_ =	sdelay $0x3  }
.LBB2_21:
0x1b2: {  	s16 =	smov.u32 s4;
	s0 =	sadd.s32 $0xFFFFFFFF, s4;
	s4 =	sadd.s32 s13, s4  }
0x1b3: {  	v5 =	vadd.s32 s0, v0;
	s0 =	sshra.s32 s4, $0x6;
	s3 =	sshra.s32 s16, $0x6  }
0x1b4: {  	v5 =	vand.u32 $0xFF, v5;
	p0 =	sle.s32 s0, s3  }
.Ltmp20:
0x1b5: {  	_ = 	snop;
	(pc) =	sbr.rel @p0 .LBB2_25-.Ltmp20, $2  }
0x1b6: {  	_ =	sdelay $0x2  }
0x1b7: {  	[tilespmem:v5+s22+$0x0] =	vst.idx.msk $0xffff, v4  }
0x1b8: {  	s8 =	smulhi.u32 $0x55555556, s3;
	s9 =	sshra.s32 s3, $0x1F  }
0x1b9: {  	s9 =	smul.u32 $0x55555556, s9;
	_ =	sdelay $0x1  }
0x1ba: {  	s8 =	sadd.s32 s9, s8  }
0x1bb: {  	s9 =	sshrl.u32 s8, $0x1F  }
0x1bc: {  	s8 =	sadd.s32 s9, s8  }
0x1bd: {  	s8 =	smul.u32 $0x3, s8;
	_ =	sdelay $0x1  }
0x1be: {  	s8 =	ssub.s32 s3, s8  }
0x1bf: {  	p0 =	seq.s32 s8, $0x2  }
.Ltmp21:
0x1c0: {  	_ = 	snop;
	(pc) =	sbr.rel @p0 .LBB2_24-.Ltmp21, $1  }
0x1c1: {  	_ =	sdelay $0x3  }
0x1c2: {  	p0 =	seq.s32 s8, $0x1  }
0x1c3: {  	p1 =	slt.s32 @p0 s3, $0x1  }
0x1c4: {  	p2 =	por p1, !p0  }
0x1c5: {  	s9 =	simm.s32 @!p2 $0x3  }
0x1c6: {  	_ =	swait.ge @!p2 [sflag:s9], $0x2000  }
0x1c7: {  	s11 =	simm.s32 @!p2 $0x1200;
	[sflag:s9] =	ssyncset.done @!p2 $0x0  }
0x1c8: {  	s14 =	simm.s32 @!p2 $0x1280;
	[sflag:s9] =	ssyncadd.s32 @!p2 $0xFFFFE000;
	s9 =	simm.s32 @!p2 $0x40  }
0x1c9: {  	[spmem:s2] =	stream.indirect.scatter.add.f32 @!p2 [tilespmem:s14], [sflag:$0x6], $0x80, s11, s9, $0xb8;
	[tilespmem:$0x1FD00] =	vst v63  }
0x1ca: {  	p2 =	slt.u32 @!p2 s3, $0x3  }
0x1cb: {  	p1 =	por @p0 p2, p1  }
0x1cc: {  	p1 =	por p1, !p0  }
0x1cd: {  	s9 =	simm.s32 @!p1 $0x7  }
0x1ce: {  	_ =	swait.ge @!p1 [sflag:s9], $0x2000  }
0x1cf: {  	[sflag:s9] =	ssyncset.done @!p1 $0x0  }
0x1d0: {  	[sflag:s9] =	ssyncadd.s32 @!p1 $0xFFFFE000;
	s9 =	sand.u32 @p0 $0xC0, s16  }
0x1d1: {  	v5 =	vld @p0 [tilespmem:s9+$0xC00];
	_ =	sdelay $0x4  }
0x1d2: {  	v6 =	vshra.s32 @p0 v5, $0xE;
	v5 =	vand.u32 @p0 $0x3FFF, v5  }
0x1d3: {  	v6 =	vadd.s32 @p0 v1, v6;
	[tilespmem:$0x3300] =	vst @p0 v5  }
0x1d4: {  	[tilespmem:$0x3280] =	vst @p0 v6  }
0x1d5: {  	v5 =	vld @p0 [tilespmem:s9+$0xC10];
	_ =	sdelay $0x4  }
0x1d6: {  	v6 =	vshra.s32 @p0 v5, $0xE;
	v5 =	vand.u32 @p0 $0x3FFF, v5  }
0x1d7: {  	v6 =	vadd.s32 @p0 v1, v6;
	[tilespmem:$0x3310] =	vst @p0 v5  }
0x1d8: {  	[tilespmem:$0x3290] =	vst @p0 v6  }
0x1d9: {  	v5 =	vld @p0 [tilespmem:s9+$0xC20];
	_ =	sdelay $0x4  }
0x1da: {  	v6 =	vshra.s32 @p0 v5, $0xE;
	v5 =	vand.u32 @p0 $0x3FFF, v5  }
0x1db: {  	v6 =	vadd.s32 @p0 v1, v6;
	[tilespmem:$0x3320] =	vst @p0 v5  }
0x1dc: {  	[tilespmem:$0x32A0] =	vst @p0 v6  }
0x1dd: {  	v5 =	vld @p0 [tilespmem:s9+$0xC30];
	_ =	sdelay $0x1  }
0x1de: {  	p2 =	sne.s32 @!p0 s8, $0x0  }
0x1df: {  	p1 =	por p2, p0  }
0x1e0: {  	p3 =	slt.s32 @!p1 s3, $0x1  }
0x1e1: {  	p4 =	por @!p0 p3, p2;
	v6 =	vshra.s32 @p0 v5, $0xE;
	v5 =	vand.u32 @p0 $0x3FFF, v5  }
0x1e2: {  	s11 =	simm.s32 @p0 $0x3280;
	p4 =	por p4, p0;
	v6 =	vadd.s32 @p0 v1, v6;
	[tilespmem:$0x3330] =	vst @p0 v5  }
0x1e3: {  	s14 =	simm.s32 @p0 $0x3380;
	s8 =	simm.s32 @!p4 $0x5;
	s9 =	simm.s32 @p0 $0x40;
	[tilespmem:$0x32B0] =	vst @p0 v6  }
0x1e4: {  	[tilespmem:s14], [sflag:$0x4] =	stream.indirect.gather @p0 [hbm4b:s6+s9], $0x80, s11, s9, $0xb8;
	[tilespmem:$0x1FD00] =	vst v63  }
0x1e5: {  	_ =	swait.ge @!p4 [sflag:s8], $0x2000  }
0x1e6: {  	s9 =	simm.s32 @!p4 $0x5400;
	[sflag:s8] =	ssyncset.done @!p4 $0x0  }
0x1e7: {  	s11 =	simm.s32 @!p4 $0x5480;
	[sflag:s8] =	ssyncadd.s32 @!p4 $0xFFFFE000;
	s8 =	simm.s32 @!p4 $0x40  }
0x1e8: {  	[spmem:s2] =	stream.indirect.scatter.add.f32 @!p4 [tilespmem:s11], [sflag:$0x8], $0x80, s9, s8, $0xb8;
	[tilespmem:$0x1FD00] =	vst v63  }
0x1e9: {  	p4 =	slt.u32 @!p4 s3, $0x3  }
0x1ea: {  	p3 =	por @!p1 p4, p3  }
0x1eb: {  	p2 =	por @!p0 p3, p2  }
0x1ec: {  	p0 =	por p2, p0  }
0x1ed: {  	s3 =	simm.s32 @!p0 $0x6  }
0x1ee: {  	_ =	swait.ge @!p0 [sflag:s3], $0x2000  }
0x1ef: {  	[sflag:s3] =	ssyncset.done @!p0 $0x0  }
0x1f0: {  	[sflag:s3] =	ssyncadd.s32 @!p0 $0xFFFFE000;
	s3 =	sand.u32 @!p1 $0xC0, s16  }
0x1f1: {  	v5 =	vld @!p1 [tilespmem:s3+$0xC00];
	_ =	sdelay $0x4  }
0x1f2: {  	v6 =	vshra.s32 @!p1 v5, $0xE;
	v5 =	vand.u32 @!p1 $0x3FFF, v5  }
0x1f3: {  	v6 =	vadd.s32 @!p1 v1, v6;
	[tilespmem:$0x1200] =	vst @!p1 v5  }
0x1f4: {  	[tilespmem:$0x1180] =	vst @!p1 v6  }
0x1f5: {  	v5 =	vld @!p1 [tilespmem:s3+$0xC10];
	_ =	sdelay $0x4  }
0x1f6: {  	v6 =	vshra.s32 @!p1 v5, $0xE;
	v5 =	vand.u32 @!p1 $0x3FFF, v5  }
0x1f7: {  	v6 =	vadd.s32 @!p1 v1, v6;
	[tilespmem:$0x1210] =	vst @!p1 v5  }
0x1f8: {  	[tilespmem:$0x1190] =	vst @!p1 v6  }
0x1f9: {  	v5 =	vld @!p1 [tilespmem:s3+$0xC20];
	_ =	sdelay $0x4  }
0x1fa: {  	v6 =	vshra.s32 @!p1 v5, $0xE;
	v5 =	vand.u32 @!p1 $0x3FFF, v5  }
0x1fb: {  	v6 =	vadd.s32 @!p1 v1, v6;
	[tilespmem:$0x1220] =	vst @!p1 v5  }
0x1fc: {  	[tilespmem:$0x11A0] =	vst @!p1 v6  }
0x1fd: {  	v5 =	vld @!p1 [tilespmem:s3+$0xC30];
	_ =	sdelay $0x3  }
.Ltmp22:
0x1fe: {  	_ = 	snop;
	(pc) =	sbr.rel .LBB2_25-.Ltmp22, $4  }
0x1ff: {  	v6 =	vshra.s32 @!p1 v5, $0xE;
	v5 =	vand.u32 @!p1 $0x3FFF, v5  }
0x200: {  	v6 =	vadd.s32 @!p1 v1, v6;
	[tilespmem:$0x1230] =	vst @!p1 v5  }
0x201: {  	s8 =	simm.s32 @!p1 $0x1180;
	s9 =	simm.s32 @!p1 $0x1280;
	s3 =	simm.s32 @!p1 $0x40;
	[tilespmem:$0x11B0] =	vst @!p1 v6  }
0x202: {  	[tilespmem:s9], [sflag:$0x3] =	stream.indirect.gather @!p1 [hbm4b:s6+s3], $0x80, s8, s3, $0xb8;
	[tilespmem:$0x1FD00] =	vst v63  }
.LBB2_26:
0x203: {  	s1 =	sadd.s32 $0xFFFFFFFF, s0  }
0x204: {  	s3 =	smulhi.u32 $0x55555556, s1;
	s4 =	sshra.s32 s1, $0x1F  }
0x205: {  	s4 =	smul.u32 $0x55555556, s4;
	_ =	sdelay $0x1  }
0x206: {  	s3 =	sadd.s32 s4, s3  }
0x207: {  	s4 =	sshrl.u32 s3, $0x1F  }
0x208: {  	s3 =	sadd.s32 s4, s3  }
0x209: {  	s3 =	smul.u32 $0x3, s3;
	_ =	sdelay $0x1  }
0x20a: {  	s1 =	ssub.s32 s1, s3  }
0x20b: {  	p0 =	seq.s32 s1, $0x2  }
.Ltmp23:
0x20c: {  	_ = 	snop;
	(pc) =	sbr.rel @p0 .LBB2_30-.Ltmp23, $1  }
0x20d: {  	_ =	sdelay $0x3  }
0x20e: {  	p0 =	seq.s32 s1, $0x1  }
.Ltmp24:
0x20f: {  	_ = 	snop;
	(pc) =	sbr.rel @p0 .LBB2_29-.Ltmp24, $1  }
0x210: {  	_ =	sdelay $0x3  }
0x211: {  	p0 =	sne.s32 s1, $0x0  }
0x212: {  	s1 =	simm.s32 @!p0 $0x3  }
0x213: {  	_ =	swait.ge @!p0 [sflag:s1], $0x2000  }
0x214: {  	s3 =	simm.s32 @!p0 $0x1200;
	[sflag:s1] =	ssyncset.done @!p0 $0x0  }
0x215: {  	s4 =	simm.s32 @!p0 $0x1280;
	[sflag:s1] =	ssyncadd.s32 @!p0 $0xFFFFE000;
	s1 =	simm.s32 @!p0 $0x40  }
0x216: {  	[spmem:s2] =	stream.indirect.scatter.add.f32 @!p0 [tilespmem:s4], [sflag:$0x6], $0x80, s3, s1, $0xb8;
	[tilespmem:$0x1FD00] =	vst v63  }
0x217: {  	s1 =	simm.s32 @!p0 $0x6  }
0x218: {  	p1 =	slt.s32 @!p0 s0, $0x2;
	_ =	swait.ge @!p0 [sflag:s1], $0x2000  }
0x219: {  	p1 =	por p0, p1;
	[sflag:s1] =	ssyncset.done @!p0 $0x0  }
0x21a: {  	[sflag:s1] =	ssyncadd.s32 @!p0 $0xFFFFE000;
	p0 =	seq.s32 @!p1 s0, $0x2  }
0x21b: {  	p0 =	por p1, p0  }
.Ltmp25:
0x21c: {  	_ = 	snop;
	(pc) =	sbr.rel @p0 .LBB2_32-.Ltmp25, $4  }
.Ltmp26:
0x21d: {  	s1 =	simm.s32 @!p1 $0x8;
	(pc) =	sbr.rel @!p0 .LBB2_31-.Ltmp26, $4  }
0x21e: {  	_ =	swait.ge @!p1 [sflag:s1], $0x2000  }
0x21f: {  	[sflag:s1] =	ssyncset.done @!p1 $0x0  }
0x220: {  	s0 =	simm.s32 @!p1 $0x7;
	[sflag:s1] =	ssyncadd.s32 @!p1 $0xFFFFE000  }
0x221: {  	_ = 	snop  }
.LBB2_29:
0x222: {  	s1 =	simm.s32 $0x4  }
0x223: {  	s30 =	simm.s32 $0x3300;
	_ =	swait.ge [sflag:s1], $0x2000  }
0x224: {  	s3 =	simm.s32 $0x3380;
	p0 =	slt.s32 s0, $0x2;
	[sflag:s1] =	ssyncset.done $0x0  }
0x225: {  	s31 =	simm.s32 $0x7;
	p1 =	seq.s32 @!p0 s0, $0x2;
	[sflag:s1] =	ssyncadd.s32 $0xFFFFE000  }
0x226: {  	[spmem:s2] =	stream.indirect.scatter.add.f32 [tilespmem:s3], [sflag:$0x7], $0x80, s30, s23, $0xb8;
	[tilespmem:$0x1FD00] =	vst v63  }
0x227: {  	p1 =	por p0, p1;
	_ =	swait.ge [sflag:s31], $0x2000  }
.Ltmp27:
0x228: {  	[sflag:s31] =	ssyncset.done $0x0;
	(pc) =	sbr.rel @p1 .LBB2_32-.Ltmp27, $4  }
.Ltmp28:
0x229: {  	s1 =	simm.s32 @!p0 $0x6;
	[sflag:s31] =	ssyncadd.s32 $0xFFFFE000;
	(pc) =	sbr.rel @!p1 .LBB2_31-.Ltmp28, $4  }
0x22a: {  	_ =	swait.ge @!p0 [sflag:s1], $0x2000  }
0x22b: {  	[sflag:s1] =	ssyncset.done @!p0 $0x0  }
0x22c: {  	s0 =	simm.s32 @!p0 $0x8;
	[sflag:s1] =	ssyncadd.s32 @!p0 $0xFFFFE000  }
0x22d: {  	_ = 	snop  }
.LBB2_30:
0x22e: {  	s1 =	simm.s32 $0x5  }
0x22f: {  	_ =	swait.ge [sflag:s1], $0x2000  }
0x230: {  	s30 =	simm.s32 $0x5400;
	p0 =	slt.s32 s0, $0x2;
	[sflag:s1] =	ssyncset.done $0x0  }
0x231: {  	s31 =	simm.s32 $0x8;
	p1 =	seq.s32 @!p0 s0, $0x2;
	[sflag:s1] =	ssyncadd.s32 $0xFFFFE000  }
0x232: {  	[spmem:s2] =	stream.indirect.scatter.add.f32 [tilespmem:s25], [sflag:$0x8], $0x80, s30, s23, $0xb8;
	[tilespmem:$0x1FD00] =	vst v63  }
0x233: {  	p1 =	por p0, p1;
	_ =	swait.ge [sflag:s31], $0x2000  }
.Ltmp29:
0x234: {  	[sflag:s31] =	ssyncset.done $0x0;
	(pc) =	sbr.rel @p1 .LBB2_32-.Ltmp29, $4  }
.Ltmp30:
0x235: {  	s1 =	simm.s32 @!p0 $0x7;
	[sflag:s31] =	ssyncadd.s32 $0xFFFFE000;
	(pc) =	sbr.rel @!p1 .LBB2_31-.Ltmp30, $4  }
0x236: {  	_ =	swait.ge @!p0 [sflag:s1], $0x2000  }
0x237: {  	[sflag:s1] =	ssyncset.done @!p0 $0x0  }
0x238: {  	s0 =	simm.s32 @!p0 $0x6;
	[sflag:s1] =	ssyncadd.s32 @!p0 $0xFFFFE000  }
0x239: {  	_ = 	snop  }
.LBB2_34:
0x23a: {  	_ =	sfence.sel $0x180000  }
0x23b: {  	[bflag:$0x0] =	sbarrier.arrive $0xFFFF  }
0x23c: {  	_ =	strace $0x9000004A  }
0x23d: {  	s0 =	stileid.u32;
	[bflag:$0x2] =	sbarrier.arrive $0xFFFF  }
0x23e: {  	p0 =	sne.s32 s0, $0x0;
	s0 =	rddreg [dreg:$0x3]  }
0x23f: {  	s0 =	sadd.s32 @!p0 $0x100000, s0  }
0x240: {  	[sflag:s0] =	ssyncadd.tile.s32 @!p0 $0x1;
	_ =	shalt  }
.Lfunc_end2:
_tile_overlayer_lowered:
.L_overlay_start_2:
0x241: {  	(tag) =	ssettag $0x2  }
0x242: {  	s0 =	rddreg [dreg:$0x0];
	s2 =	stileid.u32  }
0x243: {  	s1 =	rddreg [dreg:$0x1];
	p0 =	sne.s32 s2, $0x0  }
0x244: {  	s3 =	rddreg [dreg:$0x2];
	[bflag:$0x3] =	sbarrier.arrive $0xFFFF;
	s2 =	simm.s32 @!p0 $0x1C09  }
0x245: {  	[timem:s3], [sflag:s2] =	dma.local @!p0 [hbm:s0], s1  }
0x246: {  	s0 =	simm.s32 @!p0 $0x9  }
0x247: {  	_ =	swait.ge @!p0 [sflag:s0], s1  }
0x248: {  	s1 =	ssub.s32 @!p0 $0x0, s1;
	[sflag:s0] =	ssyncset.done @!p0 $0x0  }
0x249: {  	[sflag:s0] =	ssyncadd.s32 @!p0 s1  }
0x24a: {  	[bflag:$0x3] =	sbarrier.arrive $0xFFFF  }
0x24b: {  	_ =	shalt  }

</sc_bundles>
